<compile_context>
chip_gen: v7x
topology: tpu7x:2x2x1
jax: 0.10.2.dev20260603
libtpu: 0.0.44.dev20260713+nightly
codegen_flags: <defaults>
</compile_context>

<pallas_src>
import jax
import jax.numpy as jnp
from jax import lax
from jax.experimental import pallas as pl
from jax.experimental.pallas import tpu as pltpu
from jax.experimental.pallas import tpu_sc as plsc

_B, _Q, _T = 64, 1024, 1024
_NC, _NS = 2, 16
_NW = _NC * _NS
_SPW = _B // _NW


def _gather16(x, idxs):
    dn = lax.GatherDimensionNumbers(offset_dims=(),
                                    collapsed_slice_dims=(0,),
                                    start_index_map=(0,))
    return lax.gather(x, idxs[:, None], dn, slice_sizes=(1,),
                      mode=lax.GatherScatterMode.PROMISE_IN_BOUNDS)


def _sc_compact_kernel(p0x_hbm, p0y_hbm, mkf_hbm, gxc_hbm, gyc_hbm, cnt_hbm,
                       px_v, py_v, mk_v, gxc_v, gyc_v, cnt_v):
    wid = lax.axis_index("c") * _NS + lax.axis_index("s")

    def per_sample(i, carry):
        b = wid * _SPW + i
        pltpu.sync_copy(p0x_hbm.at[b], px_v)
        pltpu.sync_copy(p0y_hbm.at[b], py_v)
        pltpu.sync_copy(mkf_hbm.at[b], mk_v)
        ones = jnp.ones((16,), dtype=jnp.int32)
        zeros16 = jnp.zeros((16,), dtype=jnp.int32)
        li = lax.iota(jnp.int32, 16)

        def chunk(j, cur_vec):
            sl = pl.ds(j * 16, 16)
            m = mk_v[sl] > 0.0
            mi = jnp.where(m, ones, zeros16)
            pos = mi
            for sh in (1, 2, 4, 8):
                shifted = _gather16(pos, jnp.maximum(li - sh, 0))
                pos = pos + jnp.where(li >= sh, shifted, zeros16)
            idx = pos - ones + cur_vec
            plsc.store_scatter(gxc_v, [idx], px_v[sl], mask=m)
            plsc.store_scatter(gyc_v, [idx], py_v[sl], mask=m)
            return cur_vec + plsc.all_reduce_population_count(m)

        cur_vec = lax.fori_loop(0, _T // 16, chunk,
                                jnp.zeros((16,), dtype=jnp.int32))
        cnt_v[...] = cur_vec
        pltpu.sync_copy(gxc_v, gxc_hbm.at[b])
        pltpu.sync_copy(gyc_v, gyc_hbm.at[b])
        pltpu.sync_copy(cnt_v, cnt_hbm.at[b])
        return carry

    lax.fori_loop(0, _SPW, per_sample, 0)


def _match_kernel(ptx_ref, pty_ref, epsx_ref, epsy_ref, logit_ref,
                  gxc_ref, gyc_ref, cnt_ref, maskf_ref, abar_ref,
                  s_out_ref, xhx_out_ref, xhy_out_ref, scal_ref, pm_ref):
    abar = abar_ref[:, :]
    sqrt_ab = jnp.sqrt(abar + 1e-06)
    sqrt_om = jnp.sqrt(jnp.clip(1.0 - abar, 0.0, None))
    xhx_out_ref[:, :] = jnp.clip(
        (ptx_ref[:, :] - sqrt_om * epsx_ref[:, :]) / sqrt_ab,
        -1.0 + 0.001, 1.0 - 0.001)
    xhy_out_ref[:, :] = jnp.clip(
        (pty_ref[:, :] - sqrt_om * epsy_ref[:, :]) / sqrt_ab,
        -1.0 + 0.001, 1.0 - 0.001)
    logit = logit_ref[:, :]
    pm_ref[:, :] = 1.0 / (1.0 + jnp.exp(-logit))
    qiota = jax.lax.broadcasted_iota(
        jnp.int32, (_B, _Q), 1).astype(jnp.float32)
    liota = jax.lax.broadcasted_iota(jnp.int32, (_B, 128), 1)

    counts = cnt_ref[:, 0:1]
    maxc = jnp.max(cnt_ref[:, :])

    def outer(ob, carry):
        base = pl.multiple_of(ob * 128, 128)
        gx_tile = gxc_ref[:, pl.ds(base, 128)]
        gy_tile = gyc_ref[:, pl.ds(base, 128)]
        hi = jnp.minimum(maxc - base, 128)

        def step(i, scol):
            shift = (128 - i) % 128
            gx = pltpu.roll(gx_tile, shift, axis=1)[:, 0:1]
            gy = pltpu.roll(gy_tile, shift, axis=1)[:, 0:1]
            k = base + i
            pm = pm_ref[:, :]
            cost = (jnp.abs(xhx_out_ref[:, :] - gx)
                    + jnp.abs(xhy_out_ref[:, :] - gy) - pm)
            cmin = jnp.min(cost, axis=1, keepdims=True)
            s = jnp.min(jnp.where(cost == cmin, qiota, float(_Q)),
                        axis=1, keepdims=True)
            upd = (qiota == s) & (counts > k)
            pm_ref[:, :] = jnp.where(upd, -jnp.inf, pm)
            return jnp.where(liota == i, s, scol)

        def octet(j, scol):
            for u in range(8):
                scol = step(8 * j + u, scol)
            return scol

        scol = jax.lax.fori_loop(
            0, (hi + 7) // 8, octet,
            jnp.zeros((_B, 128), dtype=jnp.float32), unroll=False)
        s_out_ref[:, pl.ds(base, 128)] = scol
        return carry

    jax.lax.fori_loop(0, (maxc + 127) // 128, outer, 0, unroll=False)

    assigned = (pm_ref[:, :] == -jnp.inf).astype(jnp.float32)

    maskf = maskf_ref[:, :]
    n = jnp.sum(maskf)

    y = assigned
    x = logit
    ce = jnp.clip(x, 0.0, None) - x * y + jnp.log1p(jnp.exp(-jnp.abs(x)))
    p = jax.nn.sigmoid(x)
    pt = jnp.clip(jnp.where(y == 1.0, p, 1.0 - p), 1e-06, 1.0 - 1e-06)
    alpha_t = jnp.where(y == 1.0, 0.9, 1.0 - 0.9)
    omp = 1.0 - pt
    L_exist = jnp.sum(alpha_t * omp * omp * ce) * (1.0 / (_B * _Q))

    pred_cnt = jnp.sum(jax.nn.sigmoid(logit), axis=1, keepdims=True)
    gt_cnt = jnp.sum(maskf, axis=1, keepdims=True)
    L_cnt = jnp.sum(jnp.abs(pred_cnt - gt_cnt)) * (1.0 / _B)

    scal_ref[0] = L_exist
    scal_ref[1] = L_cnt
    scal_ref[2] = n


def _sc_pair_kernel(s_hbm, xhx_hbm, xhy_hbm, gxc_hbm, gyc_hbm, cnt_hbm,
                    part_hbm,
                    s_v, xx_v, xy_v, gx_v, gy_v, cnt_v, acc_v):
    wid = lax.axis_index("c") * _NS + lax.axis_index("s")
    li = lax.iota(jnp.int32, 16)

    def per_sample(i, carry):
        b = wid * _SPW + i
        pltpu.sync_copy(s_hbm.at[b], s_v)
        pltpu.sync_copy(xhx_hbm.at[b], xx_v)
        pltpu.sync_copy(xhy_hbm.at[b], xy_v)
        pltpu.sync_copy(gxc_hbm.at[b], gx_v)
        pltpu.sync_copy(gyc_hbm.at[b], gy_v)
        pltpu.sync_copy(cnt_hbm.at[b], cnt_v)
        cntv = cnt_v[...]

        def chunk(j, acc):
            sl = pl.ds(j * 16, 16)
            kvec = li + j * 16
            valid = kvec < cntv
            sidx = jnp.clip(s_v[sl], 0.0, float(_Q - 1)).astype(jnp.int32)
            mx = plsc.load_gather(xx_v, [sidx])
            my = plsc.load_gather(xy_v, [sidx])
            gx = gx_v[sl]
            gy = gy_v[sl]
            px = (mx + 1.0) * 0.5 * 255.0
            py = (my + 1.0) * 0.5 * 255.0
            gpx = (gx + 1.0) * 0.5 * 255.0
            gpy = (gy + 1.0) * 0.5 * 255.0
            dx = px - gpx
            dy = py - gpy
            adx = jnp.abs(dx)
            ady = jnp.abs(dy)
            ex = jnp.where(adx < 1.0, 0.5 * dx * dx, adx - 0.5)
            ey = jnp.where(ady < 1.0, 0.5 * dy * dy, ady - 0.5)
            contrib = jnp.where(valid, ex + ey,
                                jnp.zeros((16,), dtype=jnp.float32))
            return acc + contrib

        acc = lax.fori_loop(0, _T // 16, chunk,
                            jnp.zeros((16,), dtype=jnp.float32))
        acc_v[...] = acc
        pltpu.sync_copy(acc_v, part_hbm.at[wid * _SPW + i])
        return carry

    lax.fori_loop(0, _SPW, per_sample, 0)


def _combine_kernel(part_ref, scal_ref, out_ref):
    lx0_sum = jnp.sum(part_ref[:, :])
    L_exist = scal_ref[0]
    L_cnt = scal_ref[1]
    n = scal_ref[2]
    L_x0 = jnp.where(n > 0.0, lx0_sum / jnp.maximum(2.0 * n, 1.0), 0.0)
    loss = 1.0 * L_x0 + 1.0 * L_exist + 0.1 * L_cnt
    out_ref[0] = loss
    out_ref[1] = L_exist
    out_ref[2] = L_x0
    out_ref[3] = L_cnt


def kernel(p_t, p0, mask, abar_t, eps_pred, exist_logit):
    ptx = p_t[:, :, 0]
    pty = p_t[:, :, 1]
    epsx = eps_pred[:, :, 0]
    epsy = eps_pred[:, :, 1]
    p0x = p0[:, :, 0]
    p0y = p0[:, :, 1]
    maskf = mask.astype(jnp.float32)
    abar = abar_t[:, None]

    sc_params = pltpu.CompilerParams(needs_layout_passes=False)
    mesh = plsc.VectorSubcoreMesh(core_axis_name="c", subcore_axis_name="s",
                                  num_cores=_NC, num_subcores=_NS)

    sc_compact = pl.kernel(
        _sc_compact_kernel,
        out_type=[jax.ShapeDtypeStruct((_B, _T), jnp.float32),
                  jax.ShapeDtypeStruct((_B, _T), jnp.float32),
                  jax.ShapeDtypeStruct((_B, 16), jnp.int32)],
        mesh=mesh,
        compiler_params=sc_params,
        scratch_types=[pltpu.VMEM((_T,), jnp.float32),
                       pltpu.VMEM((_T,), jnp.float32),
                       pltpu.VMEM((_T,), jnp.float32),
                       pltpu.VMEM((_T,), jnp.float32),
                       pltpu.VMEM((_T,), jnp.float32),
                       pltpu.VMEM((16,), jnp.int32)],
    )
    gxc, gyc, cnts = sc_compact(p0x, p0y, maskf)

    s_out, xhx, xhy, scal = pl.pallas_call(
        _match_kernel,
        out_shape=(jax.ShapeDtypeStruct((_B, _T), jnp.float32),
                   jax.ShapeDtypeStruct((_B, _Q), jnp.float32),
                   jax.ShapeDtypeStruct((_B, _Q), jnp.float32),
                   jax.ShapeDtypeStruct((4,), jnp.float32)),
        out_specs=(pl.BlockSpec(memory_space=pltpu.VMEM),
                   pl.BlockSpec(memory_space=pltpu.VMEM),
                   pl.BlockSpec(memory_space=pltpu.VMEM),
                   pl.BlockSpec(memory_space=pltpu.SMEM)),
        scratch_shapes=[pltpu.VMEM((_B, _Q), jnp.float32)],
    )(ptx, pty, epsx, epsy, exist_logit, gxc, gyc, cnts, maskf, abar)

    sc_pair = pl.kernel(
        _sc_pair_kernel,
        out_type=[jax.ShapeDtypeStruct((_B, 16), jnp.float32)],
        mesh=mesh,
        compiler_params=sc_params,
        scratch_types=[pltpu.VMEM((_T,), jnp.float32),
                       pltpu.VMEM((_Q,), jnp.float32),
                       pltpu.VMEM((_Q,), jnp.float32),
                       pltpu.VMEM((_T,), jnp.float32),
                       pltpu.VMEM((_T,), jnp.float32),
                       pltpu.VMEM((16,), jnp.int32),
                       pltpu.VMEM((16,), jnp.float32)],
    )
    parts = sc_pair(s_out, xhx, xhy, gxc, gyc, cnts)
    parts = parts[0] if isinstance(parts, (list, tuple)) else parts

    out = pl.pallas_call(
        _combine_kernel,
        out_shape=jax.ShapeDtypeStruct((4,), jnp.float32),
        in_specs=[pl.BlockSpec(memory_space=pltpu.VMEM),
                  pl.BlockSpec(memory_space=pltpu.SMEM)],
        out_specs=pl.BlockSpec(memory_space=pltpu.SMEM),
    )(parts, scal)
    return (out[0], out[1], out[2], out[3])

# --- scband reference (transcript-rebuilt; emitter-appended) ---
"""Pipeline reference for scband-set-criterion-8340826489508 (READ-ONLY COPY).

The authoritative reference and input builder live on the scoring server;
editing this copy changes nothing except your own understanding.
"""

import jax, jax.numpy as jnp
import numpy as np

B, Q, T = 64, 1024, 1024


def _match(exist_logit, x0_hat, p0, mask):
    # Greedy Hungarian-style matcher (injected dependency of setCriterion).
    # cost = L1(point) - existence prob; assigns each valid GT target (in order)
    # to the cheapest still-unassigned query. Returns a fixed-shape (B, T)
    # array of matched source query indices plus the validity mask, mirroring
    # _get_src_permutation_idx / _get_tgt_permutation_idx of the torch module.
    prob = 1.0 / (1.0 + jnp.exp(-exist_logit))
    Bn, Qn = exist_logit.shape
    Tn = mask.shape[1]

    def one(xh, gt, mk, pr):
        cost = jnp.abs(xh[:, None, :] - gt[None, :, :]).sum(-1) - pr[:, None]

        def body(t, carry):
            assigned, s_arr, cnt = carry
            c = jnp.where(assigned, jnp.inf, cost[:, t])
            s = jnp.argmin(c).astype(jnp.int32)
            v = (mk[t] > 0) & (cnt < Qn)
            assigned = jnp.where(v, assigned.at[s].set(True), assigned)
            s_arr = s_arr.at[t].set(jnp.where(v, s, 0))
            cnt = cnt + jnp.where(v, 1, 0)
            return assigned, s_arr, cnt

        init = (jnp.zeros((Qn,), dtype=bool),
                jnp.zeros((Tn,), dtype=jnp.int32),
                jnp.asarray(0, dtype=jnp.int32))
        _, s_arr, _ = jax.lax.fori_loop(0, Tn, body, init)
        return s_arr

    s_match = jax.vmap(one)(x0_hat, p0, mask, prob)
    return s_match, mask > 0


def _m11_to_pixels(p, H, W):
    x = (p[..., 0] + 1.0) * 0.5 * (W - 1)
    y = (p[..., 1] + 1.0) * 0.5 * (H - 1)
    return jnp.stack([x, y], axis=-1)


def setup_inputs(seed: int = 0) -> dict:
    key = jax.random.key(seed)
    k1, k2, k3, k4, k5, k6 = jax.random.split(key, 6)
    p_t = jax.random.normal(k1, (B, Q, 2), dtype=jnp.float32)
    p0 = jax.random.uniform(k2, (B, T, 2), dtype=jnp.float32)
    mask = jax.random.randint(k3, (B, T), 0, 2).astype(jnp.int32)
    abar_t = jax.random.uniform(k4, (B,), dtype=jnp.float32)
    eps_pred = jax.random.normal(k5, (B, Q, 2), dtype=jnp.float32)
    exist_logit = jax.random.normal(k6, (B, Q), dtype=jnp.float32)
    return {"p_t": p_t, "p0": p0, "mask": mask, "abar_t": abar_t,
            "eps_pred": eps_pred, "exist_logit": exist_logit}


def reference(p_t, p0, mask, abar_t, eps_pred, exist_logit):
    lambda_exist, lambda_x0, lambda_cnt = 1.0, 1.0, 0.1
    gamma, alpha = 2.0, 0.9

    sqrt_ab = jnp.sqrt(abar_t + 1e-06)[:, None, None]
    sqrt_om = jnp.sqrt(jnp.clip(1.0 - abar_t, 0.0, None))[:, None, None]
    x0_hat = (p_t - sqrt_om * eps_pred) / sqrt_ab
    x0_hat = jnp.clip(x0_hat, -1.0 + 0.001, 1.0 - 0.001)

    s_match, vmask = _match(exist_logit, x0_hat, p0, mask)
    bb = jnp.arange(x0_hat.shape[0])[:, None]

    matched_pred = x0_hat[bb, s_match]
    matched_gt = p0
    pp = _m11_to_pixels(matched_pred, 256, 256)
    gp = _m11_to_pixels(matched_gt, 256, 256)
    w = vmask.astype(jnp.float32)[..., None]
    n = vmask.sum().astype(jnp.float32)
    d = pp - gp
    ad = jnp.abs(d)
    elem = jnp.where(ad < 1.0, 0.5 * d * d, ad - 0.5)
    L_x0 = jnp.where(n > 0.0,
                     (elem * w).sum() / jnp.maximum(2.0 * n, 1.0),
                     jnp.asarray(0.0, dtype=jnp.float32))

    target = jnp.zeros_like(exist_logit).at[bb, s_match].add(
        vmask.astype(exist_logit.dtype))
    x = exist_logit
    y = target
    ce = jnp.clip(x, 0.0, None) - x * y + jnp.log1p(jnp.exp(-jnp.abs(x)))
    p = jax.nn.sigmoid(x)
    pt = jnp.clip(jnp.where(y == 1, p, 1.0 - p), 1e-06, 1.0 - 1e-06)
    alpha_t = jnp.where(y == 1, alpha, 1.0 - alpha)
    L_exist = jnp.mean(alpha_t * (1.0 - pt) ** gamma * ce)

    pred_cnt = jax.nn.sigmoid(exist_logit).sum(axis=1)
    gt_cnt = mask.sum(axis=1).astype(jnp.float32)
    L_cnt = jnp.mean(jnp.abs(pred_cnt - gt_cnt))

    loss = lambda_x0 * L_x0 + lambda_exist * L_exist + lambda_cnt * L_cnt
    return (loss, L_exist, L_x0, L_cnt)

if __name__ == "__main__":
    import jax
    _d = setup_inputs()
    print(jax.jit(kernel)(*tuple(_d.values())))

</pallas_src>

<mosaic_0001>
#map = affine_map<(d0, d1) -> (0, 0)>
module attributes {stable_mosaic.version = 14 : i64} {
  func.func @_sc_compact_kernel(%arg0: i32, %arg1: i32, %arg2: memref<64x1024xf32, #tpu.memory_space<hbm>>, %arg3: memref<64x1024xf32, #tpu.memory_space<hbm>>, %arg4: memref<64x1024xf32, #tpu.memory_space<hbm>>, %arg5: memref<64x1024xf32, #tpu.memory_space<hbm>>, %arg6: memref<64x1024xf32, #tpu.memory_space<hbm>>, %arg7: memref<64x16xi32, #tpu.memory_space<hbm>>, %arg8: memref<1024xf32, #tpu.memory_space<vmem>>, %arg9: memref<1024xf32, #tpu.memory_space<vmem>>, %arg10: memref<1024xf32, #tpu.memory_space<vmem>>, %arg11: memref<1024xf32, #tpu.memory_space<vmem>>, %arg12: memref<1024xf32, #tpu.memory_space<vmem>>, %arg13: memref<16xi32, #tpu.memory_space<vmem>>) attributes {dimension_semantics = [#tpu.dimension_semantics<core_parallel>, #tpu.dimension_semantics<subcore_parallel>], iteration_bounds = array<i64: 2, 16>, scalar_prefetch = 0 : i64, scratch_operands = 6 : i64, tpu.core_type = #tpu.core_type<sc_vector_subcore>, window_params = [{transform_indices = #map}, {transform_indices = #map}, {transform_indices = #map}, {transform_indices = #map}, {transform_indices = #map}, {transform_indices = #map}]} {
    %mul3A = arith.constant 16 : i32
    %mul3A_0 = arith.muli %arg0, %mul3A : i32
    %add3A = arith.addi %mul3A_0, %arg1 : i32
    %scan3A = arith.constant 0 : i32
    %scan3A_1 = arith.constant 0 : i32
    %scan3A_2 = arith.constant 2 : i32
    %scan3A_3 = arith.addi %scan3A_1, %scan3A_2 : i32
    %scan3A_4 = arith.constant 1 : i32
    scf.for %scan3A_6 = %scan3A_1 to %scan3A_3 step %scan3A_4  : i32 {
      %mul3A_7 = arith.constant 2 : i32
      %mul3A_8 = arith.muli %add3A, %mul3A_7 : i32
      %add3A_9 = arith.addi %mul3A_8, %scan3A_6 : i32
      "tpu.region"() ({
        %run_scoped3A = tpu.sem_alloc : memref<!tpu.dma_semaphore, #tpu.memory_space<semaphore_mem>>
        %dma_start3A = arith.constant 0 : i32
        %dma_start3A_22 = tpu.memref_slice %arg2[%add3A_9, %dma_start3A] : memref<64x1024xf32, #tpu.memory_space<hbm>> -> memref<1x1024xf32, #tpu.memory_space<hbm>>
        %dma_start3A_23 = tpu.memref_squeeze %dma_start3A_22 : memref<1x1024xf32, #tpu.memory_space<hbm>> -> memref<1024xf32, #tpu.memory_space<hbm>>
        %dma_start3A_24 = arith.constant 0 : i32
        %dma_start3A_25 = tpu.memref_slice %arg2[%add3A_9, %dma_start3A_24] : memref<64x1024xf32, #tpu.memory_space<hbm>> -> memref<1x1024xf32, #tpu.memory_space<hbm>>
        %dma_start3A_26 = tpu.memref_squeeze %dma_start3A_25 : memref<1x1024xf32, #tpu.memory_space<hbm>> -> memref<1024xf32, #tpu.memory_space<hbm>>
        tpu.enqueue_dma source(%dma_start3A_26 : memref<1024xf32, #tpu.memory_space<hbm>>) target(%arg8 : memref<1024xf32, #tpu.memory_space<vmem>>) target_semaphore(%run_scoped3A : memref<!tpu.dma_semaphore, #tpu.memory_space<semaphore_mem>>)
        %dma_wait3A = arith.constant 0 : i32
        %dma_wait3A_27 = tpu.memref_slice %arg2[%add3A_9, %dma_wait3A] : memref<64x1024xf32, #tpu.memory_space<hbm>> -> memref<1x1024xf32, #tpu.memory_space<hbm>>
        %dma_wait3A_28 = tpu.memref_squeeze %dma_wait3A_27 : memref<1x1024xf32, #tpu.memory_space<hbm>> -> memref<1024xf32, #tpu.memory_space<hbm>>
        %dma_wait3A_29 = arith.constant 0 : i32
        %dma_wait3A_30 = tpu.memref_slice %arg2[%add3A_9, %dma_wait3A_29] : memref<64x1024xf32, #tpu.memory_space<hbm>> -> memref<1x1024xf32, #tpu.memory_space<hbm>>
        %dma_wait3A_31 = tpu.memref_squeeze %dma_wait3A_30 : memref<1x1024xf32, #tpu.memory_space<hbm>> -> memref<1024xf32, #tpu.memory_space<hbm>>
        tpu.wait_dma2 semaphore(%run_scoped3A : memref<!tpu.dma_semaphore, #tpu.memory_space<semaphore_mem>>) src(%dma_wait3A_31 : memref<1024xf32, #tpu.memory_space<hbm>>) dst(%arg8 : memref<1024xf32, #tpu.memory_space<vmem>>)
        tpu.yield
      }) : () -> ()
      "tpu.region"() ({
        %run_scoped3A = tpu.sem_alloc : memref<!tpu.dma_semaphore, #tpu.memory_space<semaphore_mem>>
        %dma_start3A = arith.constant 0 : i32
        %dma_start3A_22 = tpu.memref_slice %arg3[%add3A_9, %dma_start3A] : memref<64x1024xf32, #tpu.memory_space<hbm>> -> memref<1x1024xf32, #tpu.memory_space<hbm>>
        %dma_start3A_23 = tpu.memref_squeeze %dma_start3A_22 : memref<1x1024xf32, #tpu.memory_space<hbm>> -> memref<1024xf32, #tpu.memory_space<hbm>>
        %dma_start3A_24 = arith.constant 0 : i32
        %dma_start3A_25 = tpu.memref_slice %arg3[%add3A_9, %dma_start3A_24] : memref<64x1024xf32, #tpu.memory_space<hbm>> -> memref<1x1024xf32, #tpu.memory_space<hbm>>
        %dma_start3A_26 = tpu.memref_squeeze %dma_start3A_25 : memref<1x1024xf32, #tpu.memory_space<hbm>> -> memref<1024xf32, #tpu.memory_space<hbm>>
        tpu.enqueue_dma source(%dma_start3A_26 : memref<1024xf32, #tpu.memory_space<hbm>>) target(%arg9 : memref<1024xf32, #tpu.memory_space<vmem>>) target_semaphore(%run_scoped3A : memref<!tpu.dma_semaphore, #tpu.memory_space<semaphore_mem>>)
        %dma_wait3A = arith.constant 0 : i32
        %dma_wait3A_27 = tpu.memref_slice %arg3[%add3A_9, %dma_wait3A] : memref<64x1024xf32, #tpu.memory_space<hbm>> -> memref<1x1024xf32, #tpu.memory_space<hbm>>
        %dma_wait3A_28 = tpu.memref_squeeze %dma_wait3A_27 : memref<1x1024xf32, #tpu.memory_space<hbm>> -> memref<1024xf32, #tpu.memory_space<hbm>>
        %dma_wait3A_29 = arith.constant 0 : i32
        %dma_wait3A_30 = tpu.memref_slice %arg3[%add3A_9, %dma_wait3A_29] : memref<64x1024xf32, #tpu.memory_space<hbm>> -> memref<1x1024xf32, #tpu.memory_space<hbm>>
        %dma_wait3A_31 = tpu.memref_squeeze %dma_wait3A_30 : memref<1x1024xf32, #tpu.memory_space<hbm>> -> memref<1024xf32, #tpu.memory_space<hbm>>
        tpu.wait_dma2 semaphore(%run_scoped3A : memref<!tpu.dma_semaphore, #tpu.memory_space<semaphore_mem>>) src(%dma_wait3A_31 : memref<1024xf32, #tpu.memory_space<hbm>>) dst(%arg9 : memref<1024xf32, #tpu.memory_space<vmem>>)
        tpu.yield
      }) : () -> ()
      "tpu.region"() ({
        %run_scoped3A = tpu.sem_alloc : memref<!tpu.dma_semaphore, #tpu.memory_space<semaphore_mem>>
        %dma_start3A = arith.constant 0 : i32
        %dma_start3A_22 = tpu.memref_slice %arg4[%add3A_9, %dma_start3A] : memref<64x1024xf32, #tpu.memory_space<hbm>> -> memref<1x1024xf32, #tpu.memory_space<hbm>>
        %dma_start3A_23 = tpu.memref_squeeze %dma_start3A_22 : memref<1x1024xf32, #tpu.memory_space<hbm>> -> memref<1024xf32, #tpu.memory_space<hbm>>
        %dma_start3A_24 = arith.constant 0 : i32
        %dma_start3A_25 = tpu.memref_slice %arg4[%add3A_9, %dma_start3A_24] : memref<64x1024xf32, #tpu.memory_space<hbm>> -> memref<1x1024xf32, #tpu.memory_space<hbm>>
        %dma_start3A_26 = tpu.memref_squeeze %dma_start3A_25 : memref<1x1024xf32, #tpu.memory_space<hbm>> -> memref<1024xf32, #tpu.memory_space<hbm>>
        tpu.enqueue_dma source(%dma_start3A_26 : memref<1024xf32, #tpu.memory_space<hbm>>) target(%arg10 : memref<1024xf32, #tpu.memory_space<vmem>>) target_semaphore(%run_scoped3A : memref<!tpu.dma_semaphore, #tpu.memory_space<semaphore_mem>>)
        %dma_wait3A = arith.constant 0 : i32
        %dma_wait3A_27 = tpu.memref_slice %arg4[%add3A_9, %dma_wait3A] : memref<64x1024xf32, #tpu.memory_space<hbm>> -> memref<1x1024xf32, #tpu.memory_space<hbm>>
        %dma_wait3A_28 = tpu.memref_squeeze %dma_wait3A_27 : memref<1x1024xf32, #tpu.memory_space<hbm>> -> memref<1024xf32, #tpu.memory_space<hbm>>
        %dma_wait3A_29 = arith.constant 0 : i32
        %dma_wait3A_30 = tpu.memref_slice %arg4[%add3A_9, %dma_wait3A_29] : memref<64x1024xf32, #tpu.memory_space<hbm>> -> memref<1x1024xf32, #tpu.memory_space<hbm>>
        %dma_wait3A_31 = tpu.memref_squeeze %dma_wait3A_30 : memref<1x1024xf32, #tpu.memory_space<hbm>> -> memref<1024xf32, #tpu.memory_space<hbm>>
        tpu.wait_dma2 semaphore(%run_scoped3A : memref<!tpu.dma_semaphore, #tpu.memory_space<semaphore_mem>>) src(%dma_wait3A_31 : memref<1024xf32, #tpu.memory_space<hbm>>) dst(%arg10 : memref<1024xf32, #tpu.memory_space<vmem>>)
        tpu.yield
      }) : () -> ()
      %broadcast_in_dim3A = arith.constant 1 : i32
      %broadcast_in_dim3A_10 = vector.broadcast %broadcast_in_dim3A : i32 to vector<16xi32>
      %broadcast_in_dim3A_11 = arith.constant 0 : i32
      %broadcast_in_dim3A_12 = vector.broadcast %broadcast_in_dim3A_11 : i32 to vector<16xi32>
      %iota3A = tpu.iota {dimensions = array<i32: 0>} : vector<16xi32>
      %broadcast_in_dim3A_13 = arith.constant 0 : i32
      %broadcast_in_dim3A_14 = vector.broadcast %broadcast_in_dim3A_13 : i32 to vector<16xi32>
      %scan3A_15 = arith.constant 0 : i32
      %scan3A_16 = arith.constant 64 : i32
      %scan3A_17 = arith.addi %scan3A_15, %scan3A_16 : i32
      %scan3A_18 = arith.constant 1 : i32
      %scan3A_19 = scf.for %scan3A_22 = %scan3A_15 to %scan3A_17 step %scan3A_18 iter_args(%scan3A_23 = %broadcast_in_dim3A_14) -> (vector<16xi32>)  : i32 {
        %mul3A_24 = arith.constant 16 : i32
        %mul3A_25 = arith.muli %scan3A_22, %mul3A_24 : i32
        %get3A = arith.index_cast %mul3A_25 : i32 to index
        %get3A_26 = tpu.vector_load %arg10[%get3A] {strides = array<i32>} : memref<1024xf32, #tpu.memory_space<vmem>>, vector<16xf32>,
        %gt3A = arith.constant 0.000000e+00 : f32
        %gt3A_27 = vector.broadcast %gt3A : f32 to vector<16xf32>
        %gt3A_28 = arith.cmpf ogt, %get3A_26, %gt3A_27 : vector<16xf32>
        %select_n3A = arith.select %gt3A_28, %broadcast_in_dim3A_10, %broadcast_in_dim3A_12 : vector<16xi1>, vector<16xi32>
        %sub3A = arith.constant 1 : i32
        %sub3A_29 = vector.broadcast %sub3A : i32 to vector<16xi32>
        %sub3A_30 = arith.subi %iota3A, %sub3A_29 : vector<16xi32>
        %max3A = arith.constant 0 : i32
        %max3A_31 = vector.broadcast %max3A : i32 to vector<16xi32>
        %max3A_32 = arith.maxsi %sub3A_30, %max3A_31 : vector<16xi32>
        %broadcast_in_dim3A_33 = vector.shape_cast %max3A_32 : vector<16xi32> to vector<16x1xi32>
        %gather3A = vector.shape_cast %broadcast_in_dim3A_33 : vector<16x1xi32> to vector<16xi32>
        %gather3A_34 = tpu.dynamic_gather %select_n3A[%gather3A] in [0] : vector<16xi32>, vector<16xi32> -> vector<16xi32>
        %ge3A = arith.constant 1 : i32
        %ge3A_35 = vector.broadcast %ge3A : i32 to vector<16xi32>
        %ge3A_36 = arith.cmpi sge, %iota3A, %ge3A_35 : vector<16xi32>
        %select_n3A_37 = arith.select %ge3A_36, %gather3A_34, %broadcast_in_dim3A_12 : vector<16xi1>, vector<16xi32>
        %add3A_38 = arith.addi %select_n3A, %select_n3A_37 : vector<16xi32>
        %sub3A_39 = arith.constant 2 : i32
        %sub3A_40 = vector.broadcast %sub3A_39 : i32 to vector<16xi32>
        %sub3A_41 = arith.subi %iota3A, %sub3A_40 : vector<16xi32>
        %max3A_42 = arith.constant 0 : i32
        %max3A_43 = vector.broadcast %max3A_42 : i32 to vector<16xi32>
        %max3A_44 = arith.maxsi %sub3A_41, %max3A_43 : vector<16xi32>
        %broadcast_in_dim3A_45 = vector.shape_cast %max3A_44 : vector<16xi32> to vector<16x1xi32>
        %gather3A_46 = vector.shape_cast %broadcast_in_dim3A_45 : vector<16x1xi32> to vector<16xi32>
        %gather3A_47 = tpu.dynamic_gather %add3A_38[%gather3A_46] in [0] : vector<16xi32>, vector<16xi32> -> vector<16xi32>
        %ge3A_48 = arith.constant 2 : i32
        %ge3A_49 = vector.broadcast %ge3A_48 : i32 to vector<16xi32>
        %ge3A_50 = arith.cmpi sge, %iota3A, %ge3A_49 : vector<16xi32>
        %select_n3A_51 = arith.select %ge3A_50, %gather3A_47, %broadcast_in_dim3A_12 : vector<16xi1>, vector<16xi32>
        %add3A_52 = arith.addi %add3A_38, %select_n3A_51 : vector<16xi32>
        %sub3A_53 = arith.constant 4 : i32
        %sub3A_54 = vector.broadcast %sub3A_53 : i32 to vector<16xi32>
        %sub3A_55 = arith.subi %iota3A, %sub3A_54 : vector<16xi32>
        %max3A_56 = arith.constant 0 : i32
        %max3A_57 = vector.broadcast %max3A_56 : i32 to vector<16xi32>
        %max3A_58 = arith.maxsi %sub3A_55, %max3A_57 : vector<16xi32>
        %broadcast_in_dim3A_59 = vector.shape_cast %max3A_58 : vector<16xi32> to vector<16x1xi32>
        %gather3A_60 = vector.shape_cast %broadcast_in_dim3A_59 : vector<16x1xi32> to vector<16xi32>
        %gather3A_61 = tpu.dynamic_gather %add3A_52[%gather3A_60] in [0] : vector<16xi32>, vector<16xi32> -> vector<16xi32>
        %ge3A_62 = arith.constant 4 : i32
        %ge3A_63 = vector.broadcast %ge3A_62 : i32 to vector<16xi32>
        %ge3A_64 = arith.cmpi sge, %iota3A, %ge3A_63 : vector<16xi32>
        %select_n3A_65 = arith.select %ge3A_64, %gather3A_61, %broadcast_in_dim3A_12 : vector<16xi1>, vector<16xi32>
        %add3A_66 = arith.addi %add3A_52, %select_n3A_65 : vector<16xi32>
        %sub3A_67 = arith.constant 8 : i32
        %sub3A_68 = vector.broadcast %sub3A_67 : i32 to vector<16xi32>
        %sub3A_69 = arith.subi %iota3A, %sub3A_68 : vector<16xi32>
        %max3A_70 = arith.constant 0 : i32
        %max3A_71 = vector.broadcast %max3A_70 : i32 to vector<16xi32>
        %max3A_72 = arith.maxsi %sub3A_69, %max3A_71 : vector<16xi32>
        %broadcast_in_dim3A_73 = vector.shape_cast %max3A_72 : vector<16xi32> to vector<16x1xi32>
        %gather3A_74 = vector.shape_cast %broadcast_in_dim3A_73 : vector<16x1xi32> to vector<16xi32>
        %gather3A_75 = tpu.dynamic_gather %add3A_66[%gather3A_74] in [0] : vector<16xi32>, vector<16xi32> -> vector<16xi32>
        %ge3A_76 = arith.constant 8 : i32
        %ge3A_77 = vector.broadcast %ge3A_76 : i32 to vector<16xi32>
        %ge3A_78 = arith.cmpi sge, %iota3A, %ge3A_77 : vector<16xi32>
        %select_n3A_79 = arith.select %ge3A_78, %gather3A_75, %broadcast_in_dim3A_12 : vector<16xi1>, vector<16xi32>
        %add3A_80 = arith.addi %add3A_66, %select_n3A_79 : vector<16xi32>
        %sub3A_81 = arith.subi %add3A_80, %broadcast_in_dim3A_10 : vector<16xi32>
        %add3A_82 = arith.addi %sub3A_81, %scan3A_23 : vector<16xi32>
        %get3A_83 = arith.index_cast %mul3A_25 : i32 to index
        %get3A_84 = tpu.vector_load %arg8[%get3A_83] {strides = array<i32>} : memref<1024xf32, #tpu.memory_space<vmem>>, vector<16xf32>,
        tpu.vector_store_idx %arg11[%add3A_82], %get3A_84 masked %gt3A_28 : memref<1024xf32, #tpu.memory_space<vmem>>[vector<16xi32>], vector<16xf32>, vector<16xi1>
        %get3A_85 = arith.index_cast %mul3A_25 : i32 to index
        %get3A_86 = tpu.vector_load %arg9[%get3A_85] {strides = array<i32>} : memref<1024xf32, #tpu.memory_space<vmem>>, vector<16xf32>,
        tpu.vector_store_idx %arg12[%add3A_82], %get3A_86 masked %gt3A_28 : memref<1024xf32, #tpu.memory_space<vmem>>[vector<16xi32>], vector<16xf32>, vector<16xi1>
        %all_reduce_population_count3A = tpu.all_reduce %gt3A_28 {dim = 0 : i64, kind = #tpu.reduction_kind<sum>} : vector<16xi1> -> vector<16xi32>
        %add3A_87 = arith.addi %scan3A_23, %all_reduce_population_count3A : vector<16xi32>
        scf.yield %add3A_87 : vector<16xi32>
      }
      %scan3A_20 = arith.constant 64 : i32
      %swap3A = arith.constant 0 : index
      %swap3A_21 = tpu.vector_load %arg13[%swap3A] {strides = array<i32>} : memref<16xi32, #tpu.memory_space<vmem>>, vector<16xi32>,
      tpu.vector_store %arg13[%swap3A], %scan3A_19 {strides = array<i32>} : memref<16xi32, #tpu.memory_space<vmem>>, vector<16xi32>,
      "tpu.region"() ({
        %run_scoped3A = tpu.sem_alloc : memref<!tpu.dma_semaphore, #tpu.memory_space<semaphore_mem>>
        %dma_start3A = arith.constant 0 : i32
        %dma_start3A_22 = tpu.memref_slice %arg5[%add3A_9, %dma_start3A] : memref<64x1024xf32, #tpu.memory_space<hbm>> -> memref<1x1024xf32, #tpu.memory_space<hbm>>
        %dma_start3A_23 = tpu.memref_squeeze %dma_start3A_22 : memref<1x1024xf32, #tpu.memory_space<hbm>> -> memref<1024xf32, #tpu.memory_space<hbm>>
        %dma_start3A_24 = arith.constant 0 : i32
        %dma_start3A_25 = tpu.memref_slice %arg5[%add3A_9, %dma_start3A_24] : memref<64x1024xf32, #tpu.memory_space<hbm>> -> memref<1x1024xf32, #tpu.memory_space<hbm>>
        %dma_start3A_26 = tpu.memref_squeeze %dma_start3A_25 : memref<1x1024xf32, #tpu.memory_space<hbm>> -> memref<1024xf32, #tpu.memory_space<hbm>>
        tpu.enqueue_dma source(%arg11 : memref<1024xf32, #tpu.memory_space<vmem>>) target(%dma_start3A_26 : memref<1024xf32, #tpu.memory_space<hbm>>) target_semaphore(%run_scoped3A : memref<!tpu.dma_semaphore, #tpu.memory_space<semaphore_mem>>)
        %dma_wait3A = arith.constant 0 : i32
        %dma_wait3A_27 = tpu.memref_slice %arg5[%add3A_9, %dma_wait3A] : memref<64x1024xf32, #tpu.memory_space<hbm>> -> memref<1x1024xf32, #tpu.memory_space<hbm>>
        %dma_wait3A_28 = tpu.memref_squeeze %dma_wait3A_27 : memref<1x1024xf32, #tpu.memory_space<hbm>> -> memref<1024xf32, #tpu.memory_space<hbm>>
        %dma_wait3A_29 = arith.constant 0 : i32
        %dma_wait3A_30 = tpu.memref_slice %arg5[%add3A_9, %dma_wait3A_29] : memref<64x1024xf32, #tpu.memory_space<hbm>> -> memref<1x1024xf32, #tpu.memory_space<hbm>>
        %dma_wait3A_31 = tpu.memref_squeeze %dma_wait3A_30 : memref<1x1024xf32, #tpu.memory_space<hbm>> -> memref<1024xf32, #tpu.memory_space<hbm>>
        tpu.wait_dma2 semaphore(%run_scoped3A : memref<!tpu.dma_semaphore, #tpu.memory_space<semaphore_mem>>) src(%arg11 : memref<1024xf32, #tpu.memory_space<vmem>>) dst(%dma_wait3A_31 : memref<1024xf32, #tpu.memory_space<hbm>>)
        tpu.yield
      }) : () -> ()
      "tpu.region"() ({
        %run_scoped3A = tpu.sem_alloc : memref<!tpu.dma_semaphore, #tpu.memory_space<semaphore_mem>>
        %dma_start3A = arith.constant 0 : i32
        %dma_start3A_22 = tpu.memref_slice %arg6[%add3A_9, %dma_start3A] : memref<64x1024xf32, #tpu.memory_space<hbm>> -> memref<1x1024xf32, #tpu.memory_space<hbm>>
        %dma_start3A_23 = tpu.memref_squeeze %dma_start3A_22 : memref<1x1024xf32, #tpu.memory_space<hbm>> -> memref<1024xf32, #tpu.memory_space<hbm>>
        %dma_start3A_24 = arith.constant 0 : i32
        %dma_start3A_25 = tpu.memref_slice %arg6[%add3A_9, %dma_start3A_24] : memref<64x1024xf32, #tpu.memory_space<hbm>> -> memref<1x1024xf32, #tpu.memory_space<hbm>>
        %dma_start3A_26 = tpu.memref_squeeze %dma_start3A_25 : memref<1x1024xf32, #tpu.memory_space<hbm>> -> memref<1024xf32, #tpu.memory_space<hbm>>
        tpu.enqueue_dma source(%arg12 : memref<1024xf32, #tpu.memory_space<vmem>>) target(%dma_start3A_26 : memref<1024xf32, #tpu.memory_space<hbm>>) target_semaphore(%run_scoped3A : memref<!tpu.dma_semaphore, #tpu.memory_space<semaphore_mem>>)
        %dma_wait3A = arith.constant 0 : i32
        %dma_wait3A_27 = tpu.memref_slice %arg6[%add3A_9, %dma_wait3A] : memref<64x1024xf32, #tpu.memory_space<hbm>> -> memref<1x1024xf32, #tpu.memory_space<hbm>>
        %dma_wait3A_28 = tpu.memref_squeeze %dma_wait3A_27 : memref<1x1024xf32, #tpu.memory_space<hbm>> -> memref<1024xf32, #tpu.memory_space<hbm>>
        %dma_wait3A_29 = arith.constant 0 : i32
        %dma_wait3A_30 = tpu.memref_slice %arg6[%add3A_9, %dma_wait3A_29] : memref<64x1024xf32, #tpu.memory_space<hbm>> -> memref<1x1024xf32, #tpu.memory_space<hbm>>
        %dma_wait3A_31 = tpu.memref_squeeze %dma_wait3A_30 : memref<1x1024xf32, #tpu.memory_space<hbm>> -> memref<1024xf32, #tpu.memory_space<hbm>>
        tpu.wait_dma2 semaphore(%run_scoped3A : memref<!tpu.dma_semaphore, #tpu.memory_space<semaphore_mem>>) src(%arg12 : memref<1024xf32, #tpu.memory_space<vmem>>) dst(%dma_wait3A_31 : memref<1024xf32, #tpu.memory_space<hbm>>)
        tpu.yield
      }) : () -> ()
      "tpu.region"() ({
        %run_scoped3A = tpu.sem_alloc : memref<!tpu.dma_semaphore, #tpu.memory_space<semaphore_mem>>
        %dma_start3A = arith.constant 0 : i32
        %dma_start3A_22 = tpu.memref_slice %arg7[%add3A_9, %dma_start3A] : memref<64x16xi32, #tpu.memory_space<hbm>> -> memref<1x16xi32, #tpu.memory_space<hbm>>
        %dma_start3A_23 = tpu.memref_squeeze %dma_start3A_22 : memref<1x16xi32, #tpu.memory_space<hbm>> -> memref<16xi32, #tpu.memory_space<hbm>>
        %dma_start3A_24 = arith.constant 0 : i32
        %dma_start3A_25 = tpu.memref_slice %arg7[%add3A_9, %dma_start3A_24] : memref<64x16xi32, #tpu.memory_space<hbm>> -> memref<1x16xi32, #tpu.memory_space<hbm>>
        %dma_start3A_26 = tpu.memref_squeeze %dma_start3A_25 : memref<1x16xi32, #tpu.memory_space<hbm>> -> memref<16xi32, #tpu.memory_space<hbm>>
        tpu.enqueue_dma source(%arg13 : memref<16xi32, #tpu.memory_space<vmem>>) target(%dma_start3A_26 : memref<16xi32, #tpu.memory_space<hbm>>) target_semaphore(%run_scoped3A : memref<!tpu.dma_semaphore, #tpu.memory_space<semaphore_mem>>)
        %dma_wait3A = arith.constant 0 : i32
        %dma_wait3A_27 = tpu.memref_slice %arg7[%add3A_9, %dma_wait3A] : memref<64x16xi32, #tpu.memory_space<hbm>> -> memref<1x16xi32, #tpu.memory_space<hbm>>
        %dma_wait3A_28 = tpu.memref_squeeze %dma_wait3A_27 : memref<1x16xi32, #tpu.memory_space<hbm>> -> memref<16xi32, #tpu.memory_space<hbm>>
        %dma_wait3A_29 = arith.constant 0 : i32
        %dma_wait3A_30 = tpu.memref_slice %arg7[%add3A_9, %dma_wait3A_29] : memref<64x16xi32, #tpu.memory_space<hbm>> -> memref<1x16xi32, #tpu.memory_space<hbm>>
        %dma_wait3A_31 = tpu.memref_squeeze %dma_wait3A_30 : memref<1x16xi32, #tpu.memory_space<hbm>> -> memref<16xi32, #tpu.memory_space<hbm>>
        tpu.wait_dma2 semaphore(%run_scoped3A : memref<!tpu.dma_semaphore, #tpu.memory_space<semaphore_mem>>) src(%arg13 : memref<16xi32, #tpu.memory_space<vmem>>) dst(%dma_wait3A_31 : memref<16xi32, #tpu.memory_space<hbm>>)
        tpu.yield
      }) : () -> ()
    }
    %scan3A_5 = arith.constant 2 : i32
    return
  }
}

#map = affine_map<(d0, d1) -> (0, 0)>
module attributes {stable_mosaic.version = 14 : i64} {
  func.func @_sc_pair_kernel(%arg0: i32, %arg1: i32, %arg2: memref<64x1024xf32, #tpu.memory_space<hbm>>, %arg3: memref<64x1024xf32, #tpu.memory_space<hbm>>, %arg4: memref<64x1024xf32, #tpu.memory_space<hbm>>, %arg5: memref<64x1024xf32, #tpu.memory_space<hbm>>, %arg6: memref<64x1024xf32, #tpu.memory_space<hbm>>, %arg7: memref<64x16xi32, #tpu.memory_space<hbm>>, %arg8: memref<64x16xf32, #tpu.memory_space<hbm>>, %arg9: memref<1024xf32, #tpu.memory_space<vmem>>, %arg10: memref<1024xf32, #tpu.memory_space<vmem>>, %arg11: memref<1024xf32, #tpu.memory_space<vmem>>, %arg12: memref<1024xf32, #tpu.memory_space<vmem>>, %arg13: memref<1024xf32, #tpu.memory_space<vmem>>, %arg14: memref<16xi32, #tpu.memory_space<vmem>>, %arg15: memref<16xf32, #tpu.memory_space<vmem>>) attributes {dimension_semantics = [#tpu.dimension_semantics<core_parallel>, #tpu.dimension_semantics<subcore_parallel>], iteration_bounds = array<i64: 2, 16>, scalar_prefetch = 0 : i64, scratch_operands = 7 : i64, tpu.core_type = #tpu.core_type<sc_vector_subcore>, window_params = [{transform_indices = #map}, {transform_indices = #map}, {transform_indices = #map}, {transform_indices = #map}, {transform_indices = #map}, {transform_indices = #map}, {transform_indices = #map}]} {
    %mul3A = arith.constant 16 : i32
    %mul3A_0 = arith.muli %arg0, %mul3A : i32
    %add3A = arith.addi %mul3A_0, %arg1 : i32
    %iota3A = tpu.iota {dimensions = array<i32: 0>} : vector<16xi32>
    %scan3A = arith.constant 0 : i32
    %scan3A_1 = arith.constant 0 : i32
    %scan3A_2 = arith.constant 2 : i32
    %scan3A_3 = arith.addi %scan3A_1, %scan3A_2 : i32
    %scan3A_4 = arith.constant 1 : i32
    scf.for %scan3A_6 = %scan3A_1 to %scan3A_3 step %scan3A_4  : i32 {
      %mul3A_7 = arith.constant 2 : i32
      %mul3A_8 = arith.muli %add3A, %mul3A_7 : i32
      %add3A_9 = arith.addi %mul3A_8, %scan3A_6 : i32
      "tpu.region"() ({
        %run_scoped3A = tpu.sem_alloc : memref<!tpu.dma_semaphore, #tpu.memory_space<semaphore_mem>>
        %dma_start3A = arith.constant 0 : i32
        %dma_start3A_22 = tpu.memref_slice %arg2[%add3A_9, %dma_start3A] : memref<64x1024xf32, #tpu.memory_space<hbm>> -> memref<1x1024xf32, #tpu.memory_space<hbm>>
        %dma_start3A_23 = tpu.memref_squeeze %dma_start3A_22 : memref<1x1024xf32, #tpu.memory_space<hbm>> -> memref<1024xf32, #tpu.memory_space<hbm>>
        %dma_start3A_24 = arith.constant 0 : i32
        %dma_start3A_25 = tpu.memref_slice %arg2[%add3A_9, %dma_start3A_24] : memref<64x1024xf32, #tpu.memory_space<hbm>> -> memref<1x1024xf32, #tpu.memory_space<hbm>>
        %dma_start3A_26 = tpu.memref_squeeze %dma_start3A_25 : memref<1x1024xf32, #tpu.memory_space<hbm>> -> memref<1024xf32, #tpu.memory_space<hbm>>
        tpu.enqueue_dma source(%dma_start3A_26 : memref<1024xf32, #tpu.memory_space<hbm>>) target(%arg9 : memref<1024xf32, #tpu.memory_space<vmem>>) target_semaphore(%run_scoped3A : memref<!tpu.dma_semaphore, #tpu.memory_space<semaphore_mem>>)
        %dma_wait3A = arith.constant 0 : i32
        %dma_wait3A_27 = tpu.memref_slice %arg2[%add3A_9, %dma_wait3A] : memref<64x1024xf32, #tpu.memory_space<hbm>> -> memref<1x1024xf32, #tpu.memory_space<hbm>>
        %dma_wait3A_28 = tpu.memref_squeeze %dma_wait3A_27 : memref<1x1024xf32, #tpu.memory_space<hbm>> -> memref<1024xf32, #tpu.memory_space<hbm>>
        %dma_wait3A_29 = arith.constant 0 : i32
        %dma_wait3A_30 = tpu.memref_slice %arg2[%add3A_9, %dma_wait3A_29] : memref<64x1024xf32, #tpu.memory_space<hbm>> -> memref<1x1024xf32, #tpu.memory_space<hbm>>
        %dma_wait3A_31 = tpu.memref_squeeze %dma_wait3A_30 : memref<1x1024xf32, #tpu.memory_space<hbm>> -> memref<1024xf32, #tpu.memory_space<hbm>>
        tpu.wait_dma2 semaphore(%run_scoped3A : memref<!tpu.dma_semaphore, #tpu.memory_space<semaphore_mem>>) src(%dma_wait3A_31 : memref<1024xf32, #tpu.memory_space<hbm>>) dst(%arg9 : memref<1024xf32, #tpu.memory_space<vmem>>)
        tpu.yield
      }) : () -> ()
      "tpu.region"() ({
        %run_scoped3A = tpu.sem_alloc : memref<!tpu.dma_semaphore, #tpu.memory_space<semaphore_mem>>
        %dma_start3A = arith.constant 0 : i32
        %dma_start3A_22 = tpu.memref_slice %arg3[%add3A_9, %dma_start3A] : memref<64x1024xf32, #tpu.memory_space<hbm>> -> memref<1x1024xf32, #tpu.memory_space<hbm>>
        %dma_start3A_23 = tpu.memref_squeeze %dma_start3A_22 : memref<1x1024xf32, #tpu.memory_space<hbm>> -> memref<1024xf32, #tpu.memory_space<hbm>>
        %dma_start3A_24 = arith.constant 0 : i32
        %dma_start3A_25 = tpu.memref_slice %arg3[%add3A_9, %dma_start3A_24] : memref<64x1024xf32, #tpu.memory_space<hbm>> -> memref<1x1024xf32, #tpu.memory_space<hbm>>
        %dma_start3A_26 = tpu.memref_squeeze %dma_start3A_25 : memref<1x1024xf32, #tpu.memory_space<hbm>> -> memref<1024xf32, #tpu.memory_space<hbm>>
        tpu.enqueue_dma source(%dma_start3A_26 : memref<1024xf32, #tpu.memory_space<hbm>>) target(%arg10 : memref<1024xf32, #tpu.memory_space<vmem>>) target_semaphore(%run_scoped3A : memref<!tpu.dma_semaphore, #tpu.memory_space<semaphore_mem>>)
        %dma_wait3A = arith.constant 0 : i32
        %dma_wait3A_27 = tpu.memref_slice %arg3[%add3A_9, %dma_wait3A] : memref<64x1024xf32, #tpu.memory_space<hbm>> -> memref<1x1024xf32, #tpu.memory_space<hbm>>
        %dma_wait3A_28 = tpu.memref_squeeze %dma_wait3A_27 : memref<1x1024xf32, #tpu.memory_space<hbm>> -> memref<1024xf32, #tpu.memory_space<hbm>>
        %dma_wait3A_29 = arith.constant 0 : i32
        %dma_wait3A_30 = tpu.memref_slice %arg3[%add3A_9, %dma_wait3A_29] : memref<64x1024xf32, #tpu.memory_space<hbm>> -> memref<1x1024xf32, #tpu.memory_space<hbm>>
        %dma_wait3A_31 = tpu.memref_squeeze %dma_wait3A_30 : memref<1x1024xf32, #tpu.memory_space<hbm>> -> memref<1024xf32, #tpu.memory_space<hbm>>
        tpu.wait_dma2 semaphore(%run_scoped3A : memref<!tpu.dma_semaphore, #tpu.memory_space<semaphore_mem>>) src(%dma_wait3A_31 : memref<1024xf32, #tpu.memory_space<hbm>>) dst(%arg10 : memref<1024xf32, #tpu.memory_space<vmem>>)
        tpu.yield
      }) : () -> ()
      "tpu.region"() ({
        %run_scoped3A = tpu.sem_alloc : memref<!tpu.dma_semaphore, #tpu.memory_space<semaphore_mem>>
        %dma_start3A = arith.constant 0 : i32
        %dma_start3A_22 = tpu.memref_slice %arg4[%add3A_9, %dma_start3A] : memref<64x1024xf32, #tpu.memory_space<hbm>> -> memref<1x1024xf32, #tpu.memory_space<hbm>>
        %dma_start3A_23 = tpu.memref_squeeze %dma_start3A_22 : memref<1x1024xf32, #tpu.memory_space<hbm>> -> memref<1024xf32, #tpu.memory_space<hbm>>
        %dma_start3A_24 = arith.constant 0 : i32
        %dma_start3A_25 = tpu.memref_slice %arg4[%add3A_9, %dma_start3A_24] : memref<64x1024xf32, #tpu.memory_space<hbm>> -> memref<1x1024xf32, #tpu.memory_space<hbm>>
        %dma_start3A_26 = tpu.memref_squeeze %dma_start3A_25 : memref<1x1024xf32, #tpu.memory_space<hbm>> -> memref<1024xf32, #tpu.memory_space<hbm>>
        tpu.enqueue_dma source(%dma_start3A_26 : memref<1024xf32, #tpu.memory_space<hbm>>) target(%arg11 : memref<1024xf32, #tpu.memory_space<vmem>>) target_semaphore(%run_scoped3A : memref<!tpu.dma_semaphore, #tpu.memory_space<semaphore_mem>>)
        %dma_wait3A = arith.constant 0 : i32
        %dma_wait3A_27 = tpu.memref_slice %arg4[%add3A_9, %dma_wait3A] : memref<64x1024xf32, #tpu.memory_space<hbm>> -> memref<1x1024xf32, #tpu.memory_space<hbm>>
        %dma_wait3A_28 = tpu.memref_squeeze %dma_wait3A_27 : memref<1x1024xf32, #tpu.memory_space<hbm>> -> memref<1024xf32, #tpu.memory_space<hbm>>
        %dma_wait3A_29 = arith.constant 0 : i32
        %dma_wait3A_30 = tpu.memref_slice %arg4[%add3A_9, %dma_wait3A_29] : memref<64x1024xf32, #tpu.memory_space<hbm>> -> memref<1x1024xf32, #tpu.memory_space<hbm>>
        %dma_wait3A_31 = tpu.memref_squeeze %dma_wait3A_30 : memref<1x1024xf32, #tpu.memory_space<hbm>> -> memref<1024xf32, #tpu.memory_space<hbm>>
        tpu.wait_dma2 semaphore(%run_scoped3A : memref<!tpu.dma_semaphore, #tpu.memory_space<semaphore_mem>>) src(%dma_wait3A_31 : memref<1024xf32, #tpu.memory_space<hbm>>) dst(%arg11 : memref<1024xf32, #tpu.memory_space<vmem>>)
        tpu.yield
      }) : () -> ()
      "tpu.region"() ({
        %run_scoped3A = tpu.sem_alloc : memref<!tpu.dma_semaphore, #tpu.memory_space<semaphore_mem>>
        %dma_start3A = arith.constant 0 : i32
        %dma_start3A_22 = tpu.memref_slice %arg5[%add3A_9, %dma_start3A] : memref<64x1024xf32, #tpu.memory_space<hbm>> -> memref<1x1024xf32, #tpu.memory_space<hbm>>
        %dma_start3A_23 = tpu.memref_squeeze %dma_start3A_22 : memref<1x1024xf32, #tpu.memory_space<hbm>> -> memref<1024xf32, #tpu.memory_space<hbm>>
        %dma_start3A_24 = arith.constant 0 : i32
        %dma_start3A_25 = tpu.memref_slice %arg5[%add3A_9, %dma_start3A_24] : memref<64x1024xf32, #tpu.memory_space<hbm>> -> memref<1x1024xf32, #tpu.memory_space<hbm>>
        %dma_start3A_26 = tpu.memref_squeeze %dma_start3A_25 : memref<1x1024xf32, #tpu.memory_space<hbm>> -> memref<1024xf32, #tpu.memory_space<hbm>>
        tpu.enqueue_dma source(%dma_start3A_26 : memref<1024xf32, #tpu.memory_space<hbm>>) target(%arg12 : memref<1024xf32, #tpu.memory_space<vmem>>) target_semaphore(%run_scoped3A : memref<!tpu.dma_semaphore, #tpu.memory_space<semaphore_mem>>)
        %dma_wait3A = arith.constant 0 : i32
        %dma_wait3A_27 = tpu.memref_slice %arg5[%add3A_9, %dma_wait3A] : memref<64x1024xf32, #tpu.memory_space<hbm>> -> memref<1x1024xf32, #tpu.memory_space<hbm>>
        %dma_wait3A_28 = tpu.memref_squeeze %dma_wait3A_27 : memref<1x1024xf32, #tpu.memory_space<hbm>> -> memref<1024xf32, #tpu.memory_space<hbm>>
        %dma_wait3A_29 = arith.constant 0 : i32
        %dma_wait3A_30 = tpu.memref_slice %arg5[%add3A_9, %dma_wait3A_29] : memref<64x1024xf32, #tpu.memory_space<hbm>> -> memref<1x1024xf32, #tpu.memory_space<hbm>>
        %dma_wait3A_31 = tpu.memref_squeeze %dma_wait3A_30 : memref<1x1024xf32, #tpu.memory_space<hbm>> -> memref<1024xf32, #tpu.memory_space<hbm>>
        tpu.wait_dma2 semaphore(%run_scoped3A : memref<!tpu.dma_semaphore, #tpu.memory_space<semaphore_mem>>) src(%dma_wait3A_31 : memref<1024xf32, #tpu.memory_space<hbm>>) dst(%arg12 : memref<1024xf32, #tpu.memory_space<vmem>>)
        tpu.yield
      }) : () -> ()
      "tpu.region"() ({
        %run_scoped3A = tpu.sem_alloc : memref<!tpu.dma_semaphore, #tpu.memory_space<semaphore_mem>>
        %dma_start3A = arith.constant 0 : i32
        %dma_start3A_22 = tpu.memref_slice %arg6[%add3A_9, %dma_start3A] : memref<64x1024xf32, #tpu.memory_space<hbm>> -> memref<1x1024xf32, #tpu.memory_space<hbm>>
        %dma_start3A_23 = tpu.memref_squeeze %dma_start3A_22 : memref<1x1024xf32, #tpu.memory_space<hbm>> -> memref<1024xf32, #tpu.memory_space<hbm>>
        %dma_start3A_24 = arith.constant 0 : i32
        %dma_start3A_25 = tpu.memref_slice %arg6[%add3A_9, %dma_start3A_24] : memref<64x1024xf32, #tpu.memory_space<hbm>> -> memref<1x1024xf32, #tpu.memory_space<hbm>>
        %dma_start3A_26 = tpu.memref_squeeze %dma_start3A_25 : memref<1x1024xf32, #tpu.memory_space<hbm>> -> memref<1024xf32, #tpu.memory_space<hbm>>
        tpu.enqueue_dma source(%dma_start3A_26 : memref<1024xf32, #tpu.memory_space<hbm>>) target(%arg13 : memref<1024xf32, #tpu.memory_space<vmem>>) target_semaphore(%run_scoped3A : memref<!tpu.dma_semaphore, #tpu.memory_space<semaphore_mem>>)
        %dma_wait3A = arith.constant 0 : i32
        %dma_wait3A_27 = tpu.memref_slice %arg6[%add3A_9, %dma_wait3A] : memref<64x1024xf32, #tpu.memory_space<hbm>> -> memref<1x1024xf32, #tpu.memory_space<hbm>>
        %dma_wait3A_28 = tpu.memref_squeeze %dma_wait3A_27 : memref<1x1024xf32, #tpu.memory_space<hbm>> -> memref<1024xf32, #tpu.memory_space<hbm>>
        %dma_wait3A_29 = arith.constant 0 : i32
        %dma_wait3A_30 = tpu.memref_slice %arg6[%add3A_9, %dma_wait3A_29] : memref<64x1024xf32, #tpu.memory_space<hbm>> -> memref<1x1024xf32, #tpu.memory_space<hbm>>
        %dma_wait3A_31 = tpu.memref_squeeze %dma_wait3A_30 : memref<1x1024xf32, #tpu.memory_space<hbm>> -> memref<1024xf32, #tpu.memory_space<hbm>>
        tpu.wait_dma2 semaphore(%run_scoped3A : memref<!tpu.dma_semaphore, #tpu.memory_space<semaphore_mem>>) src(%dma_wait3A_31 : memref<1024xf32, #tpu.memory_space<hbm>>) dst(%arg13 : memref<1024xf32, #tpu.memory_space<vmem>>)
        tpu.yield
      }) : () -> ()
      "tpu.region"() ({
        %run_scoped3A = tpu.sem_alloc : memref<!tpu.dma_semaphore, #tpu.memory_space<semaphore_mem>>
        %dma_start3A = arith.constant 0 : i32
        %dma_start3A_22 = tpu.memref_slice %arg7[%add3A_9, %dma_start3A] : memref<64x16xi32, #tpu.memory_space<hbm>> -> memref<1x16xi32, #tpu.memory_space<hbm>>
        %dma_start3A_23 = tpu.memref_squeeze %dma_start3A_22 : memref<1x16xi32, #tpu.memory_space<hbm>> -> memref<16xi32, #tpu.memory_space<hbm>>
        %dma_start3A_24 = arith.constant 0 : i32
        %dma_start3A_25 = tpu.memref_slice %arg7[%add3A_9, %dma_start3A_24] : memref<64x16xi32, #tpu.memory_space<hbm>> -> memref<1x16xi32, #tpu.memory_space<hbm>>
        %dma_start3A_26 = tpu.memref_squeeze %dma_start3A_25 : memref<1x16xi32, #tpu.memory_space<hbm>> -> memref<16xi32, #tpu.memory_space<hbm>>
        tpu.enqueue_dma source(%dma_start3A_26 : memref<16xi32, #tpu.memory_space<hbm>>) target(%arg14 : memref<16xi32, #tpu.memory_space<vmem>>) target_semaphore(%run_scoped3A : memref<!tpu.dma_semaphore, #tpu.memory_space<semaphore_mem>>)
        %dma_wait3A = arith.constant 0 : i32
        %dma_wait3A_27 = tpu.memref_slice %arg7[%add3A_9, %dma_wait3A] : memref<64x16xi32, #tpu.memory_space<hbm>> -> memref<1x16xi32, #tpu.memory_space<hbm>>
        %dma_wait3A_28 = tpu.memref_squeeze %dma_wait3A_27 : memref<1x16xi32, #tpu.memory_space<hbm>> -> memref<16xi32, #tpu.memory_space<hbm>>
        %dma_wait3A_29 = arith.constant 0 : i32
        %dma_wait3A_30 = tpu.memref_slice %arg7[%add3A_9, %dma_wait3A_29] : memref<64x16xi32, #tpu.memory_space<hbm>> -> memref<1x16xi32, #tpu.memory_space<hbm>>
        %dma_wait3A_31 = tpu.memref_squeeze %dma_wait3A_30 : memref<1x16xi32, #tpu.memory_space<hbm>> -> memref<16xi32, #tpu.memory_space<hbm>>
        tpu.wait_dma2 semaphore(%run_scoped3A : memref<!tpu.dma_semaphore, #tpu.memory_space<semaphore_mem>>) src(%dma_wait3A_31 : memref<16xi32, #tpu.memory_space<hbm>>) dst(%arg14 : memref<16xi32, #tpu.memory_space<vmem>>)
        tpu.yield
      }) : () -> ()
      %get3A = arith.constant 0 : index
      %get3A_10 = tpu.vector_load %arg14[%get3A] {strides = array<i32>} : memref<16xi32, #tpu.memory_space<vmem>>, vector<16xi32>,
      %broadcast_in_dim3A = arith.constant 0.000000e+00 : f32
      %broadcast_in_dim3A_11 = vector.broadcast %broadcast_in_dim3A : f32 to vector<16xf32>
      %scan3A_12 = arith.constant 0 : i32
      %scan3A_13 = arith.constant 64 : i32
      %scan3A_14 = arith.addi %scan3A_12, %scan3A_13 : i32
      %scan3A_15 = arith.constant 1 : i32
      %scan3A_16 = scf.for %scan3A_22 = %scan3A_12 to %scan3A_14 step %scan3A_15 iter_args(%scan3A_23 = %broadcast_in_dim3A_11) -> (vector<16xf32>)  : i32 {
        %mul3A_24 = arith.constant 16 : i32
        %mul3A_25 = arith.muli %scan3A_22, %mul3A_24 : i32
        %mul3A_26 = arith.constant 16 : i32
        %mul3A_27 = arith.muli %scan3A_22, %mul3A_26 : i32
        %add3A_28 = vector.broadcast %mul3A_27 : i32 to vector<16xi32>
        %add3A_29 = arith.addi %iota3A, %add3A_28 : vector<16xi32>
        %lt3A = arith.cmpi slt, %add3A_29, %get3A_10 : vector<16xi32>
        %get3A_30 = arith.index_cast %mul3A_25 : i32 to index
        %get3A_31 = tpu.vector_load %arg9[%get3A_30] {strides = array<i32>} : memref<1024xf32, #tpu.memory_space<vmem>>, vector<16xf32>,
        %jit3A = arith.constant 0.000000e+00 : f32
        %jit3A_32 = arith.constant 1.023000e+03 : f32
        %max3A = vector.broadcast %jit3A : f32 to vector<16xf32>
        %max3A_33 = arith.maximumf %max3A, %get3A_31 : vector<16xf32>
        %min3A = vector.broadcast %jit3A_32 : f32 to vector<16xf32>
        %min3A_34 = arith.minimumf %min3A, %max3A_33 : vector<16xf32>
        %convert_element_type3A = arith.fptosi %min3A_34 : vector<16xf32> to vector<16xi32>
        %gather3A = tpu.vector_load_idx %arg10[%convert_element_type3A] : memref<1024xf32, #tpu.memory_space<vmem>>[vector<16xi32>], vector<16xf32>,
        %gather3A_35 = tpu.vector_load_idx %arg11[%convert_element_type3A] : memref<1024xf32, #tpu.memory_space<vmem>>[vector<16xi32>], vector<16xf32>,
        %get3A_36 = arith.index_cast %mul3A_25 : i32 to index
        %get3A_37 = tpu.vector_load %arg12[%get3A_36] {strides = array<i32>} : memref<1024xf32, #tpu.memory_space<vmem>>, vector<16xf32>,
        %get3A_38 = arith.index_cast %mul3A_25 : i32 to index
        %get3A_39 = tpu.vector_load %arg13[%get3A_38] {strides = array<i32>} : memref<1024xf32, #tpu.memory_space<vmem>>, vector<16xf32>,
        %add3A_40 = arith.constant 1.000000e+00 : f32
        %add3A_41 = vector.broadcast %add3A_40 : f32 to vector<16xf32>
        %add3A_42 = arith.addf %gather3A, %add3A_41 : vector<16xf32>
        %mul3A_43 = arith.constant 5.000000e-01 : f32
        %mul3A_44 = vector.broadcast %mul3A_43 : f32 to vector<16xf32>
        %mul3A_45 = arith.mulf %add3A_42, %mul3A_44 : vector<16xf32>
        %mul3A_46 = arith.constant 2.550000e+02 : f32
        %mul3A_47 = vector.broadcast %mul3A_46 : f32 to vector<16xf32>
        %mul3A_48 = arith.mulf %mul3A_45, %mul3A_47 : vector<16xf32>
        %add3A_49 = arith.constant 1.000000e+00 : f32
        %add3A_50 = vector.broadcast %add3A_49 : f32 to vector<16xf32>
        %add3A_51 = arith.addf %gather3A_35, %add3A_50 : vector<16xf32>
        %mul3A_52 = arith.constant 5.000000e-01 : f32
        %mul3A_53 = vector.broadcast %mul3A_52 : f32 to vector<16xf32>
        %mul3A_54 = arith.mulf %add3A_51, %mul3A_53 : vector<16xf32>
        %mul3A_55 = arith.constant 2.550000e+02 : f32
        %mul3A_56 = vector.broadcast %mul3A_55 : f32 to vector<16xf32>
        %mul3A_57 = arith.mulf %mul3A_54, %mul3A_56 : vector<16xf32>
        %add3A_58 = arith.constant 1.000000e+00 : f32
        %add3A_59 = vector.broadcast %add3A_58 : f32 to vector<16xf32>
        %add3A_60 = arith.addf %get3A_37, %add3A_59 : vector<16xf32>
        %mul3A_61 = arith.constant 5.000000e-01 : f32
        %mul3A_62 = vector.broadcast %mul3A_61 : f32 to vector<16xf32>
        %mul3A_63 = arith.mulf %add3A_60, %mul3A_62 : vector<16xf32>
        %mul3A_64 = arith.constant 2.550000e+02 : f32
        %mul3A_65 = vector.broadcast %mul3A_64 : f32 to vector<16xf32>
        %mul3A_66 = arith.mulf %mul3A_63, %mul3A_65 : vector<16xf32>
        %add3A_67 = arith.constant 1.000000e+00 : f32
        %add3A_68 = vector.broadcast %add3A_67 : f32 to vector<16xf32>
        %add3A_69 = arith.addf %get3A_39, %add3A_68 : vector<16xf32>
        %mul3A_70 = arith.constant 5.000000e-01 : f32
        %mul3A_71 = vector.broadcast %mul3A_70 : f32 to vector<16xf32>
        %mul3A_72 = arith.mulf %add3A_69, %mul3A_71 : vector<16xf32>
        %mul3A_73 = arith.constant 2.550000e+02 : f32
        %mul3A_74 = vector.broadcast %mul3A_73 : f32 to vector<16xf32>
        %mul3A_75 = arith.mulf %mul3A_72, %mul3A_74 : vector<16xf32>
        %sub3A = arith.subf %mul3A_48, %mul3A_66 : vector<16xf32>
        %sub3A_76 = arith.subf %mul3A_57, %mul3A_75 : vector<16xf32>
        %abs3A = math.absf %sub3A : vector<16xf32>
        %abs3A_77 = math.absf %sub3A_76 : vector<16xf32>
        %lt3A_78 = arith.constant 1.000000e+00 : f32
        %lt3A_79 = vector.broadcast %lt3A_78 : f32 to vector<16xf32>
        %lt3A_80 = arith.cmpf olt, %abs3A, %lt3A_79 : vector<16xf32>
        %mul3A_81 = arith.constant 5.000000e-01 : f32
        %mul3A_82 = vector.broadcast %mul3A_81 : f32 to vector<16xf32>
        %mul3A_83 = arith.mulf %mul3A_82, %sub3A : vector<16xf32>
        %mul3A_84 = arith.mulf %mul3A_83, %sub3A : vector<16xf32>
        %sub3A_85 = arith.constant 5.000000e-01 : f32
        %sub3A_86 = vector.broadcast %sub3A_85 : f32 to vector<16xf32>
        %sub3A_87 = arith.subf %abs3A, %sub3A_86 : vector<16xf32>
        %select_n3A = arith.select %lt3A_80, %mul3A_84, %sub3A_87 : vector<16xi1>, vector<16xf32>
        %lt3A_88 = arith.constant 1.000000e+00 : f32
        %lt3A_89 = vector.broadcast %lt3A_88 : f32 to vector<16xf32>
        %lt3A_90 = arith.cmpf olt, %abs3A_77, %lt3A_89 : vector<16xf32>
        %mul3A_91 = arith.constant 5.000000e-01 : f32
        %mul3A_92 = vector.broadcast %mul3A_91 : f32 to vector<16xf32>
        %mul3A_93 = arith.mulf %mul3A_92, %sub3A_76 : vector<16xf32>
        %mul3A_94 = arith.mulf %mul3A_93, %sub3A_76 : vector<16xf32>
        %sub3A_95 = arith.constant 5.000000e-01 : f32
        %sub3A_96 = vector.broadcast %sub3A_95 : f32 to vector<16xf32>
        %sub3A_97 = arith.subf %abs3A_77, %sub3A_96 : vector<16xf32>
        %select_n3A_98 = arith.select %lt3A_90, %mul3A_94, %sub3A_97 : vector<16xi1>, vector<16xf32>
        %add3A_99 = arith.addf %select_n3A, %select_n3A_98 : vector<16xf32>
        %broadcast_in_dim3A_100 = arith.constant 0.000000e+00 : f32
        %broadcast_in_dim3A_101 = vector.broadcast %broadcast_in_dim3A_100 : f32 to vector<16xf32>
        %select_n3A_102 = arith.select %lt3A, %add3A_99, %broadcast_in_dim3A_101 : vector<16xi1>, vector<16xf32>
        %add3A_103 = arith.addf %scan3A_23, %select_n3A_102 : vector<16xf32>
        scf.yield %add3A_103 : vector<16xf32>
      }
      %scan3A_17 = arith.constant 64 : i32
      %swap3A = arith.constant 0 : index
      %swap3A_18 = tpu.vector_load %arg15[%swap3A] {strides = array<i32>} : memref<16xf32, #tpu.memory_space<vmem>>, vector<16xf32>,
      tpu.vector_store %arg15[%swap3A], %scan3A_16 {strides = array<i32>} : memref<16xf32, #tpu.memory_space<vmem>>, vector<16xf32>,
      %mul3A_19 = arith.constant 2 : i32
      %mul3A_20 = arith.muli %add3A, %mul3A_19 : i32
      %add3A_21 = arith.addi %mul3A_20, %scan3A_6 : i32
      "tpu.region"() ({
        %run_scoped3A = tpu.sem_alloc : memref<!tpu.dma_semaphore, #tpu.memory_space<semaphore_mem>>
        %dma_start3A = arith.constant 0 : i32
        %dma_start3A_22 = tpu.memref_slice %arg8[%add3A_21, %dma_start3A] : memref<64x16xf32, #tpu.memory_space<hbm>> -> memref<1x16xf32, #tpu.memory_space<hbm>>
        %dma_start3A_23 = tpu.memref_squeeze %dma_start3A_22 : memref<1x16xf32, #tpu.memory_space<hbm>> -> memref<16xf32, #tpu.memory_space<hbm>>
        %dma_start3A_24 = arith.constant 0 : i32
        %dma_start3A_25 = tpu.memref_slice %arg8[%add3A_21, %dma_start3A_24] : memref<64x16xf32, #tpu.memory_space<hbm>> -> memref<1x16xf32, #tpu.memory_space<hbm>>
        %dma_start3A_26 = tpu.memref_squeeze %dma_start3A_25 : memref<1x16xf32, #tpu.memory_space<hbm>> -> memref<16xf32, #tpu.memory_space<hbm>>
        tpu.enqueue_dma source(%arg15 : memref<16xf32, #tpu.memory_space<vmem>>) target(%dma_start3A_26 : memref<16xf32, #tpu.memory_space<hbm>>) target_semaphore(%run_scoped3A : memref<!tpu.dma_semaphore, #tpu.memory_space<semaphore_mem>>)
        %dma_wait3A = arith.constant 0 : i32
        %dma_wait3A_27 = tpu.memref_slice %arg8[%add3A_21, %dma_wait3A] : memref<64x16xf32, #tpu.memory_space<hbm>> -> memref<1x16xf32, #tpu.memory_space<hbm>>
        %dma_wait3A_28 = tpu.memref_squeeze %dma_wait3A_27 : memref<1x16xf32, #tpu.memory_space<hbm>> -> memref<16xf32, #tpu.memory_space<hbm>>
        %dma_wait3A_29 = arith.constant 0 : i32
        %dma_wait3A_30 = tpu.memref_slice %arg8[%add3A_21, %dma_wait3A_29] : memref<64x16xf32, #tpu.memory_space<hbm>> -> memref<1x16xf32, #tpu.memory_space<hbm>>
        %dma_wait3A_31 = tpu.memref_squeeze %dma_wait3A_30 : memref<1x16xf32, #tpu.memory_space<hbm>> -> memref<16xf32, #tpu.memory_space<hbm>>
        tpu.wait_dma2 semaphore(%run_scoped3A : memref<!tpu.dma_semaphore, #tpu.memory_space<semaphore_mem>>) src(%arg15 : memref<16xf32, #tpu.memory_space<vmem>>) dst(%dma_wait3A_31 : memref<16xf32, #tpu.memory_space<hbm>>)
        tpu.yield
      }) : () -> ()
    }
    %scan3A_5 = arith.constant 2 : i32
    return
  }
}

module attributes {stable_mosaic.version = 14 : i64} {
  func.func @_combine_kernel(%arg0: memref<64x16xf32, #tpu.memory_space<vmem>>, %arg1: memref<4xf32, #tpu.memory_space<smem>>, %arg2: memref<4xf32, #tpu.memory_space<smem>>) attributes {dimension_semantics = [], scalar_prefetch = 0 : i64, scratch_operands = 0 : i64, tpu.core_type = #tpu.core_type<tc>} {
    %get3A = arith.constant 0 : index
    %get3A_0 = arith.constant 0 : index
    %get3A_1 = vector.load %arg0[%get3A, %get3A_0] : memref<64x16xf32, #tpu.memory_space<vmem>>, vector<64x16xf32>
    %reduce_sum3A = vector.shape_cast %get3A_1 : vector<64x16xf32> to vector<1x64x16xf32>
    %reduce_sum3A_2 = arith.constant dense<0.000000e+00> : vector<1xf32>
    %reduce_sum3A_3 = vector.multi_reduction <add>, %reduce_sum3A, %reduce_sum3A_2 [1, 2] : vector<1x64x16xf32> to vector<1xf32>
    %reduce_sum3A_4 = vector.shape_cast %reduce_sum3A_3 : vector<1xf32> to vector<1x1x1xf32>
    %reduce_sum3A_5 = vector.extract %reduce_sum3A_4[0, 0, 0] : f32 from vector<1x1x1xf32>
    %get3A_6 = arith.constant 0 : index
    %get3A_7 = memref.load %arg1[%get3A_6] : memref<4xf32, #tpu.memory_space<smem>>
    %get3A_8 = arith.constant 1 : index
    %get3A_9 = memref.load %arg1[%get3A_8] : memref<4xf32, #tpu.memory_space<smem>>
    %get3A_10 = arith.constant 2 : index
    %get3A_11 = memref.load %arg1[%get3A_10] : memref<4xf32, #tpu.memory_space<smem>>
    %gt3A = arith.constant 0.000000e+00 : f32
    %gt3A_12 = arith.cmpf ogt, %get3A_11, %gt3A : f32
    %mul3A = arith.constant 2.000000e+00 : f32
    %mul3A_13 = arith.mulf %mul3A, %get3A_11 : f32
    %max3A = arith.constant 1.000000e+00 : f32
    %max3A_14 = arith.maximumf %mul3A_13, %max3A : f32
    %div3A = arith.divf %reduce_sum3A_5, %max3A_14 : f32
    %jit3A = arith.constant 0.000000e+00 : f32
    %select_n3A = arith.select %gt3A_12, %div3A, %jit3A : f32
    %mul3A_15 = arith.constant 1.000000e+00 : f32
    %mul3A_16 = arith.mulf %mul3A_15, %select_n3A : f32
    %mul3A_17 = arith.constant 1.000000e+00 : f32
    %mul3A_18 = arith.mulf %mul3A_17, %get3A_7 : f32
    %add3A = arith.addf %mul3A_16, %mul3A_18 : f32
    %mul3A_19 = arith.constant 1.000000e-01 : f32
    %mul3A_20 = arith.mulf %mul3A_19, %get3A_9 : f32
    %add3A_21 = arith.addf %add3A, %mul3A_20 : f32
    %swap3A = arith.constant 0 : index
    %swap3A_22 = memref.load %arg2[%swap3A] : memref<4xf32, #tpu.memory_space<smem>>
    memref.store %add3A_21, %arg2[%swap3A] : memref<4xf32, #tpu.memory_space<smem>>
    %swap3A_23 = arith.constant 1 : index
    %swap3A_24 = memref.load %arg2[%swap3A_23] : memref<4xf32, #tpu.memory_space<smem>>
    memref.store %get3A_7, %arg2[%swap3A_23] : memref<4xf32, #tpu.memory_space<smem>>
    %swap3A_25 = arith.constant 2 : index
    %swap3A_26 = memref.load %arg2[%swap3A_25] : memref<4xf32, #tpu.memory_space<smem>>
    memref.store %select_n3A, %arg2[%swap3A_25] : memref<4xf32, #tpu.memory_space<smem>>
    %swap3A_27 = arith.constant 3 : index
    %swap3A_28 = memref.load %arg2[%swap3A_27] : memref<4xf32, #tpu.memory_space<smem>>
    memref.store %get3A_9, %arg2[%swap3A_27] : memref<4xf32, #tpu.memory_space<smem>>
    return
  }
}

module attributes {stable_mosaic.version = 14 : i64} {
  func.func @_match_kernel(%arg0: memref<64x1024xf32, #tpu.memory_space<vmem>>, %arg1: memref<64x1024xf32, #tpu.memory_space<vmem>>, %arg2: memref<64x1024xf32, #tpu.memory_space<vmem>>, %arg3: memref<64x1024xf32, #tpu.memory_space<vmem>>, %arg4: memref<64x1024xf32, #tpu.memory_space<vmem>>, %arg5: memref<64x1024xf32, #tpu.memory_space<vmem>>, %arg6: memref<64x1024xf32, #tpu.memory_space<vmem>>, %arg7: memref<64x16xi32, #tpu.memory_space<vmem>>, %arg8: memref<64x1024xf32, #tpu.memory_space<vmem>>, %arg9: memref<64x1xf32, #tpu.memory_space<vmem>>, %arg10: memref<64x1024xf32, #tpu.memory_space<vmem>>, %arg11: memref<64x1024xf32, #tpu.memory_space<vmem>>, %arg12: memref<64x1024xf32, #tpu.memory_space<vmem>>, %arg13: memref<4xf32, #tpu.memory_space<smem>>, %arg14: memref<64x1024xf32, #tpu.memory_space<vmem>>) attributes {dimension_semantics = [], scalar_prefetch = 0 : i64, scratch_operands = 1 : i64, tpu.core_type = #tpu.core_type<tc>} {
    %get3A = arith.constant 0 : index
    %get3A_0 = arith.constant 0 : index
    %get3A_1 = vector.load %arg9[%get3A, %get3A_0] : memref<64x1xf32, #tpu.memory_space<vmem>>, vector<64x1xf32>
    %add3A = arith.constant 9.99999997E-7 : f32
    %add3A_2 = vector.broadcast %add3A : f32 to vector<64x1xf32>
    %add3A_3 = arith.addf %get3A_1, %add3A_2 : vector<64x1xf32>
    %sqrt3A = math.sqrt %add3A_3 : vector<64x1xf32>
    %sub3A = arith.constant 1.000000e+00 : f32
    %sub3A_4 = vector.broadcast %sub3A : f32 to vector<64x1xf32>
    %sub3A_5 = arith.subf %sub3A_4, %get3A_1 : vector<64x1xf32>
    %jit3A = arith.constant 0.000000e+00 : f32
    %max3A = vector.broadcast %jit3A : f32 to vector<64x1xf32>
    %max3A_6 = arith.maximumf %max3A, %sub3A_5 : vector<64x1xf32>
    %sqrt3A_7 = math.sqrt %max3A_6 : vector<64x1xf32>
    %get3A_8 = arith.constant 0 : index
    %get3A_9 = arith.constant 0 : index
    %get3A_10 = vector.load %arg0[%get3A_8, %get3A_9] : memref<64x1024xf32, #tpu.memory_space<vmem>>, vector<64x1024xf32>
    %get3A_11 = arith.constant 0 : index
    %get3A_12 = arith.constant 0 : index
    %get3A_13 = vector.load %arg2[%get3A_11, %get3A_12] : memref<64x1024xf32, #tpu.memory_space<vmem>>, vector<64x1024xf32>
    %mul3A = vector.broadcast %sqrt3A_7 : vector<64x1xf32> to vector<64x1024xf32>
    %mul3A_14 = arith.mulf %mul3A, %get3A_13 : vector<64x1024xf32>
    %sub3A_15 = arith.subf %get3A_10, %mul3A_14 : vector<64x1024xf32>
    %div3A = vector.broadcast %sqrt3A : vector<64x1xf32> to vector<64x1024xf32>
    %div3A_16 = arith.divf %sub3A_15, %div3A : vector<64x1024xf32>
    %jit3A_17 = arith.constant -9.990000e-01 : f32
    %jit3A_18 = arith.constant 9.990000e-01 : f32
    %max3A_19 = vector.broadcast %jit3A_17 : f32 to vector<64x1024xf32>
    %max3A_20 = arith.maximumf %max3A_19, %div3A_16 : vector<64x1024xf32>
    %min3A = vector.broadcast %jit3A_18 : f32 to vector<64x1024xf32>
    %min3A_21 = arith.minimumf %min3A, %max3A_20 : vector<64x1024xf32>
    %swap3A = arith.constant 0 : index
    %swap3A_22 = arith.constant 0 : index
    %swap3A_23 = vector.load %arg11[%swap3A, %swap3A_22] : memref<64x1024xf32, #tpu.memory_space<vmem>>, vector<64x1024xf32>
    tpu.vector_store %arg11[%swap3A, %swap3A_22], %min3A_21 {strides = array<i32>} : memref<64x1024xf32, #tpu.memory_space<vmem>>, vector<64x1024xf32>,
    %get3A_24 = arith.constant 0 : index
    %get3A_25 = arith.constant 0 : index
    %get3A_26 = vector.load %arg1[%get3A_24, %get3A_25] : memref<64x1024xf32, #tpu.memory_space<vmem>>, vector<64x1024xf32>
    %get3A_27 = arith.constant 0 : index
    %get3A_28 = arith.constant 0 : index
    %get3A_29 = vector.load %arg3[%get3A_27, %get3A_28] : memref<64x1024xf32, #tpu.memory_space<vmem>>, vector<64x1024xf32>
    %mul3A_30 = vector.broadcast %sqrt3A_7 : vector<64x1xf32> to vector<64x1024xf32>
    %mul3A_31 = arith.mulf %mul3A_30, %get3A_29 : vector<64x1024xf32>
    %sub3A_32 = arith.subf %get3A_26, %mul3A_31 : vector<64x1024xf32>
    %div3A_33 = vector.broadcast %sqrt3A : vector<64x1xf32> to vector<64x1024xf32>
    %div3A_34 = arith.divf %sub3A_32, %div3A_33 : vector<64x1024xf32>
    %jit3A_35 = arith.constant -9.990000e-01 : f32
    %jit3A_36 = arith.constant 9.990000e-01 : f32
    %max3A_37 = vector.broadcast %jit3A_35 : f32 to vector<64x1024xf32>
    %max3A_38 = arith.maximumf %max3A_37, %div3A_34 : vector<64x1024xf32>
    %min3A_39 = vector.broadcast %jit3A_36 : f32 to vector<64x1024xf32>
    %min3A_40 = arith.minimumf %min3A_39, %max3A_38 : vector<64x1024xf32>
    %swap3A_41 = arith.constant 0 : index
    %swap3A_42 = arith.constant 0 : index
    %swap3A_43 = vector.load %arg12[%swap3A_41, %swap3A_42] : memref<64x1024xf32, #tpu.memory_space<vmem>>, vector<64x1024xf32>
    tpu.vector_store %arg12[%swap3A_41, %swap3A_42], %min3A_40 {strides = array<i32>} : memref<64x1024xf32, #tpu.memory_space<vmem>>, vector<64x1024xf32>,
    %get3A_44 = arith.constant 0 : index
    %get3A_45 = arith.constant 0 : index
    %get3A_46 = vector.load %arg4[%get3A_44, %get3A_45] : memref<64x1024xf32, #tpu.memory_space<vmem>>, vector<64x1024xf32>
    %neg3A = arith.constant 0.000000e+00 : f32
    %neg3A_47 = vector.broadcast %neg3A : f32 to vector<64x1024xf32>
    %neg3A_48 = arith.subf %neg3A_47, %get3A_46 : vector<64x1024xf32>
    %exp3A = math.exp %neg3A_48 : vector<64x1024xf32>
    %add3A_49 = arith.constant 1.000000e+00 : f32
    %add3A_50 = vector.broadcast %add3A_49 : f32 to vector<64x1024xf32>
    %add3A_51 = arith.addf %add3A_50, %exp3A : vector<64x1024xf32>
    %div3A_52 = arith.constant 1.000000e+00 : f32
    %div3A_53 = vector.broadcast %div3A_52 : f32 to vector<64x1024xf32>
    %div3A_54 = arith.divf %div3A_53, %add3A_51 : vector<64x1024xf32>
    %swap3A_55 = arith.constant 0 : index
    %swap3A_56 = arith.constant 0 : index
    %swap3A_57 = vector.load %arg14[%swap3A_55, %swap3A_56] : memref<64x1024xf32, #tpu.memory_space<vmem>>, vector<64x1024xf32>
    tpu.vector_store %arg14[%swap3A_55, %swap3A_56], %div3A_54 {strides = array<i32>} : memref<64x1024xf32, #tpu.memory_space<vmem>>, vector<64x1024xf32>,
    %iota3A = tpu.iota {dimensions = array<i32: 1>} : vector<64x1024xi32>
    %convert_element_type3A = arith.sitofp %iota3A : vector<64x1024xi32> to vector<64x1024xf32>
    %iota3A_58 = tpu.iota {dimensions = array<i32: 1>} : vector<64x128xi32>
    %get3A_59 = arith.constant 0 : index
    %get3A_60 = arith.constant 0 : index
    %get3A_61 = vector.load %arg7[%get3A_59, %get3A_60] : memref<64x16xi32, #tpu.memory_space<vmem>>, vector<64x1xi32>
    %get3A_62 = arith.constant 0 : index
    %get3A_63 = arith.constant 0 : index
    %get3A_64 = vector.load %arg7[%get3A_62, %get3A_63] : memref<64x16xi32, #tpu.memory_space<vmem>>, vector<64x16xi32>
    %reduce_max3A = vector.shape_cast %get3A_64 : vector<64x16xi32> to vector<1x64x16xi32>
    %reduce_max3A_65 = arith.constant dense<-2147483648> : vector<1xi32>
    %reduce_max3A_66 = vector.multi_reduction <maxsi>, %reduce_max3A, %reduce_max3A_65 [1, 2] : vector<1x64x16xi32> to vector<1xi32>
    %reduce_max3A_67 = vector.shape_cast %reduce_max3A_66 : vector<1xi32> to vector<1x1x1xi32>
    %reduce_max3A_68 = vector.extract %reduce_max3A_67[0, 0, 0] : i32 from vector<1x1x1xi32>
    %add3A_69 = arith.constant 127 : i32
    %add3A_70 = arith.addi %reduce_max3A_68, %add3A_69 : i32
    %jit3A_71 = arith.constant 128 : i32
    %div3A_72 = arith.divsi %add3A_70, %jit3A_71 : i32
    %sign3A = arith.constant 0 : i32
    %sign3A_73 = arith.cmpi sgt, %add3A_70, %sign3A : i32
    %sign3A_74 = arith.extui %sign3A_73 : i1 to i32
    %sign3A_75 = arith.constant 0 : i32
    %sign3A_76 = arith.cmpi slt, %add3A_70, %sign3A_75 : i32
    %sign3A_77 = arith.extui %sign3A_76 : i1 to i32
    %sign3A_78 = arith.subi %sign3A_74, %sign3A_77 : i32
    %sign3A_79 = arith.constant 0 : i32
    %sign3A_80 = arith.cmpi sgt, %jit3A_71, %sign3A_79 : i32
    %sign3A_81 = arith.extui %sign3A_80 : i1 to i32
    %sign3A_82 = arith.constant 0 : i32
    %sign3A_83 = arith.cmpi slt, %jit3A_71, %sign3A_82 : i32
    %sign3A_84 = arith.extui %sign3A_83 : i1 to i32
    %sign3A_85 = arith.subi %sign3A_81, %sign3A_84 : i32
    %ne3A = arith.cmpi ne, %sign3A_78, %sign3A_85 : i32
    %rem3A = arith.remsi %add3A_70, %jit3A_71 : i32
    %ne3A_86 = arith.constant 0 : i32
    %ne3A_87 = arith.cmpi ne, %rem3A, %ne3A_86 : i32
    %and3A = arith.andi %ne3A, %ne3A_87 : i1
    %sub3A_88 = arith.constant 1 : i32
    %sub3A_89 = arith.subi %div3A_72, %sub3A_88 : i32
    %select_n3A = arith.select %and3A, %sub3A_89, %div3A_72 : i32
    %while3A = arith.constant 0 : i32
    %while3A_90 = arith.constant 0 : i32
    %while3A_91 = arith.subi %select_n3A, %while3A_90 : i32
    %while3A_92 = arith.addi %while3A_90, %while3A_91 : i32
    %while3A_93 = arith.constant 1 : i32
    %while3A_94 = arith.divsi %while3A_91, %while3A_93 : i32
    %while3A_95 = arith.muli %while3A_94, %while3A_93 : i32
    %while3A_96 = arith.addi %while3A_90, %while3A_95 : i32
    %while3A_97 = arith.constant 1 : i32
    scf.for %while3A_188 = %while3A_90 to %while3A_96 step %while3A_97  : i32 {
      %mul3A_189 = arith.constant 128 : i32
      %mul3A_190 = arith.muli %while3A_188, %mul3A_189 : i32
      %multiple_of3A = tpu.assume_multiple %mul3A_190, 128 : i32
      %get3A_191 = arith.constant 0 : index
      %get3A_192 = arith.index_cast %multiple_of3A : i32 to index
      %get3A_193 = vector.load %arg5[%get3A_191, %get3A_192] : memref<64x1024xf32, #tpu.memory_space<vmem>>, vector<64x128xf32>
      %get3A_194 = arith.constant 0 : index
      %get3A_195 = arith.index_cast %multiple_of3A : i32 to index
      %get3A_196 = vector.load %arg6[%get3A_194, %get3A_195] : memref<64x1024xf32, #tpu.memory_space<vmem>>, vector<64x128xf32>
      %sub3A_197 = arith.subi %reduce_max3A_68, %multiple_of3A : i32
      %min3A_198 = arith.constant 128 : i32
      %min3A_199 = arith.minsi %sub3A_197, %min3A_198 : i32
      %add3A_200 = arith.constant 7 : i32
      %add3A_201 = arith.addi %min3A_199, %add3A_200 : i32
      %jit3A_202 = arith.constant 8 : i32
      %div3A_203 = arith.divsi %add3A_201, %jit3A_202 : i32
      %sign3A_204 = arith.constant 0 : i32
      %sign3A_205 = arith.cmpi sgt, %add3A_201, %sign3A_204 : i32
      %sign3A_206 = arith.extui %sign3A_205 : i1 to i32
      %sign3A_207 = arith.constant 0 : i32
      %sign3A_208 = arith.cmpi slt, %add3A_201, %sign3A_207 : i32
      %sign3A_209 = arith.extui %sign3A_208 : i1 to i32
      %sign3A_210 = arith.subi %sign3A_206, %sign3A_209 : i32
      %sign3A_211 = arith.constant 0 : i32
      %sign3A_212 = arith.cmpi sgt, %jit3A_202, %sign3A_211 : i32
      %sign3A_213 = arith.extui %sign3A_212 : i1 to i32
      %sign3A_214 = arith.constant 0 : i32
      %sign3A_215 = arith.cmpi slt, %jit3A_202, %sign3A_214 : i32
      %sign3A_216 = arith.extui %sign3A_215 : i1 to i32
      %sign3A_217 = arith.subi %sign3A_213, %sign3A_216 : i32
      %ne3A_218 = arith.cmpi ne, %sign3A_210, %sign3A_217 : i32
      %rem3A_219 = arith.remsi %add3A_201, %jit3A_202 : i32
      %ne3A_220 = arith.constant 0 : i32
      %ne3A_221 = arith.cmpi ne, %rem3A_219, %ne3A_220 : i32
      %and3A_222 = arith.andi %ne3A_218, %ne3A_221 : i1
      %sub3A_223 = arith.constant 1 : i32
      %sub3A_224 = arith.subi %div3A_203, %sub3A_223 : i32
      %select_n3A_225 = arith.select %and3A_222, %sub3A_224, %div3A_203 : i32
      %broadcast_in_dim3A_226 = arith.constant 0.000000e+00 : f32
      %broadcast_in_dim3A_227 = vector.broadcast %broadcast_in_dim3A_226 : f32 to vector<64x128xf32>
      %while3A_228 = arith.constant 0 : i32
      %while3A_229 = arith.subi %select_n3A_225, %while3A_228 : i32
      %while3A_230 = arith.addi %while3A_228, %while3A_229 : i32
      %while3A_231 = arith.constant 1 : i32
      %while3A_232 = arith.divsi %while3A_229, %while3A_231 : i32
      %while3A_233 = arith.muli %while3A_232, %while3A_231 : i32
      %while3A_234 = arith.addi %while3A_228, %while3A_233 : i32
      %while3A_235 = arith.constant 1 : i32
      %while3A_236 = scf.for %while3A_242 = %while3A_228 to %while3A_234 step %while3A_235 iter_args(%while3A_243 = %broadcast_in_dim3A_227) -> (vector<64x128xf32>)  : i32 {
        %mul3A_244 = arith.constant 8 : i32
        %mul3A_245 = arith.muli %mul3A_244, %while3A_242 : i32
        %add3A_246 = arith.constant 0 : i32
        %add3A_247 = arith.addi %mul3A_245, %add3A_246 : i32
        %sub3A_248 = arith.constant 128 : i32
        %sub3A_249 = arith.subi %sub3A_248, %add3A_247 : i32
        %jit3A_250 = arith.constant 128 : i32
        %eq3A_251 = arith.constant 0 : i32
        %eq3A_252 = arith.cmpi eq, %jit3A_250, %eq3A_251 : i32
        %jit3A_253 = arith.constant 1 : i32
        %select_n3A_254 = arith.select %eq3A_252, %jit3A_253, %jit3A_250 : i32
        %rem3A_255 = arith.remsi %sub3A_249, %select_n3A_254 : i32
        %ne3A_256 = arith.constant 0 : i32
        %ne3A_257 = arith.cmpi ne, %rem3A_255, %ne3A_256 : i32
        %lt3A = arith.constant 0 : i32
        %lt3A_258 = arith.cmpi slt, %rem3A_255, %lt3A : i32
        %lt3A_259 = arith.constant 0 : i32
        %lt3A_260 = arith.cmpi slt, %select_n3A_254, %lt3A_259 : i32
        %ne3A_261 = arith.xori %lt3A_258, %lt3A_260 : i1
        %and3A_262 = arith.andi %ne3A_261, %ne3A_257 : i1
        %add3A_263 = arith.addi %rem3A_255, %select_n3A_254 : i32
        %select_n3A_264 = arith.select %and3A_262, %add3A_263, %rem3A_255 : i32
        %roll3A = tpu.dynamic_rotate %get3A_193 by %select_n3A_264 dim 1 : vector<64x128xf32>, i32 -> vector<64x128xf32>
        %slice3A = vector.extract_strided_slice %roll3A {offsets = [0, 0], sizes = [64, 1], strides = [1, 1]} : vector<64x128xf32> to vector<64x1xf32>
        %roll3A_265 = tpu.dynamic_rotate %get3A_196 by %select_n3A_264 dim 1 : vector<64x128xf32>, i32 -> vector<64x128xf32>
        %slice3A_266 = vector.extract_strided_slice %roll3A_265 {offsets = [0, 0], sizes = [64, 1], strides = [1, 1]} : vector<64x128xf32> to vector<64x1xf32>
        %add3A_267 = arith.addi %multiple_of3A, %add3A_247 : i32
        %get3A_268 = arith.constant 0 : index
        %get3A_269 = arith.constant 0 : index
        %get3A_270 = vector.load %arg14[%get3A_268, %get3A_269] : memref<64x1024xf32, #tpu.memory_space<vmem>>, vector<64x1024xf32>
        %get3A_271 = arith.constant 0 : index
        %get3A_272 = arith.constant 0 : index
        %get3A_273 = vector.load %arg11[%get3A_271, %get3A_272] : memref<64x1024xf32, #tpu.memory_space<vmem>>, vector<64x1024xf32>
        %sub3A_274 = vector.broadcast %slice3A : vector<64x1xf32> to vector<64x1024xf32>
        %sub3A_275 = arith.subf %get3A_273, %sub3A_274 : vector<64x1024xf32>
        %abs3A_276 = math.absf %sub3A_275 : vector<64x1024xf32>
        %get3A_277 = arith.constant 0 : index
        %get3A_278 = arith.constant 0 : index
        %get3A_279 = vector.load %arg12[%get3A_277, %get3A_278] : memref<64x1024xf32, #tpu.memory_space<vmem>>, vector<64x1024xf32>
        %sub3A_280 = vector.broadcast %slice3A_266 : vector<64x1xf32> to vector<64x1024xf32>
        %sub3A_281 = arith.subf %get3A_279, %sub3A_280 : vector<64x1024xf32>
        %abs3A_282 = math.absf %sub3A_281 : vector<64x1024xf32>
        %add3A_283 = arith.addf %abs3A_276, %abs3A_282 : vector<64x1024xf32>
        %sub3A_284 = arith.subf %add3A_283, %get3A_270 : vector<64x1024xf32>
        %reduce_min3A = arith.constant dense<0x7F800000> : vector<64xf32>
        %reduce_min3A_285 = vector.multi_reduction <minimumf>, %sub3A_284, %reduce_min3A [1] : vector<64x1024xf32> to vector<64xf32>
        %broadcast_in_dim3A_286 = vector.shape_cast %reduce_min3A_285 : vector<64xf32> to vector<64x1xf32>
        %eq3A_287 = vector.broadcast %broadcast_in_dim3A_286 : vector<64x1xf32> to vector<64x1024xf32>
        %eq3A_288 = arith.cmpf oeq, %sub3A_284, %eq3A_287 : vector<64x1024xf32>
        %jit3A_289 = arith.constant 1.024000e+03 : f32
        %broadcast_in_dim3A_290 = vector.broadcast %jit3A_289 : f32 to vector<64x1024xf32>
        %select_n3A_291 = arith.select %eq3A_288, %convert_element_type3A, %broadcast_in_dim3A_290 : vector<64x1024xi1>, vector<64x1024xf32>
        %reduce_min3A_292 = arith.constant dense<0x7F800000> : vector<64xf32>
        %reduce_min3A_293 = vector.multi_reduction <minimumf>, %select_n3A_291, %reduce_min3A_292 [1] : vector<64x1024xf32> to vector<64xf32>
        %broadcast_in_dim3A_294 = vector.shape_cast %reduce_min3A_293 : vector<64xf32> to vector<64x1xf32>
        %eq3A_295 = vector.broadcast %broadcast_in_dim3A_294 : vector<64x1xf32> to vector<64x1024xf32>
        %eq3A_296 = arith.cmpf oeq, %convert_element_type3A, %eq3A_295 : vector<64x1024xf32>
        %gt3A = vector.broadcast %add3A_267 : i32 to vector<64x1xi32>
        %gt3A_297 = arith.cmpi sgt, %get3A_61, %gt3A : vector<64x1xi32>
        %and3A_298 = vector.broadcast %gt3A_297 : vector<64x1xi1> to vector<64x1024xi1>
        %and3A_299 = arith.andi %eq3A_296, %and3A_298 : vector<64x1024xi1>
        %jit3A_300 = arith.constant 0xFF800000 : f32
        %broadcast_in_dim3A_301 = vector.broadcast %jit3A_300 : f32 to vector<64x1024xf32>
        %select_n3A_302 = arith.select %and3A_299, %broadcast_in_dim3A_301, %get3A_270 : vector<64x1024xi1>, vector<64x1024xf32>
        %swap3A_303 = arith.constant 0 : index
        %swap3A_304 = arith.constant 0 : index
        %swap3A_305 = vector.load %arg14[%swap3A_303, %swap3A_304] : memref<64x1024xf32, #tpu.memory_space<vmem>>, vector<64x1024xf32>
        tpu.vector_store %arg14[%swap3A_303, %swap3A_304], %select_n3A_302 {strides = array<i32>} : memref<64x1024xf32, #tpu.memory_space<vmem>>, vector<64x1024xf32>,
        %eq3A_306 = vector.broadcast %add3A_247 : i32 to vector<64x128xi32>
        %eq3A_307 = arith.cmpi eq, %iota3A_58, %eq3A_306 : vector<64x128xi32>
        %broadcast_in_dim3A_308 = vector.shape_cast %broadcast_in_dim3A_294 : vector<64x1xf32> to vector<64x1xf32>
        %broadcast_in_dim3A_309 = vector.broadcast %broadcast_in_dim3A_308 : vector<64x1xf32> to vector<64x128xf32>
        %select_n3A_310 = arith.select %eq3A_307, %broadcast_in_dim3A_309, %while3A_243 : vector<64x128xi1>, vector<64x128xf32>
        %mul3A_311 = arith.constant 8 : i32
        %mul3A_312 = arith.muli %mul3A_311, %while3A_242 : i32
        %add3A_313 = arith.constant 1 : i32
        %add3A_314 = arith.addi %mul3A_312, %add3A_313 : i32
        %sub3A_315 = arith.constant 128 : i32
        %sub3A_316 = arith.subi %sub3A_315, %add3A_314 : i32
        %jit3A_317 = arith.constant 128 : i32
        %eq3A_318 = arith.constant 0 : i32
        %eq3A_319 = arith.cmpi eq, %jit3A_317, %eq3A_318 : i32
        %jit3A_320 = arith.constant 1 : i32
        %select_n3A_321 = arith.select %eq3A_319, %jit3A_320, %jit3A_317 : i32
        %rem3A_322 = arith.remsi %sub3A_316, %select_n3A_321 : i32
        %ne3A_323 = arith.constant 0 : i32
        %ne3A_324 = arith.cmpi ne, %rem3A_322, %ne3A_323 : i32
        %lt3A_325 = arith.constant 0 : i32
        %lt3A_326 = arith.cmpi slt, %rem3A_322, %lt3A_325 : i32
        %lt3A_327 = arith.constant 0 : i32
        %lt3A_328 = arith.cmpi slt, %select_n3A_321, %lt3A_327 : i32
        %ne3A_329 = arith.xori %lt3A_326, %lt3A_328 : i1
        %and3A_330 = arith.andi %ne3A_329, %ne3A_324 : i1
        %add3A_331 = arith.addi %rem3A_322, %select_n3A_321 : i32
        %select_n3A_332 = arith.select %and3A_330, %add3A_331, %rem3A_322 : i32
        %roll3A_333 = tpu.dynamic_rotate %get3A_193 by %select_n3A_332 dim 1 : vector<64x128xf32>, i32 -> vector<64x128xf32>
        %slice3A_334 = vector.extract_strided_slice %roll3A_333 {offsets = [0, 0], sizes = [64, 1], strides = [1, 1]} : vector<64x128xf32> to vector<64x1xf32>
        %roll3A_335 = tpu.dynamic_rotate %get3A_196 by %select_n3A_332 dim 1 : vector<64x128xf32>, i32 -> vector<64x128xf32>
        %slice3A_336 = vector.extract_strided_slice %roll3A_335 {offsets = [0, 0], sizes = [64, 1], strides = [1, 1]} : vector<64x128xf32> to vector<64x1xf32>
        %add3A_337 = arith.addi %multiple_of3A, %add3A_314 : i32
        %get3A_338 = arith.constant 0 : index
        %get3A_339 = arith.constant 0 : index
        %get3A_340 = vector.load %arg14[%get3A_338, %get3A_339] : memref<64x1024xf32, #tpu.memory_space<vmem>>, vector<64x1024xf32>
        %get3A_341 = arith.constant 0 : index
        %get3A_342 = arith.constant 0 : index
        %get3A_343 = vector.load %arg11[%get3A_341, %get3A_342] : memref<64x1024xf32, #tpu.memory_space<vmem>>, vector<64x1024xf32>
        %sub3A_344 = vector.broadcast %slice3A_334 : vector<64x1xf32> to vector<64x1024xf32>
        %sub3A_345 = arith.subf %get3A_343, %sub3A_344 : vector<64x1024xf32>
        %abs3A_346 = math.absf %sub3A_345 : vector<64x1024xf32>
        %get3A_347 = arith.constant 0 : index
        %get3A_348 = arith.constant 0 : index
        %get3A_349 = vector.load %arg12[%get3A_347, %get3A_348] : memref<64x1024xf32, #tpu.memory_space<vmem>>, vector<64x1024xf32>
        %sub3A_350 = vector.broadcast %slice3A_336 : vector<64x1xf32> to vector<64x1024xf32>
        %sub3A_351 = arith.subf %get3A_349, %sub3A_350 : vector<64x1024xf32>
        %abs3A_352 = math.absf %sub3A_351 : vector<64x1024xf32>
        %add3A_353 = arith.addf %abs3A_346, %abs3A_352 : vector<64x1024xf32>
        %sub3A_354 = arith.subf %add3A_353, %get3A_340 : vector<64x1024xf32>
        %reduce_min3A_355 = arith.constant dense<0x7F800000> : vector<64xf32>
        %reduce_min3A_356 = vector.multi_reduction <minimumf>, %sub3A_354, %reduce_min3A_355 [1] : vector<64x1024xf32> to vector<64xf32>
        %broadcast_in_dim3A_357 = vector.shape_cast %reduce_min3A_356 : vector<64xf32> to vector<64x1xf32>
        %eq3A_358 = vector.broadcast %broadcast_in_dim3A_357 : vector<64x1xf32> to vector<64x1024xf32>
        %eq3A_359 = arith.cmpf oeq, %sub3A_354, %eq3A_358 : vector<64x1024xf32>
        %jit3A_360 = arith.constant 1.024000e+03 : f32
        %broadcast_in_dim3A_361 = vector.broadcast %jit3A_360 : f32 to vector<64x1024xf32>
        %select_n3A_362 = arith.select %eq3A_359, %convert_element_type3A, %broadcast_in_dim3A_361 : vector<64x1024xi1>, vector<64x1024xf32>
        %reduce_min3A_363 = arith.constant dense<0x7F800000> : vector<64xf32>
        %reduce_min3A_364 = vector.multi_reduction <minimumf>, %select_n3A_362, %reduce_min3A_363 [1] : vector<64x1024xf32> to vector<64xf32>
        %broadcast_in_dim3A_365 = vector.shape_cast %reduce_min3A_364 : vector<64xf32> to vector<64x1xf32>
        %eq3A_366 = vector.broadcast %broadcast_in_dim3A_365 : vector<64x1xf32> to vector<64x1024xf32>
        %eq3A_367 = arith.cmpf oeq, %convert_element_type3A, %eq3A_366 : vector<64x1024xf32>
        %gt3A_368 = vector.broadcast %add3A_337 : i32 to vector<64x1xi32>
        %gt3A_369 = arith.cmpi sgt, %get3A_61, %gt3A_368 : vector<64x1xi32>
        %and3A_370 = vector.broadcast %gt3A_369 : vector<64x1xi1> to vector<64x1024xi1>
        %and3A_371 = arith.andi %eq3A_367, %and3A_370 : vector<64x1024xi1>
        %jit3A_372 = arith.constant 0xFF800000 : f32
        %broadcast_in_dim3A_373 = vector.broadcast %jit3A_372 : f32 to vector<64x1024xf32>
        %select_n3A_374 = arith.select %and3A_371, %broadcast_in_dim3A_373, %get3A_340 : vector<64x1024xi1>, vector<64x1024xf32>
        %swap3A_375 = arith.constant 0 : index
        %swap3A_376 = arith.constant 0 : index
        %swap3A_377 = vector.load %arg14[%swap3A_375, %swap3A_376] : memref<64x1024xf32, #tpu.memory_space<vmem>>, vector<64x1024xf32>
        tpu.vector_store %arg14[%swap3A_375, %swap3A_376], %select_n3A_374 {strides = array<i32>} : memref<64x1024xf32, #tpu.memory_space<vmem>>, vector<64x1024xf32>,
        %eq3A_378 = vector.broadcast %add3A_314 : i32 to vector<64x128xi32>
        %eq3A_379 = arith.cmpi eq, %iota3A_58, %eq3A_378 : vector<64x128xi32>
        %broadcast_in_dim3A_380 = vector.shape_cast %broadcast_in_dim3A_365 : vector<64x1xf32> to vector<64x1xf32>
        %broadcast_in_dim3A_381 = vector.broadcast %broadcast_in_dim3A_380 : vector<64x1xf32> to vector<64x128xf32>
        %select_n3A_382 = arith.select %eq3A_379, %broadcast_in_dim3A_381, %select_n3A_310 : vector<64x128xi1>, vector<64x128xf32>
        %mul3A_383 = arith.constant 8 : i32
        %mul3A_384 = arith.muli %mul3A_383, %while3A_242 : i32
        %add3A_385 = arith.constant 2 : i32
        %add3A_386 = arith.addi %mul3A_384, %add3A_385 : i32
        %sub3A_387 = arith.constant 128 : i32
        %sub3A_388 = arith.subi %sub3A_387, %add3A_386 : i32
        %jit3A_389 = arith.constant 128 : i32
        %eq3A_390 = arith.constant 0 : i32
        %eq3A_391 = arith.cmpi eq, %jit3A_389, %eq3A_390 : i32
        %jit3A_392 = arith.constant 1 : i32
        %select_n3A_393 = arith.select %eq3A_391, %jit3A_392, %jit3A_389 : i32
        %rem3A_394 = arith.remsi %sub3A_388, %select_n3A_393 : i32
        %ne3A_395 = arith.constant 0 : i32
        %ne3A_396 = arith.cmpi ne, %rem3A_394, %ne3A_395 : i32
        %lt3A_397 = arith.constant 0 : i32
        %lt3A_398 = arith.cmpi slt, %rem3A_394, %lt3A_397 : i32
        %lt3A_399 = arith.constant 0 : i32
        %lt3A_400 = arith.cmpi slt, %select_n3A_393, %lt3A_399 : i32
        %ne3A_401 = arith.xori %lt3A_398, %lt3A_400 : i1
        %and3A_402 = arith.andi %ne3A_401, %ne3A_396 : i1
        %add3A_403 = arith.addi %rem3A_394, %select_n3A_393 : i32
        %select_n3A_404 = arith.select %and3A_402, %add3A_403, %rem3A_394 : i32
        %roll3A_405 = tpu.dynamic_rotate %get3A_193 by %select_n3A_404 dim 1 : vector<64x128xf32>, i32 -> vector<64x128xf32>
        %slice3A_406 = vector.extract_strided_slice %roll3A_405 {offsets = [0, 0], sizes = [64, 1], strides = [1, 1]} : vector<64x128xf32> to vector<64x1xf32>
        %roll3A_407 = tpu.dynamic_rotate %get3A_196 by %select_n3A_404 dim 1 : vector<64x128xf32>, i32 -> vector<64x128xf32>
        %slice3A_408 = vector.extract_strided_slice %roll3A_407 {offsets = [0, 0], sizes = [64, 1], strides = [1, 1]} : vector<64x128xf32> to vector<64x1xf32>
        %add3A_409 = arith.addi %multiple_of3A, %add3A_386 : i32
        %get3A_410 = arith.constant 0 : index
        %get3A_411 = arith.constant 0 : index
        %get3A_412 = vector.load %arg14[%get3A_410, %get3A_411] : memref<64x1024xf32, #tpu.memory_space<vmem>>, vector<64x1024xf32>
        %get3A_413 = arith.constant 0 : index
        %get3A_414 = arith.constant 0 : index
        %get3A_415 = vector.load %arg11[%get3A_413, %get3A_414] : memref<64x1024xf32, #tpu.memory_space<vmem>>, vector<64x1024xf32>
        %sub3A_416 = vector.broadcast %slice3A_406 : vector<64x1xf32> to vector<64x1024xf32>
        %sub3A_417 = arith.subf %get3A_415, %sub3A_416 : vector<64x1024xf32>
        %abs3A_418 = math.absf %sub3A_417 : vector<64x1024xf32>
        %get3A_419 = arith.constant 0 : index
        %get3A_420 = arith.constant 0 : index
        %get3A_421 = vector.load %arg12[%get3A_419, %get3A_420] : memref<64x1024xf32, #tpu.memory_space<vmem>>, vector<64x1024xf32>
        %sub3A_422 = vector.broadcast %slice3A_408 : vector<64x1xf32> to vector<64x1024xf32>
        %sub3A_423 = arith.subf %get3A_421, %sub3A_422 : vector<64x1024xf32>
        %abs3A_424 = math.absf %sub3A_423 : vector<64x1024xf32>
        %add3A_425 = arith.addf %abs3A_418, %abs3A_424 : vector<64x1024xf32>
        %sub3A_426 = arith.subf %add3A_425, %get3A_412 : vector<64x1024xf32>
        %reduce_min3A_427 = arith.constant dense<0x7F800000> : vector<64xf32>
        %reduce_min3A_428 = vector.multi_reduction <minimumf>, %sub3A_426, %reduce_min3A_427 [1] : vector<64x1024xf32> to vector<64xf32>
        %broadcast_in_dim3A_429 = vector.shape_cast %reduce_min3A_428 : vector<64xf32> to vector<64x1xf32>
        %eq3A_430 = vector.broadcast %broadcast_in_dim3A_429 : vector<64x1xf32> to vector<64x1024xf32>
        %eq3A_431 = arith.cmpf oeq, %sub3A_426, %eq3A_430 : vector<64x1024xf32>
        %jit3A_432 = arith.constant 1.024000e+03 : f32
        %broadcast_in_dim3A_433 = vector.broadcast %jit3A_432 : f32 to vector<64x1024xf32>
        %select_n3A_434 = arith.select %eq3A_431, %convert_element_type3A, %broadcast_in_dim3A_433 : vector<64x1024xi1>, vector<64x1024xf32>
        %reduce_min3A_435 = arith.constant dense<0x7F800000> : vector<64xf32>
        %reduce_min3A_436 = vector.multi_reduction <minimumf>, %select_n3A_434, %reduce_min3A_435 [1] : vector<64x1024xf32> to vector<64xf32>
        %broadcast_in_dim3A_437 = vector.shape_cast %reduce_min3A_436 : vector<64xf32> to vector<64x1xf32>
        %eq3A_438 = vector.broadcast %broadcast_in_dim3A_437 : vector<64x1xf32> to vector<64x1024xf32>
        %eq3A_439 = arith.cmpf oeq, %convert_element_type3A, %eq3A_438 : vector<64x1024xf32>
        %gt3A_440 = vector.broadcast %add3A_409 : i32 to vector<64x1xi32>
        %gt3A_441 = arith.cmpi sgt, %get3A_61, %gt3A_440 : vector<64x1xi32>
        %and3A_442 = vector.broadcast %gt3A_441 : vector<64x1xi1> to vector<64x1024xi1>
        %and3A_443 = arith.andi %eq3A_439, %and3A_442 : vector<64x1024xi1>
        %jit3A_444 = arith.constant 0xFF800000 : f32
        %broadcast_in_dim3A_445 = vector.broadcast %jit3A_444 : f32 to vector<64x1024xf32>
        %select_n3A_446 = arith.select %and3A_443, %broadcast_in_dim3A_445, %get3A_412 : vector<64x1024xi1>, vector<64x1024xf32>
        %swap3A_447 = arith.constant 0 : index
        %swap3A_448 = arith.constant 0 : index
        %swap3A_449 = vector.load %arg14[%swap3A_447, %swap3A_448] : memref<64x1024xf32, #tpu.memory_space<vmem>>, vector<64x1024xf32>
        tpu.vector_store %arg14[%swap3A_447, %swap3A_448], %select_n3A_446 {strides = array<i32>} : memref<64x1024xf32, #tpu.memory_space<vmem>>, vector<64x1024xf32>,
        %eq3A_450 = vector.broadcast %add3A_386 : i32 to vector<64x128xi32>
        %eq3A_451 = arith.cmpi eq, %iota3A_58, %eq3A_450 : vector<64x128xi32>
        %broadcast_in_dim3A_452 = vector.shape_cast %broadcast_in_dim3A_437 : vector<64x1xf32> to vector<64x1xf32>
        %broadcast_in_dim3A_453 = vector.broadcast %broadcast_in_dim3A_452 : vector<64x1xf32> to vector<64x128xf32>
        %select_n3A_454 = arith.select %eq3A_451, %broadcast_in_dim3A_453, %select_n3A_382 : vector<64x128xi1>, vector<64x128xf32>
        %mul3A_455 = arith.constant 8 : i32
        %mul3A_456 = arith.muli %mul3A_455, %while3A_242 : i32
        %add3A_457 = arith.constant 3 : i32
        %add3A_458 = arith.addi %mul3A_456, %add3A_457 : i32
        %sub3A_459 = arith.constant 128 : i32
        %sub3A_460 = arith.subi %sub3A_459, %add3A_458 : i32
        %jit3A_461 = arith.constant 128 : i32
        %eq3A_462 = arith.constant 0 : i32
        %eq3A_463 = arith.cmpi eq, %jit3A_461, %eq3A_462 : i32
        %jit3A_464 = arith.constant 1 : i32
        %select_n3A_465 = arith.select %eq3A_463, %jit3A_464, %jit3A_461 : i32
        %rem3A_466 = arith.remsi %sub3A_460, %select_n3A_465 : i32
        %ne3A_467 = arith.constant 0 : i32
        %ne3A_468 = arith.cmpi ne, %rem3A_466, %ne3A_467 : i32
        %lt3A_469 = arith.constant 0 : i32
        %lt3A_470 = arith.cmpi slt, %rem3A_466, %lt3A_469 : i32
        %lt3A_471 = arith.constant 0 : i32
        %lt3A_472 = arith.cmpi slt, %select_n3A_465, %lt3A_471 : i32
        %ne3A_473 = arith.xori %lt3A_470, %lt3A_472 : i1
        %and3A_474 = arith.andi %ne3A_473, %ne3A_468 : i1
        %add3A_475 = arith.addi %rem3A_466, %select_n3A_465 : i32
        %select_n3A_476 = arith.select %and3A_474, %add3A_475, %rem3A_466 : i32
        %roll3A_477 = tpu.dynamic_rotate %get3A_193 by %select_n3A_476 dim 1 : vector<64x128xf32>, i32 -> vector<64x128xf32>
        %slice3A_478 = vector.extract_strided_slice %roll3A_477 {offsets = [0, 0], sizes = [64, 1], strides = [1, 1]} : vector<64x128xf32> to vector<64x1xf32>
        %roll3A_479 = tpu.dynamic_rotate %get3A_196 by %select_n3A_476 dim 1 : vector<64x128xf32>, i32 -> vector<64x128xf32>
        %slice3A_480 = vector.extract_strided_slice %roll3A_479 {offsets = [0, 0], sizes = [64, 1], strides = [1, 1]} : vector<64x128xf32> to vector<64x1xf32>
        %add3A_481 = arith.addi %multiple_of3A, %add3A_458 : i32
        %get3A_482 = arith.constant 0 : index
        %get3A_483 = arith.constant 0 : index
        %get3A_484 = vector.load %arg14[%get3A_482, %get3A_483] : memref<64x1024xf32, #tpu.memory_space<vmem>>, vector<64x1024xf32>
        %get3A_485 = arith.constant 0 : index
        %get3A_486 = arith.constant 0 : index
        %get3A_487 = vector.load %arg11[%get3A_485, %get3A_486] : memref<64x1024xf32, #tpu.memory_space<vmem>>, vector<64x1024xf32>
        %sub3A_488 = vector.broadcast %slice3A_478 : vector<64x1xf32> to vector<64x1024xf32>
        %sub3A_489 = arith.subf %get3A_487, %sub3A_488 : vector<64x1024xf32>
        %abs3A_490 = math.absf %sub3A_489 : vector<64x1024xf32>
        %get3A_491 = arith.constant 0 : index
        %get3A_492 = arith.constant 0 : index
        %get3A_493 = vector.load %arg12[%get3A_491, %get3A_492] : memref<64x1024xf32, #tpu.memory_space<vmem>>, vector<64x1024xf32>
        %sub3A_494 = vector.broadcast %slice3A_480 : vector<64x1xf32> to vector<64x1024xf32>
        %sub3A_495 = arith.subf %get3A_493, %sub3A_494 : vector<64x1024xf32>
        %abs3A_496 = math.absf %sub3A_495 : vector<64x1024xf32>
        %add3A_497 = arith.addf %abs3A_490, %abs3A_496 : vector<64x1024xf32>
        %sub3A_498 = arith.subf %add3A_497, %get3A_484 : vector<64x1024xf32>
        %reduce_min3A_499 = arith.constant dense<0x7F800000> : vector<64xf32>
        %reduce_min3A_500 = vector.multi_reduction <minimumf>, %sub3A_498, %reduce_min3A_499 [1] : vector<64x1024xf32> to vector<64xf32>
        %broadcast_in_dim3A_501 = vector.shape_cast %reduce_min3A_500 : vector<64xf32> to vector<64x1xf32>
        %eq3A_502 = vector.broadcast %broadcast_in_dim3A_501 : vector<64x1xf32> to vector<64x1024xf32>
        %eq3A_503 = arith.cmpf oeq, %sub3A_498, %eq3A_502 : vector<64x1024xf32>
        %jit3A_504 = arith.constant 1.024000e+03 : f32
        %broadcast_in_dim3A_505 = vector.broadcast %jit3A_504 : f32 to vector<64x1024xf32>
        %select_n3A_506 = arith.select %eq3A_503, %convert_element_type3A, %broadcast_in_dim3A_505 : vector<64x1024xi1>, vector<64x1024xf32>
        %reduce_min3A_507 = arith.constant dense<0x7F800000> : vector<64xf32>
        %reduce_min3A_508 = vector.multi_reduction <minimumf>, %select_n3A_506, %reduce_min3A_507 [1] : vector<64x1024xf32> to vector<64xf32>
        %broadcast_in_dim3A_509 = vector.shape_cast %reduce_min3A_508 : vector<64xf32> to vector<64x1xf32>
        %eq3A_510 = vector.broadcast %broadcast_in_dim3A_509 : vector<64x1xf32> to vector<64x1024xf32>
        %eq3A_511 = arith.cmpf oeq, %convert_element_type3A, %eq3A_510 : vector<64x1024xf32>
        %gt3A_512 = vector.broadcast %add3A_481 : i32 to vector<64x1xi32>
        %gt3A_513 = arith.cmpi sgt, %get3A_61, %gt3A_512 : vector<64x1xi32>
        %and3A_514 = vector.broadcast %gt3A_513 : vector<64x1xi1> to vector<64x1024xi1>
        %and3A_515 = arith.andi %eq3A_511, %and3A_514 : vector<64x1024xi1>
        %jit3A_516 = arith.constant 0xFF800000 : f32
        %broadcast_in_dim3A_517 = vector.broadcast %jit3A_516 : f32 to vector<64x1024xf32>
        %select_n3A_518 = arith.select %and3A_515, %broadcast_in_dim3A_517, %get3A_484 : vector<64x1024xi1>, vector<64x1024xf32>
        %swap3A_519 = arith.constant 0 : index
        %swap3A_520 = arith.constant 0 : index
        %swap3A_521 = vector.load %arg14[%swap3A_519, %swap3A_520] : memref<64x1024xf32, #tpu.memory_space<vmem>>, vector<64x1024xf32>
        tpu.vector_store %arg14[%swap3A_519, %swap3A_520], %select_n3A_518 {strides = array<i32>} : memref<64x1024xf32, #tpu.memory_space<vmem>>, vector<64x1024xf32>,
        %eq3A_522 = vector.broadcast %add3A_458 : i32 to vector<64x128xi32>
        %eq3A_523 = arith.cmpi eq, %iota3A_58, %eq3A_522 : vector<64x128xi32>
        %broadcast_in_dim3A_524 = vector.shape_cast %broadcast_in_dim3A_509 : vector<64x1xf32> to vector<64x1xf32>
        %broadcast_in_dim3A_525 = vector.broadcast %broadcast_in_dim3A_524 : vector<64x1xf32> to vector<64x128xf32>
        %select_n3A_526 = arith.select %eq3A_523, %broadcast_in_dim3A_525, %select_n3A_454 : vector<64x128xi1>, vector<64x128xf32>
        %mul3A_527 = arith.constant 8 : i32
        %mul3A_528 = arith.muli %mul3A_527, %while3A_242 : i32
        %add3A_529 = arith.constant 4 : i32
        %add3A_530 = arith.addi %mul3A_528, %add3A_529 : i32
        %sub3A_531 = arith.constant 128 : i32
        %sub3A_532 = arith.subi %sub3A_531, %add3A_530 : i32
        %jit3A_533 = arith.constant 128 : i32
        %eq3A_534 = arith.constant 0 : i32
        %eq3A_535 = arith.cmpi eq, %jit3A_533, %eq3A_534 : i32
        %jit3A_536 = arith.constant 1 : i32
        %select_n3A_537 = arith.select %eq3A_535, %jit3A_536, %jit3A_533 : i32
        %rem3A_538 = arith.remsi %sub3A_532, %select_n3A_537 : i32
        %ne3A_539 = arith.constant 0 : i32
        %ne3A_540 = arith.cmpi ne, %rem3A_538, %ne3A_539 : i32
        %lt3A_541 = arith.constant 0 : i32
        %lt3A_542 = arith.cmpi slt, %rem3A_538, %lt3A_541 : i32
        %lt3A_543 = arith.constant 0 : i32
        %lt3A_544 = arith.cmpi slt, %select_n3A_537, %lt3A_543 : i32
        %ne3A_545 = arith.xori %lt3A_542, %lt3A_544 : i1
        %and3A_546 = arith.andi %ne3A_545, %ne3A_540 : i1
        %add3A_547 = arith.addi %rem3A_538, %select_n3A_537 : i32
        %select_n3A_548 = arith.select %and3A_546, %add3A_547, %rem3A_538 : i32
        %roll3A_549 = tpu.dynamic_rotate %get3A_193 by %select_n3A_548 dim 1 : vector<64x128xf32>, i32 -> vector<64x128xf32>
        %slice3A_550 = vector.extract_strided_slice %roll3A_549 {offsets = [0, 0], sizes = [64, 1], strides = [1, 1]} : vector<64x128xf32> to vector<64x1xf32>
        %roll3A_551 = tpu.dynamic_rotate %get3A_196 by %select_n3A_548 dim 1 : vector<64x128xf32>, i32 -> vector<64x128xf32>
        %slice3A_552 = vector.extract_strided_slice %roll3A_551 {offsets = [0, 0], sizes = [64, 1], strides = [1, 1]} : vector<64x128xf32> to vector<64x1xf32>
        %add3A_553 = arith.addi %multiple_of3A, %add3A_530 : i32
        %get3A_554 = arith.constant 0 : index
        %get3A_555 = arith.constant 0 : index
        %get3A_556 = vector.load %arg14[%get3A_554, %get3A_555] : memref<64x1024xf32, #tpu.memory_space<vmem>>, vector<64x1024xf32>
        %get3A_557 = arith.constant 0 : index
        %get3A_558 = arith.constant 0 : index
        %get3A_559 = vector.load %arg11[%get3A_557, %get3A_558] : memref<64x1024xf32, #tpu.memory_space<vmem>>, vector<64x1024xf32>
        %sub3A_560 = vector.broadcast %slice3A_550 : vector<64x1xf32> to vector<64x1024xf32>
        %sub3A_561 = arith.subf %get3A_559, %sub3A_560 : vector<64x1024xf32>
        %abs3A_562 = math.absf %sub3A_561 : vector<64x1024xf32>
        %get3A_563 = arith.constant 0 : index
        %get3A_564 = arith.constant 0 : index
        %get3A_565 = vector.load %arg12[%get3A_563, %get3A_564] : memref<64x1024xf32, #tpu.memory_space<vmem>>, vector<64x1024xf32>
        %sub3A_566 = vector.broadcast %slice3A_552 : vector<64x1xf32> to vector<64x1024xf32>
        %sub3A_567 = arith.subf %get3A_565, %sub3A_566 : vector<64x1024xf32>
        %abs3A_568 = math.absf %sub3A_567 : vector<64x1024xf32>
        %add3A_569 = arith.addf %abs3A_562, %abs3A_568 : vector<64x1024xf32>
        %sub3A_570 = arith.subf %add3A_569, %get3A_556 : vector<64x1024xf32>
        %reduce_min3A_571 = arith.constant dense<0x7F800000> : vector<64xf32>
        %reduce_min3A_572 = vector.multi_reduction <minimumf>, %sub3A_570, %reduce_min3A_571 [1] : vector<64x1024xf32> to vector<64xf32>
        %broadcast_in_dim3A_573 = vector.shape_cast %reduce_min3A_572 : vector<64xf32> to vector<64x1xf32>
        %eq3A_574 = vector.broadcast %broadcast_in_dim3A_573 : vector<64x1xf32> to vector<64x1024xf32>
        %eq3A_575 = arith.cmpf oeq, %sub3A_570, %eq3A_574 : vector<64x1024xf32>
        %jit3A_576 = arith.constant 1.024000e+03 : f32
        %broadcast_in_dim3A_577 = vector.broadcast %jit3A_576 : f32 to vector<64x1024xf32>
        %select_n3A_578 = arith.select %eq3A_575, %convert_element_type3A, %broadcast_in_dim3A_577 : vector<64x1024xi1>, vector<64x1024xf32>
        %reduce_min3A_579 = arith.constant dense<0x7F800000> : vector<64xf32>
        %reduce_min3A_580 = vector.multi_reduction <minimumf>, %select_n3A_578, %reduce_min3A_579 [1] : vector<64x1024xf32> to vector<64xf32>
        %broadcast_in_dim3A_581 = vector.shape_cast %reduce_min3A_580 : vector<64xf32> to vector<64x1xf32>
        %eq3A_582 = vector.broadcast %broadcast_in_dim3A_581 : vector<64x1xf32> to vector<64x1024xf32>
        %eq3A_583 = arith.cmpf oeq, %convert_element_type3A, %eq3A_582 : vector<64x1024xf32>
        %gt3A_584 = vector.broadcast %add3A_553 : i32 to vector<64x1xi32>
        %gt3A_585 = arith.cmpi sgt, %get3A_61, %gt3A_584 : vector<64x1xi32>
        %and3A_586 = vector.broadcast %gt3A_585 : vector<64x1xi1> to vector<64x1024xi1>
        %and3A_587 = arith.andi %eq3A_583, %and3A_586 : vector<64x1024xi1>
        %jit3A_588 = arith.constant 0xFF800000 : f32
        %broadcast_in_dim3A_589 = vector.broadcast %jit3A_588 : f32 to vector<64x1024xf32>
        %select_n3A_590 = arith.select %and3A_587, %broadcast_in_dim3A_589, %get3A_556 : vector<64x1024xi1>, vector<64x1024xf32>
        %swap3A_591 = arith.constant 0 : index
        %swap3A_592 = arith.constant 0 : index
        %swap3A_593 = vector.load %arg14[%swap3A_591, %swap3A_592] : memref<64x1024xf32, #tpu.memory_space<vmem>>, vector<64x1024xf32>
        tpu.vector_store %arg14[%swap3A_591, %swap3A_592], %select_n3A_590 {strides = array<i32>} : memref<64x1024xf32, #tpu.memory_space<vmem>>, vector<64x1024xf32>,
        %eq3A_594 = vector.broadcast %add3A_530 : i32 to vector<64x128xi32>
        %eq3A_595 = arith.cmpi eq, %iota3A_58, %eq3A_594 : vector<64x128xi32>
        %broadcast_in_dim3A_596 = vector.shape_cast %broadcast_in_dim3A_581 : vector<64x1xf32> to vector<64x1xf32>
        %broadcast_in_dim3A_597 = vector.broadcast %broadcast_in_dim3A_596 : vector<64x1xf32> to vector<64x128xf32>
        %select_n3A_598 = arith.select %eq3A_595, %broadcast_in_dim3A_597, %select_n3A_526 : vector<64x128xi1>, vector<64x128xf32>
        %mul3A_599 = arith.constant 8 : i32
        %mul3A_600 = arith.muli %mul3A_599, %while3A_242 : i32
        %add3A_601 = arith.constant 5 : i32
        %add3A_602 = arith.addi %mul3A_600, %add3A_601 : i32
        %sub3A_603 = arith.constant 128 : i32
        %sub3A_604 = arith.subi %sub3A_603, %add3A_602 : i32
        %jit3A_605 = arith.constant 128 : i32
        %eq3A_606 = arith.constant 0 : i32
        %eq3A_607 = arith.cmpi eq, %jit3A_605, %eq3A_606 : i32
        %jit3A_608 = arith.constant 1 : i32
        %select_n3A_609 = arith.select %eq3A_607, %jit3A_608, %jit3A_605 : i32
        %rem3A_610 = arith.remsi %sub3A_604, %select_n3A_609 : i32
        %ne3A_611 = arith.constant 0 : i32
        %ne3A_612 = arith.cmpi ne, %rem3A_610, %ne3A_611 : i32
        %lt3A_613 = arith.constant 0 : i32
        %lt3A_614 = arith.cmpi slt, %rem3A_610, %lt3A_613 : i32
        %lt3A_615 = arith.constant 0 : i32
        %lt3A_616 = arith.cmpi slt, %select_n3A_609, %lt3A_615 : i32
        %ne3A_617 = arith.xori %lt3A_614, %lt3A_616 : i1
        %and3A_618 = arith.andi %ne3A_617, %ne3A_612 : i1
        %add3A_619 = arith.addi %rem3A_610, %select_n3A_609 : i32
        %select_n3A_620 = arith.select %and3A_618, %add3A_619, %rem3A_610 : i32
        %roll3A_621 = tpu.dynamic_rotate %get3A_193 by %select_n3A_620 dim 1 : vector<64x128xf32>, i32 -> vector<64x128xf32>
        %slice3A_622 = vector.extract_strided_slice %roll3A_621 {offsets = [0, 0], sizes = [64, 1], strides = [1, 1]} : vector<64x128xf32> to vector<64x1xf32>
        %roll3A_623 = tpu.dynamic_rotate %get3A_196 by %select_n3A_620 dim 1 : vector<64x128xf32>, i32 -> vector<64x128xf32>
        %slice3A_624 = vector.extract_strided_slice %roll3A_623 {offsets = [0, 0], sizes = [64, 1], strides = [1, 1]} : vector<64x128xf32> to vector<64x1xf32>
        %add3A_625 = arith.addi %multiple_of3A, %add3A_602 : i32
        %get3A_626 = arith.constant 0 : index
        %get3A_627 = arith.constant 0 : index
        %get3A_628 = vector.load %arg14[%get3A_626, %get3A_627] : memref<64x1024xf32, #tpu.memory_space<vmem>>, vector<64x1024xf32>
        %get3A_629 = arith.constant 0 : index
        %get3A_630 = arith.constant 0 : index
        %get3A_631 = vector.load %arg11[%get3A_629, %get3A_630] : memref<64x1024xf32, #tpu.memory_space<vmem>>, vector<64x1024xf32>
        %sub3A_632 = vector.broadcast %slice3A_622 : vector<64x1xf32> to vector<64x1024xf32>
        %sub3A_633 = arith.subf %get3A_631, %sub3A_632 : vector<64x1024xf32>
        %abs3A_634 = math.absf %sub3A_633 : vector<64x1024xf32>
        %get3A_635 = arith.constant 0 : index
        %get3A_636 = arith.constant 0 : index
        %get3A_637 = vector.load %arg12[%get3A_635, %get3A_636] : memref<64x1024xf32, #tpu.memory_space<vmem>>, vector<64x1024xf32>
        %sub3A_638 = vector.broadcast %slice3A_624 : vector<64x1xf32> to vector<64x1024xf32>
        %sub3A_639 = arith.subf %get3A_637, %sub3A_638 : vector<64x1024xf32>
        %abs3A_640 = math.absf %sub3A_639 : vector<64x1024xf32>
        %add3A_641 = arith.addf %abs3A_634, %abs3A_640 : vector<64x1024xf32>
        %sub3A_642 = arith.subf %add3A_641, %get3A_628 : vector<64x1024xf32>
        %reduce_min3A_643 = arith.constant dense<0x7F800000> : vector<64xf32>
        %reduce_min3A_644 = vector.multi_reduction <minimumf>, %sub3A_642, %reduce_min3A_643 [1] : vector<64x1024xf32> to vector<64xf32>
        %broadcast_in_dim3A_645 = vector.shape_cast %reduce_min3A_644 : vector<64xf32> to vector<64x1xf32>
        %eq3A_646 = vector.broadcast %broadcast_in_dim3A_645 : vector<64x1xf32> to vector<64x1024xf32>
        %eq3A_647 = arith.cmpf oeq, %sub3A_642, %eq3A_646 : vector<64x1024xf32>
        %jit3A_648 = arith.constant 1.024000e+03 : f32
        %broadcast_in_dim3A_649 = vector.broadcast %jit3A_648 : f32 to vector<64x1024xf32>
        %select_n3A_650 = arith.select %eq3A_647, %convert_element_type3A, %broadcast_in_dim3A_649 : vector<64x1024xi1>, vector<64x1024xf32>
        %reduce_min3A_651 = arith.constant dense<0x7F800000> : vector<64xf32>
        %reduce_min3A_652 = vector.multi_reduction <minimumf>, %select_n3A_650, %reduce_min3A_651 [1] : vector<64x1024xf32> to vector<64xf32>
        %broadcast_in_dim3A_653 = vector.shape_cast %reduce_min3A_652 : vector<64xf32> to vector<64x1xf32>
        %eq3A_654 = vector.broadcast %broadcast_in_dim3A_653 : vector<64x1xf32> to vector<64x1024xf32>
        %eq3A_655 = arith.cmpf oeq, %convert_element_type3A, %eq3A_654 : vector<64x1024xf32>
        %gt3A_656 = vector.broadcast %add3A_625 : i32 to vector<64x1xi32>
        %gt3A_657 = arith.cmpi sgt, %get3A_61, %gt3A_656 : vector<64x1xi32>
        %and3A_658 = vector.broadcast %gt3A_657 : vector<64x1xi1> to vector<64x1024xi1>
        %and3A_659 = arith.andi %eq3A_655, %and3A_658 : vector<64x1024xi1>
        %jit3A_660 = arith.constant 0xFF800000 : f32
        %broadcast_in_dim3A_661 = vector.broadcast %jit3A_660 : f32 to vector<64x1024xf32>
        %select_n3A_662 = arith.select %and3A_659, %broadcast_in_dim3A_661, %get3A_628 : vector<64x1024xi1>, vector<64x1024xf32>
        %swap3A_663 = arith.constant 0 : index
        %swap3A_664 = arith.constant 0 : index
        %swap3A_665 = vector.load %arg14[%swap3A_663, %swap3A_664] : memref<64x1024xf32, #tpu.memory_space<vmem>>, vector<64x1024xf32>
        tpu.vector_store %arg14[%swap3A_663, %swap3A_664], %select_n3A_662 {strides = array<i32>} : memref<64x1024xf32, #tpu.memory_space<vmem>>, vector<64x1024xf32>,
        %eq3A_666 = vector.broadcast %add3A_602 : i32 to vector<64x128xi32>
        %eq3A_667 = arith.cmpi eq, %iota3A_58, %eq3A_666 : vector<64x128xi32>
        %broadcast_in_dim3A_668 = vector.shape_cast %broadcast_in_dim3A_653 : vector<64x1xf32> to vector<64x1xf32>
        %broadcast_in_dim3A_669 = vector.broadcast %broadcast_in_dim3A_668 : vector<64x1xf32> to vector<64x128xf32>
        %select_n3A_670 = arith.select %eq3A_667, %broadcast_in_dim3A_669, %select_n3A_598 : vector<64x128xi1>, vector<64x128xf32>
        %mul3A_671 = arith.constant 8 : i32
        %mul3A_672 = arith.muli %mul3A_671, %while3A_242 : i32
        %add3A_673 = arith.constant 6 : i32
        %add3A_674 = arith.addi %mul3A_672, %add3A_673 : i32
        %sub3A_675 = arith.constant 128 : i32
        %sub3A_676 = arith.subi %sub3A_675, %add3A_674 : i32
        %jit3A_677 = arith.constant 128 : i32
        %eq3A_678 = arith.constant 0 : i32
        %eq3A_679 = arith.cmpi eq, %jit3A_677, %eq3A_678 : i32
        %jit3A_680 = arith.constant 1 : i32
        %select_n3A_681 = arith.select %eq3A_679, %jit3A_680, %jit3A_677 : i32
        %rem3A_682 = arith.remsi %sub3A_676, %select_n3A_681 : i32
        %ne3A_683 = arith.constant 0 : i32
        %ne3A_684 = arith.cmpi ne, %rem3A_682, %ne3A_683 : i32
        %lt3A_685 = arith.constant 0 : i32
        %lt3A_686 = arith.cmpi slt, %rem3A_682, %lt3A_685 : i32
        %lt3A_687 = arith.constant 0 : i32
        %lt3A_688 = arith.cmpi slt, %select_n3A_681, %lt3A_687 : i32
        %ne3A_689 = arith.xori %lt3A_686, %lt3A_688 : i1
        %and3A_690 = arith.andi %ne3A_689, %ne3A_684 : i1
        %add3A_691 = arith.addi %rem3A_682, %select_n3A_681 : i32
        %select_n3A_692 = arith.select %and3A_690, %add3A_691, %rem3A_682 : i32
        %roll3A_693 = tpu.dynamic_rotate %get3A_193 by %select_n3A_692 dim 1 : vector<64x128xf32>, i32 -> vector<64x128xf32>
        %slice3A_694 = vector.extract_strided_slice %roll3A_693 {offsets = [0, 0], sizes = [64, 1], strides = [1, 1]} : vector<64x128xf32> to vector<64x1xf32>
        %roll3A_695 = tpu.dynamic_rotate %get3A_196 by %select_n3A_692 dim 1 : vector<64x128xf32>, i32 -> vector<64x128xf32>
        %slice3A_696 = vector.extract_strided_slice %roll3A_695 {offsets = [0, 0], sizes = [64, 1], strides = [1, 1]} : vector<64x128xf32> to vector<64x1xf32>
        %add3A_697 = arith.addi %multiple_of3A, %add3A_674 : i32
        %get3A_698 = arith.constant 0 : index
        %get3A_699 = arith.constant 0 : index
        %get3A_700 = vector.load %arg14[%get3A_698, %get3A_699] : memref<64x1024xf32, #tpu.memory_space<vmem>>, vector<64x1024xf32>
        %get3A_701 = arith.constant 0 : index
        %get3A_702 = arith.constant 0 : index
        %get3A_703 = vector.load %arg11[%get3A_701, %get3A_702] : memref<64x1024xf32, #tpu.memory_space<vmem>>, vector<64x1024xf32>
        %sub3A_704 = vector.broadcast %slice3A_694 : vector<64x1xf32> to vector<64x1024xf32>
        %sub3A_705 = arith.subf %get3A_703, %sub3A_704 : vector<64x1024xf32>
        %abs3A_706 = math.absf %sub3A_705 : vector<64x1024xf32>
        %get3A_707 = arith.constant 0 : index
        %get3A_708 = arith.constant 0 : index
        %get3A_709 = vector.load %arg12[%get3A_707, %get3A_708] : memref<64x1024xf32, #tpu.memory_space<vmem>>, vector<64x1024xf32>
        %sub3A_710 = vector.broadcast %slice3A_696 : vector<64x1xf32> to vector<64x1024xf32>
        %sub3A_711 = arith.subf %get3A_709, %sub3A_710 : vector<64x1024xf32>
        %abs3A_712 = math.absf %sub3A_711 : vector<64x1024xf32>
        %add3A_713 = arith.addf %abs3A_706, %abs3A_712 : vector<64x1024xf32>
        %sub3A_714 = arith.subf %add3A_713, %get3A_700 : vector<64x1024xf32>
        %reduce_min3A_715 = arith.constant dense<0x7F800000> : vector<64xf32>
        %reduce_min3A_716 = vector.multi_reduction <minimumf>, %sub3A_714, %reduce_min3A_715 [1] : vector<64x1024xf32> to vector<64xf32>
        %broadcast_in_dim3A_717 = vector.shape_cast %reduce_min3A_716 : vector<64xf32> to vector<64x1xf32>
        %eq3A_718 = vector.broadcast %broadcast_in_dim3A_717 : vector<64x1xf32> to vector<64x1024xf32>
        %eq3A_719 = arith.cmpf oeq, %sub3A_714, %eq3A_718 : vector<64x1024xf32>
        %jit3A_720 = arith.constant 1.024000e+03 : f32
        %broadcast_in_dim3A_721 = vector.broadcast %jit3A_720 : f32 to vector<64x1024xf32>
        %select_n3A_722 = arith.select %eq3A_719, %convert_element_type3A, %broadcast_in_dim3A_721 : vector<64x1024xi1>, vector<64x1024xf32>
        %reduce_min3A_723 = arith.constant dense<0x7F800000> : vector<64xf32>
        %reduce_min3A_724 = vector.multi_reduction <minimumf>, %select_n3A_722, %reduce_min3A_723 [1] : vector<64x1024xf32> to vector<64xf32>
        %broadcast_in_dim3A_725 = vector.shape_cast %reduce_min3A_724 : vector<64xf32> to vector<64x1xf32>
        %eq3A_726 = vector.broadcast %broadcast_in_dim3A_725 : vector<64x1xf32> to vector<64x1024xf32>
        %eq3A_727 = arith.cmpf oeq, %convert_element_type3A, %eq3A_726 : vector<64x1024xf32>
        %gt3A_728 = vector.broadcast %add3A_697 : i32 to vector<64x1xi32>
        %gt3A_729 = arith.cmpi sgt, %get3A_61, %gt3A_728 : vector<64x1xi32>
        %and3A_730 = vector.broadcast %gt3A_729 : vector<64x1xi1> to vector<64x1024xi1>
        %and3A_731 = arith.andi %eq3A_727, %and3A_730 : vector<64x1024xi1>
        %jit3A_732 = arith.constant 0xFF800000 : f32
        %broadcast_in_dim3A_733 = vector.broadcast %jit3A_732 : f32 to vector<64x1024xf32>
        %select_n3A_734 = arith.select %and3A_731, %broadcast_in_dim3A_733, %get3A_700 : vector<64x1024xi1>, vector<64x1024xf32>
        %swap3A_735 = arith.constant 0 : index
        %swap3A_736 = arith.constant 0 : index
        %swap3A_737 = vector.load %arg14[%swap3A_735, %swap3A_736] : memref<64x1024xf32, #tpu.memory_space<vmem>>, vector<64x1024xf32>
        tpu.vector_store %arg14[%swap3A_735, %swap3A_736], %select_n3A_734 {strides = array<i32>} : memref<64x1024xf32, #tpu.memory_space<vmem>>, vector<64x1024xf32>,
        %eq3A_738 = vector.broadcast %add3A_674 : i32 to vector<64x128xi32>
        %eq3A_739 = arith.cmpi eq, %iota3A_58, %eq3A_738 : vector<64x128xi32>
        %broadcast_in_dim3A_740 = vector.shape_cast %broadcast_in_dim3A_725 : vector<64x1xf32> to vector<64x1xf32>
        %broadcast_in_dim3A_741 = vector.broadcast %broadcast_in_dim3A_740 : vector<64x1xf32> to vector<64x128xf32>
        %select_n3A_742 = arith.select %eq3A_739, %broadcast_in_dim3A_741, %select_n3A_670 : vector<64x128xi1>, vector<64x128xf32>
        %mul3A_743 = arith.constant 8 : i32
        %mul3A_744 = arith.muli %mul3A_743, %while3A_242 : i32
        %add3A_745 = arith.constant 7 : i32
        %add3A_746 = arith.addi %mul3A_744, %add3A_745 : i32
        %sub3A_747 = arith.constant 128 : i32
        %sub3A_748 = arith.subi %sub3A_747, %add3A_746 : i32
        %jit3A_749 = arith.constant 128 : i32
        %eq3A_750 = arith.constant 0 : i32
        %eq3A_751 = arith.cmpi eq, %jit3A_749, %eq3A_750 : i32
        %jit3A_752 = arith.constant 1 : i32
        %select_n3A_753 = arith.select %eq3A_751, %jit3A_752, %jit3A_749 : i32
        %rem3A_754 = arith.remsi %sub3A_748, %select_n3A_753 : i32
        %ne3A_755 = arith.constant 0 : i32
        %ne3A_756 = arith.cmpi ne, %rem3A_754, %ne3A_755 : i32
        %lt3A_757 = arith.constant 0 : i32
        %lt3A_758 = arith.cmpi slt, %rem3A_754, %lt3A_757 : i32
        %lt3A_759 = arith.constant 0 : i32
        %lt3A_760 = arith.cmpi slt, %select_n3A_753, %lt3A_759 : i32
        %ne3A_761 = arith.xori %lt3A_758, %lt3A_760 : i1
        %and3A_762 = arith.andi %ne3A_761, %ne3A_756 : i1
        %add3A_763 = arith.addi %rem3A_754, %select_n3A_753 : i32
        %select_n3A_764 = arith.select %and3A_762, %add3A_763, %rem3A_754 : i32
        %roll3A_765 = tpu.dynamic_rotate %get3A_193 by %select_n3A_764 dim 1 : vector<64x128xf32>, i32 -> vector<64x128xf32>
        %slice3A_766 = vector.extract_strided_slice %roll3A_765 {offsets = [0, 0], sizes = [64, 1], strides = [1, 1]} : vector<64x128xf32> to vector<64x1xf32>
        %roll3A_767 = tpu.dynamic_rotate %get3A_196 by %select_n3A_764 dim 1 : vector<64x128xf32>, i32 -> vector<64x128xf32>
        %slice3A_768 = vector.extract_strided_slice %roll3A_767 {offsets = [0, 0], sizes = [64, 1], strides = [1, 1]} : vector<64x128xf32> to vector<64x1xf32>
        %add3A_769 = arith.addi %multiple_of3A, %add3A_746 : i32
        %get3A_770 = arith.constant 0 : index
        %get3A_771 = arith.constant 0 : index
        %get3A_772 = vector.load %arg14[%get3A_770, %get3A_771] : memref<64x1024xf32, #tpu.memory_space<vmem>>, vector<64x1024xf32>
        %get3A_773 = arith.constant 0 : index
        %get3A_774 = arith.constant 0 : index
        %get3A_775 = vector.load %arg11[%get3A_773, %get3A_774] : memref<64x1024xf32, #tpu.memory_space<vmem>>, vector<64x1024xf32>
        %sub3A_776 = vector.broadcast %slice3A_766 : vector<64x1xf32> to vector<64x1024xf32>
        %sub3A_777 = arith.subf %get3A_775, %sub3A_776 : vector<64x1024xf32>
        %abs3A_778 = math.absf %sub3A_777 : vector<64x1024xf32>
        %get3A_779 = arith.constant 0 : index
        %get3A_780 = arith.constant 0 : index
        %get3A_781 = vector.load %arg12[%get3A_779, %get3A_780] : memref<64x1024xf32, #tpu.memory_space<vmem>>, vector<64x1024xf32>
        %sub3A_782 = vector.broadcast %slice3A_768 : vector<64x1xf32> to vector<64x1024xf32>
        %sub3A_783 = arith.subf %get3A_781, %sub3A_782 : vector<64x1024xf32>
        %abs3A_784 = math.absf %sub3A_783 : vector<64x1024xf32>
        %add3A_785 = arith.addf %abs3A_778, %abs3A_784 : vector<64x1024xf32>
        %sub3A_786 = arith.subf %add3A_785, %get3A_772 : vector<64x1024xf32>
        %reduce_min3A_787 = arith.constant dense<0x7F800000> : vector<64xf32>
        %reduce_min3A_788 = vector.multi_reduction <minimumf>, %sub3A_786, %reduce_min3A_787 [1] : vector<64x1024xf32> to vector<64xf32>
        %broadcast_in_dim3A_789 = vector.shape_cast %reduce_min3A_788 : vector<64xf32> to vector<64x1xf32>
        %eq3A_790 = vector.broadcast %broadcast_in_dim3A_789 : vector<64x1xf32> to vector<64x1024xf32>
        %eq3A_791 = arith.cmpf oeq, %sub3A_786, %eq3A_790 : vector<64x1024xf32>
        %jit3A_792 = arith.constant 1.024000e+03 : f32
        %broadcast_in_dim3A_793 = vector.broadcast %jit3A_792 : f32 to vector<64x1024xf32>
        %select_n3A_794 = arith.select %eq3A_791, %convert_element_type3A, %broadcast_in_dim3A_793 : vector<64x1024xi1>, vector<64x1024xf32>
        %reduce_min3A_795 = arith.constant dense<0x7F800000> : vector<64xf32>
        %reduce_min3A_796 = vector.multi_reduction <minimumf>, %select_n3A_794, %reduce_min3A_795 [1] : vector<64x1024xf32> to vector<64xf32>
        %broadcast_in_dim3A_797 = vector.shape_cast %reduce_min3A_796 : vector<64xf32> to vector<64x1xf32>
        %eq3A_798 = vector.broadcast %broadcast_in_dim3A_797 : vector<64x1xf32> to vector<64x1024xf32>
        %eq3A_799 = arith.cmpf oeq, %convert_element_type3A, %eq3A_798 : vector<64x1024xf32>
        %gt3A_800 = vector.broadcast %add3A_769 : i32 to vector<64x1xi32>
        %gt3A_801 = arith.cmpi sgt, %get3A_61, %gt3A_800 : vector<64x1xi32>
        %and3A_802 = vector.broadcast %gt3A_801 : vector<64x1xi1> to vector<64x1024xi1>
        %and3A_803 = arith.andi %eq3A_799, %and3A_802 : vector<64x1024xi1>
        %jit3A_804 = arith.constant 0xFF800000 : f32
        %broadcast_in_dim3A_805 = vector.broadcast %jit3A_804 : f32 to vector<64x1024xf32>
        %select_n3A_806 = arith.select %and3A_803, %broadcast_in_dim3A_805, %get3A_772 : vector<64x1024xi1>, vector<64x1024xf32>
        %swap3A_807 = arith.constant 0 : index
        %swap3A_808 = arith.constant 0 : index
        %swap3A_809 = vector.load %arg14[%swap3A_807, %swap3A_808] : memref<64x1024xf32, #tpu.memory_space<vmem>>, vector<64x1024xf32>
        tpu.vector_store %arg14[%swap3A_807, %swap3A_808], %select_n3A_806 {strides = array<i32>} : memref<64x1024xf32, #tpu.memory_space<vmem>>, vector<64x1024xf32>,
        %eq3A_810 = vector.broadcast %add3A_746 : i32 to vector<64x128xi32>
        %eq3A_811 = arith.cmpi eq, %iota3A_58, %eq3A_810 : vector<64x128xi32>
        %broadcast_in_dim3A_812 = vector.shape_cast %broadcast_in_dim3A_797 : vector<64x1xf32> to vector<64x1xf32>
        %broadcast_in_dim3A_813 = vector.broadcast %broadcast_in_dim3A_812 : vector<64x1xf32> to vector<64x128xf32>
        %select_n3A_814 = arith.select %eq3A_811, %broadcast_in_dim3A_813, %select_n3A_742 : vector<64x128xi1>, vector<64x128xf32>
        scf.yield %select_n3A_814 : vector<64x128xf32>
      }
      %while3A_237 = arith.constant 1 : i32
      %while3A_238 = scf.for %while3A_242 = %while3A_234 to %while3A_230 step %while3A_237 iter_args(%while3A_243 = %while3A_236) -> (vector<64x128xf32>)  : i32 {
        %mul3A_244 = arith.constant 8 : i32
        %mul3A_245 = arith.muli %mul3A_244, %while3A_242 : i32
        %add3A_246 = arith.constant 0 : i32
        %add3A_247 = arith.addi %mul3A_245, %add3A_246 : i32
        %sub3A_248 = arith.constant 128 : i32
        %sub3A_249 = arith.subi %sub3A_248, %add3A_247 : i32
        %jit3A_250 = arith.constant 128 : i32
        %eq3A_251 = arith.constant 0 : i32
        %eq3A_252 = arith.cmpi eq, %jit3A_250, %eq3A_251 : i32
        %jit3A_253 = arith.constant 1 : i32
        %select_n3A_254 = arith.select %eq3A_252, %jit3A_253, %jit3A_250 : i32
        %rem3A_255 = arith.remsi %sub3A_249, %select_n3A_254 : i32
        %ne3A_256 = arith.constant 0 : i32
        %ne3A_257 = arith.cmpi ne, %rem3A_255, %ne3A_256 : i32
        %lt3A = arith.constant 0 : i32
        %lt3A_258 = arith.cmpi slt, %rem3A_255, %lt3A : i32
        %lt3A_259 = arith.constant 0 : i32
        %lt3A_260 = arith.cmpi slt, %select_n3A_254, %lt3A_259 : i32
        %ne3A_261 = arith.xori %lt3A_258, %lt3A_260 : i1
        %and3A_262 = arith.andi %ne3A_261, %ne3A_257 : i1
        %add3A_263 = arith.addi %rem3A_255, %select_n3A_254 : i32
        %select_n3A_264 = arith.select %and3A_262, %add3A_263, %rem3A_255 : i32
        %roll3A = tpu.dynamic_rotate %get3A_193 by %select_n3A_264 dim 1 : vector<64x128xf32>, i32 -> vector<64x128xf32>
        %slice3A = vector.extract_strided_slice %roll3A {offsets = [0, 0], sizes = [64, 1], strides = [1, 1]} : vector<64x128xf32> to vector<64x1xf32>
        %roll3A_265 = tpu.dynamic_rotate %get3A_196 by %select_n3A_264 dim 1 : vector<64x128xf32>, i32 -> vector<64x128xf32>
        %slice3A_266 = vector.extract_strided_slice %roll3A_265 {offsets = [0, 0], sizes = [64, 1], strides = [1, 1]} : vector<64x128xf32> to vector<64x1xf32>
        %add3A_267 = arith.addi %multiple_of3A, %add3A_247 : i32
        %get3A_268 = arith.constant 0 : index
        %get3A_269 = arith.constant 0 : index
        %get3A_270 = vector.load %arg14[%get3A_268, %get3A_269] : memref<64x1024xf32, #tpu.memory_space<vmem>>, vector<64x1024xf32>
        %get3A_271 = arith.constant 0 : index
        %get3A_272 = arith.constant 0 : index
        %get3A_273 = vector.load %arg11[%get3A_271, %get3A_272] : memref<64x1024xf32, #tpu.memory_space<vmem>>, vector<64x1024xf32>
        %sub3A_274 = vector.broadcast %slice3A : vector<64x1xf32> to vector<64x1024xf32>
        %sub3A_275 = arith.subf %get3A_273, %sub3A_274 : vector<64x1024xf32>
        %abs3A_276 = math.absf %sub3A_275 : vector<64x1024xf32>
        %get3A_277 = arith.constant 0 : index
        %get3A_278 = arith.constant 0 : index
        %get3A_279 = vector.load %arg12[%get3A_277, %get3A_278] : memref<64x1024xf32, #tpu.memory_space<vmem>>, vector<64x1024xf32>
        %sub3A_280 = vector.broadcast %slice3A_266 : vector<64x1xf32> to vector<64x1024xf32>
        %sub3A_281 = arith.subf %get3A_279, %sub3A_280 : vector<64x1024xf32>
        %abs3A_282 = math.absf %sub3A_281 : vector<64x1024xf32>
        %add3A_283 = arith.addf %abs3A_276, %abs3A_282 : vector<64x1024xf32>
        %sub3A_284 = arith.subf %add3A_283, %get3A_270 : vector<64x1024xf32>
        %reduce_min3A = arith.constant dense<0x7F800000> : vector<64xf32>
        %reduce_min3A_285 = vector.multi_reduction <minimumf>, %sub3A_284, %reduce_min3A [1] : vector<64x1024xf32> to vector<64xf32>
        %broadcast_in_dim3A_286 = vector.shape_cast %reduce_min3A_285 : vector<64xf32> to vector<64x1xf32>
        %eq3A_287 = vector.broadcast %broadcast_in_dim3A_286 : vector<64x1xf32> to vector<64x1024xf32>
        %eq3A_288 = arith.cmpf oeq, %sub3A_284, %eq3A_287 : vector<64x1024xf32>
        %jit3A_289 = arith.constant 1.024000e+03 : f32
        %broadcast_in_dim3A_290 = vector.broadcast %jit3A_289 : f32 to vector<64x1024xf32>
        %select_n3A_291 = arith.select %eq3A_288, %convert_element_type3A, %broadcast_in_dim3A_290 : vector<64x1024xi1>, vector<64x1024xf32>
        %reduce_min3A_292 = arith.constant dense<0x7F800000> : vector<64xf32>
        %reduce_min3A_293 = vector.multi_reduction <minimumf>, %select_n3A_291, %reduce_min3A_292 [1] : vector<64x1024xf32> to vector<64xf32>
        %broadcast_in_dim3A_294 = vector.shape_cast %reduce_min3A_293 : vector<64xf32> to vector<64x1xf32>
        %eq3A_295 = vector.broadcast %broadcast_in_dim3A_294 : vector<64x1xf32> to vector<64x1024xf32>
        %eq3A_296 = arith.cmpf oeq, %convert_element_type3A, %eq3A_295 : vector<64x1024xf32>
        %gt3A = vector.broadcast %add3A_267 : i32 to vector<64x1xi32>
        %gt3A_297 = arith.cmpi sgt, %get3A_61, %gt3A : vector<64x1xi32>
        %and3A_298 = vector.broadcast %gt3A_297 : vector<64x1xi1> to vector<64x1024xi1>
        %and3A_299 = arith.andi %eq3A_296, %and3A_298 : vector<64x1024xi1>
        %jit3A_300 = arith.constant 0xFF800000 : f32
        %broadcast_in_dim3A_301 = vector.broadcast %jit3A_300 : f32 to vector<64x1024xf32>
        %select_n3A_302 = arith.select %and3A_299, %broadcast_in_dim3A_301, %get3A_270 : vector<64x1024xi1>, vector<64x1024xf32>
        %swap3A_303 = arith.constant 0 : index
        %swap3A_304 = arith.constant 0 : index
        %swap3A_305 = vector.load %arg14[%swap3A_303, %swap3A_304] : memref<64x1024xf32, #tpu.memory_space<vmem>>, vector<64x1024xf32>
        tpu.vector_store %arg14[%swap3A_303, %swap3A_304], %select_n3A_302 {strides = array<i32>} : memref<64x1024xf32, #tpu.memory_space<vmem>>, vector<64x1024xf32>,
        %eq3A_306 = vector.broadcast %add3A_247 : i32 to vector<64x128xi32>
        %eq3A_307 = arith.cmpi eq, %iota3A_58, %eq3A_306 : vector<64x128xi32>
        %broadcast_in_dim3A_308 = vector.shape_cast %broadcast_in_dim3A_294 : vector<64x1xf32> to vector<64x1xf32>
        %broadcast_in_dim3A_309 = vector.broadcast %broadcast_in_dim3A_308 : vector<64x1xf32> to vector<64x128xf32>
        %select_n3A_310 = arith.select %eq3A_307, %broadcast_in_dim3A_309, %while3A_243 : vector<64x128xi1>, vector<64x128xf32>
        %mul3A_311 = arith.constant 8 : i32
        %mul3A_312 = arith.muli %mul3A_311, %while3A_242 : i32
        %add3A_313 = arith.constant 1 : i32
        %add3A_314 = arith.addi %mul3A_312, %add3A_313 : i32
        %sub3A_315 = arith.constant 128 : i32
        %sub3A_316 = arith.subi %sub3A_315, %add3A_314 : i32
        %jit3A_317 = arith.constant 128 : i32
        %eq3A_318 = arith.constant 0 : i32
        %eq3A_319 = arith.cmpi eq, %jit3A_317, %eq3A_318 : i32
        %jit3A_320 = arith.constant 1 : i32
        %select_n3A_321 = arith.select %eq3A_319, %jit3A_320, %jit3A_317 : i32
        %rem3A_322 = arith.remsi %sub3A_316, %select_n3A_321 : i32
        %ne3A_323 = arith.constant 0 : i32
        %ne3A_324 = arith.cmpi ne, %rem3A_322, %ne3A_323 : i32
        %lt3A_325 = arith.constant 0 : i32
        %lt3A_326 = arith.cmpi slt, %rem3A_322, %lt3A_325 : i32
        %lt3A_327 = arith.constant 0 : i32
        %lt3A_328 = arith.cmpi slt, %select_n3A_321, %lt3A_327 : i32
        %ne3A_329 = arith.xori %lt3A_326, %lt3A_328 : i1
        %and3A_330 = arith.andi %ne3A_329, %ne3A_324 : i1
        %add3A_331 = arith.addi %rem3A_322, %select_n3A_321 : i32
        %select_n3A_332 = arith.select %and3A_330, %add3A_331, %rem3A_322 : i32
        %roll3A_333 = tpu.dynamic_rotate %get3A_193 by %select_n3A_332 dim 1 : vector<64x128xf32>, i32 -> vector<64x128xf32>
        %slice3A_334 = vector.extract_strided_slice %roll3A_333 {offsets = [0, 0], sizes = [64, 1], strides = [1, 1]} : vector<64x128xf32> to vector<64x1xf32>
        %roll3A_335 = tpu.dynamic_rotate %get3A_196 by %select_n3A_332 dim 1 : vector<64x128xf32>, i32 -> vector<64x128xf32>
        %slice3A_336 = vector.extract_strided_slice %roll3A_335 {offsets = [0, 0], sizes = [64, 1], strides = [1, 1]} : vector<64x128xf32> to vector<64x1xf32>
        %add3A_337 = arith.addi %multiple_of3A, %add3A_314 : i32
        %get3A_338 = arith.constant 0 : index
        %get3A_339 = arith.constant 0 : index
        %get3A_340 = vector.load %arg14[%get3A_338, %get3A_339] : memref<64x1024xf32, #tpu.memory_space<vmem>>, vector<64x1024xf32>
        %get3A_341 = arith.constant 0 : index
        %get3A_342 = arith.constant 0 : index
        %get3A_343 = vector.load %arg11[%get3A_341, %get3A_342] : memref<64x1024xf32, #tpu.memory_space<vmem>>, vector<64x1024xf32>
        %sub3A_344 = vector.broadcast %slice3A_334 : vector<64x1xf32> to vector<64x1024xf32>
        %sub3A_345 = arith.subf %get3A_343, %sub3A_344 : vector<64x1024xf32>
        %abs3A_346 = math.absf %sub3A_345 : vector<64x1024xf32>
        %get3A_347 = arith.constant 0 : index
        %get3A_348 = arith.constant 0 : index
        %get3A_349 = vector.load %arg12[%get3A_347, %get3A_348] : memref<64x1024xf32, #tpu.memory_space<vmem>>, vector<64x1024xf32>
        %sub3A_350 = vector.broadcast %slice3A_336 : vector<64x1xf32> to vector<64x1024xf32>
        %sub3A_351 = arith.subf %get3A_349, %sub3A_350 : vector<64x1024xf32>
        %abs3A_352 = math.absf %sub3A_351 : vector<64x1024xf32>
        %add3A_353 = arith.addf %abs3A_346, %abs3A_352 : vector<64x1024xf32>
        %sub3A_354 = arith.subf %add3A_353, %get3A_340 : vector<64x1024xf32>
        %reduce_min3A_355 = arith.constant dense<0x7F800000> : vector<64xf32>
        %reduce_min3A_356 = vector.multi_reduction <minimumf>, %sub3A_354, %reduce_min3A_355 [1] : vector<64x1024xf32> to vector<64xf32>
        %broadcast_in_dim3A_357 = vector.shape_cast %reduce_min3A_356 : vector<64xf32> to vector<64x1xf32>
        %eq3A_358 = vector.broadcast %broadcast_in_dim3A_357 : vector<64x1xf32> to vector<64x1024xf32>
        %eq3A_359 = arith.cmpf oeq, %sub3A_354, %eq3A_358 : vector<64x1024xf32>
        %jit3A_360 = arith.constant 1.024000e+03 : f32
        %broadcast_in_dim3A_361 = vector.broadcast %jit3A_360 : f32 to vector<64x1024xf32>
        %select_n3A_362 = arith.select %eq3A_359, %convert_element_type3A, %broadcast_in_dim3A_361 : vector<64x1024xi1>, vector<64x1024xf32>
        %reduce_min3A_363 = arith.constant dense<0x7F800000> : vector<64xf32>
        %reduce_min3A_364 = vector.multi_reduction <minimumf>, %select_n3A_362, %reduce_min3A_363 [1] : vector<64x1024xf32> to vector<64xf32>
        %broadcast_in_dim3A_365 = vector.shape_cast %reduce_min3A_364 : vector<64xf32> to vector<64x1xf32>
        %eq3A_366 = vector.broadcast %broadcast_in_dim3A_365 : vector<64x1xf32> to vector<64x1024xf32>
        %eq3A_367 = arith.cmpf oeq, %convert_element_type3A, %eq3A_366 : vector<64x1024xf32>
        %gt3A_368 = vector.broadcast %add3A_337 : i32 to vector<64x1xi32>
        %gt3A_369 = arith.cmpi sgt, %get3A_61, %gt3A_368 : vector<64x1xi32>
        %and3A_370 = vector.broadcast %gt3A_369 : vector<64x1xi1> to vector<64x1024xi1>
        %and3A_371 = arith.andi %eq3A_367, %and3A_370 : vector<64x1024xi1>
        %jit3A_372 = arith.constant 0xFF800000 : f32
        %broadcast_in_dim3A_373 = vector.broadcast %jit3A_372 : f32 to vector<64x1024xf32>
        %select_n3A_374 = arith.select %and3A_371, %broadcast_in_dim3A_373, %get3A_340 : vector<64x1024xi1>, vector<64x1024xf32>
        %swap3A_375 = arith.constant 0 : index
        %swap3A_376 = arith.constant 0 : index
        %swap3A_377 = vector.load %arg14[%swap3A_375, %swap3A_376] : memref<64x1024xf32, #tpu.memory_space<vmem>>, vector<64x1024xf32>
        tpu.vector_store %arg14[%swap3A_375, %swap3A_376], %select_n3A_374 {strides = array<i32>} : memref<64x1024xf32, #tpu.memory_space<vmem>>, vector<64x1024xf32>,
        %eq3A_378 = vector.broadcast %add3A_314 : i32 to vector<64x128xi32>
        %eq3A_379 = arith.cmpi eq, %iota3A_58, %eq3A_378 : vector<64x128xi32>
        %broadcast_in_dim3A_380 = vector.shape_cast %broadcast_in_dim3A_365 : vector<64x1xf32> to vector<64x1xf32>
        %broadcast_in_dim3A_381 = vector.broadcast %broadcast_in_dim3A_380 : vector<64x1xf32> to vector<64x128xf32>
        %select_n3A_382 = arith.select %eq3A_379, %broadcast_in_dim3A_381, %select_n3A_310 : vector<64x128xi1>, vector<64x128xf32>
        %mul3A_383 = arith.constant 8 : i32
        %mul3A_384 = arith.muli %mul3A_383, %while3A_242 : i32
        %add3A_385 = arith.constant 2 : i32
        %add3A_386 = arith.addi %mul3A_384, %add3A_385 : i32
        %sub3A_387 = arith.constant 128 : i32
        %sub3A_388 = arith.subi %sub3A_387, %add3A_386 : i32
        %jit3A_389 = arith.constant 128 : i32
        %eq3A_390 = arith.constant 0 : i32
        %eq3A_391 = arith.cmpi eq, %jit3A_389, %eq3A_390 : i32
        %jit3A_392 = arith.constant 1 : i32
        %select_n3A_393 = arith.select %eq3A_391, %jit3A_392, %jit3A_389 : i32
        %rem3A_394 = arith.remsi %sub3A_388, %select_n3A_393 : i32
        %ne3A_395 = arith.constant 0 : i32
        %ne3A_396 = arith.cmpi ne, %rem3A_394, %ne3A_395 : i32
        %lt3A_397 = arith.constant 0 : i32
        %lt3A_398 = arith.cmpi slt, %rem3A_394, %lt3A_397 : i32
        %lt3A_399 = arith.constant 0 : i32
        %lt3A_400 = arith.cmpi slt, %select_n3A_393, %lt3A_399 : i32
        %ne3A_401 = arith.xori %lt3A_398, %lt3A_400 : i1
        %and3A_402 = arith.andi %ne3A_401, %ne3A_396 : i1
        %add3A_403 = arith.addi %rem3A_394, %select_n3A_393 : i32
        %select_n3A_404 = arith.select %and3A_402, %add3A_403, %rem3A_394 : i32
        %roll3A_405 = tpu.dynamic_rotate %get3A_193 by %select_n3A_404 dim 1 : vector<64x128xf32>, i32 -> vector<64x128xf32>
        %slice3A_406 = vector.extract_strided_slice %roll3A_405 {offsets = [0, 0], sizes = [64, 1], strides = [1, 1]} : vector<64x128xf32> to vector<64x1xf32>
        %roll3A_407 = tpu.dynamic_rotate %get3A_196 by %select_n3A_404 dim 1 : vector<64x128xf32>, i32 -> vector<64x128xf32>
        %slice3A_408 = vector.extract_strided_slice %roll3A_407 {offsets = [0, 0], sizes = [64, 1], strides = [1, 1]} : vector<64x128xf32> to vector<64x1xf32>
        %add3A_409 = arith.addi %multiple_of3A, %add3A_386 : i32
        %get3A_410 = arith.constant 0 : index
        %get3A_411 = arith.constant 0 : index
        %get3A_412 = vector.load %arg14[%get3A_410, %get3A_411] : memref<64x1024xf32, #tpu.memory_space<vmem>>, vector<64x1024xf32>
        %get3A_413 = arith.constant 0 : index
        %get3A_414 = arith.constant 0 : index
        %get3A_415 = vector.load %arg11[%get3A_413, %get3A_414] : memref<64x1024xf32, #tpu.memory_space<vmem>>, vector<64x1024xf32>
        %sub3A_416 = vector.broadcast %slice3A_406 : vector<64x1xf32> to vector<64x1024xf32>
        %sub3A_417 = arith.subf %get3A_415, %sub3A_416 : vector<64x1024xf32>
        %abs3A_418 = math.absf %sub3A_417 : vector<64x1024xf32>
        %get3A_419 = arith.constant 0 : index
        %get3A_420 = arith.constant 0 : index
        %get3A_421 = vector.load %arg12[%get3A_419, %get3A_420] : memref<64x1024xf32, #tpu.memory_space<vmem>>, vector<64x1024xf32>
        %sub3A_422 = vector.broadcast %slice3A_408 : vector<64x1xf32> to vector<64x1024xf32>
        %sub3A_423 = arith.subf %get3A_421, %sub3A_422 : vector<64x1024xf32>
        %abs3A_424 = math.absf %sub3A_423 : vector<64x1024xf32>
        %add3A_425 = arith.addf %abs3A_418, %abs3A_424 : vector<64x1024xf32>
        %sub3A_426 = arith.subf %add3A_425, %get3A_412 : vector<64x1024xf32>
        %reduce_min3A_427 = arith.constant dense<0x7F800000> : vector<64xf32>
        %reduce_min3A_428 = vector.multi_reduction <minimumf>, %sub3A_426, %reduce_min3A_427 [1] : vector<64x1024xf32> to vector<64xf32>
        %broadcast_in_dim3A_429 = vector.shape_cast %reduce_min3A_428 : vector<64xf32> to vector<64x1xf32>
        %eq3A_430 = vector.broadcast %broadcast_in_dim3A_429 : vector<64x1xf32> to vector<64x1024xf32>
        %eq3A_431 = arith.cmpf oeq, %sub3A_426, %eq3A_430 : vector<64x1024xf32>
        %jit3A_432 = arith.constant 1.024000e+03 : f32
        %broadcast_in_dim3A_433 = vector.broadcast %jit3A_432 : f32 to vector<64x1024xf32>
        %select_n3A_434 = arith.select %eq3A_431, %convert_element_type3A, %broadcast_in_dim3A_433 : vector<64x1024xi1>, vector<64x1024xf32>
        %reduce_min3A_435 = arith.constant dense<0x7F800000> : vector<64xf32>
        %reduce_min3A_436 = vector.multi_reduction <minimumf>, %select_n3A_434, %reduce_min3A_435 [1] : vector<64x1024xf32> to vector<64xf32>
        %broadcast_in_dim3A_437 = vector.shape_cast %reduce_min3A_436 : vector<64xf32> to vector<64x1xf32>
        %eq3A_438 = vector.broadcast %broadcast_in_dim3A_437 : vector<64x1xf32> to vector<64x1024xf32>
        %eq3A_439 = arith.cmpf oeq, %convert_element_type3A, %eq3A_438 : vector<64x1024xf32>
        %gt3A_440 = vector.broadcast %add3A_409 : i32 to vector<64x1xi32>
        %gt3A_441 = arith.cmpi sgt, %get3A_61, %gt3A_440 : vector<64x1xi32>
        %and3A_442 = vector.broadcast %gt3A_441 : vector<64x1xi1> to vector<64x1024xi1>
        %and3A_443 = arith.andi %eq3A_439, %and3A_442 : vector<64x1024xi1>
        %jit3A_444 = arith.constant 0xFF800000 : f32
        %broadcast_in_dim3A_445 = vector.broadcast %jit3A_444 : f32 to vector<64x1024xf32>
        %select_n3A_446 = arith.select %and3A_443, %broadcast_in_dim3A_445, %get3A_412 : vector<64x1024xi1>, vector<64x1024xf32>
        %swap3A_447 = arith.constant 0 : index
        %swap3A_448 = arith.constant 0 : index
        %swap3A_449 = vector.load %arg14[%swap3A_447, %swap3A_448] : memref<64x1024xf32, #tpu.memory_space<vmem>>, vector<64x1024xf32>
        tpu.vector_store %arg14[%swap3A_447, %swap3A_448], %select_n3A_446 {strides = array<i32>} : memref<64x1024xf32, #tpu.memory_space<vmem>>, vector<64x1024xf32>,
        %eq3A_450 = vector.broadcast %add3A_386 : i32 to vector<64x128xi32>
        %eq3A_451 = arith.cmpi eq, %iota3A_58, %eq3A_450 : vector<64x128xi32>
        %broadcast_in_dim3A_452 = vector.shape_cast %broadcast_in_dim3A_437 : vector<64x1xf32> to vector<64x1xf32>
        %broadcast_in_dim3A_453 = vector.broadcast %broadcast_in_dim3A_452 : vector<64x1xf32> to vector<64x128xf32>
        %select_n3A_454 = arith.select %eq3A_451, %broadcast_in_dim3A_453, %select_n3A_382 : vector<64x128xi1>, vector<64x128xf32>
        %mul3A_455 = arith.constant 8 : i32
        %mul3A_456 = arith.muli %mul3A_455, %while3A_242 : i32
        %add3A_457 = arith.constant 3 : i32
        %add3A_458 = arith.addi %mul3A_456, %add3A_457 : i32
        %sub3A_459 = arith.constant 128 : i32
        %sub3A_460 = arith.subi %sub3A_459, %add3A_458 : i32
        %jit3A_461 = arith.constant 128 : i32
        %eq3A_462 = arith.constant 0 : i32
        %eq3A_463 = arith.cmpi eq, %jit3A_461, %eq3A_462 : i32
        %jit3A_464 = arith.constant 1 : i32
        %select_n3A_465 = arith.select %eq3A_463, %jit3A_464, %jit3A_461 : i32
        %rem3A_466 = arith.remsi %sub3A_460, %select_n3A_465 : i32
        %ne3A_467 = arith.constant 0 : i32
        %ne3A_468 = arith.cmpi ne, %rem3A_466, %ne3A_467 : i32
        %lt3A_469 = arith.constant 0 : i32
        %lt3A_470 = arith.cmpi slt, %rem3A_466, %lt3A_469 : i32
        %lt3A_471 = arith.constant 0 : i32
        %lt3A_472 = arith.cmpi slt, %select_n3A_465, %lt3A_471 : i32
        %ne3A_473 = arith.xori %lt3A_470, %lt3A_472 : i1
        %and3A_474 = arith.andi %ne3A_473, %ne3A_468 : i1
        %add3A_475 = arith.addi %rem3A_466, %select_n3A_465 : i32
        %select_n3A_476 = arith.select %and3A_474, %add3A_475, %rem3A_466 : i32
        %roll3A_477 = tpu.dynamic_rotate %get3A_193 by %select_n3A_476 dim 1 : vector<64x128xf32>, i32 -> vector<64x128xf32>
        %slice3A_478 = vector.extract_strided_slice %roll3A_477 {offsets = [0, 0], sizes = [64, 1], strides = [1, 1]} : vector<64x128xf32> to vector<64x1xf32>
        %roll3A_479 = tpu.dynamic_rotate %get3A_196 by %select_n3A_476 dim 1 : vector<64x128xf32>, i32 -> vector<64x128xf32>
        %slice3A_480 = vector.extract_strided_slice %roll3A_479 {offsets = [0, 0], sizes = [64, 1], strides = [1, 1]} : vector<64x128xf32> to vector<64x1xf32>
        %add3A_481 = arith.addi %multiple_of3A, %add3A_458 : i32
        %get3A_482 = arith.constant 0 : index
        %get3A_483 = arith.constant 0 : index
        %get3A_484 = vector.load %arg14[%get3A_482, %get3A_483] : memref<64x1024xf32, #tpu.memory_space<vmem>>, vector<64x1024xf32>
        %get3A_485 = arith.constant 0 : index
        %get3A_486 = arith.constant 0 : index
        %get3A_487 = vector.load %arg11[%get3A_485, %get3A_486] : memref<64x1024xf32, #tpu.memory_space<vmem>>, vector<64x1024xf32>
        %sub3A_488 = vector.broadcast %slice3A_478 : vector<64x1xf32> to vector<64x1024xf32>
        %sub3A_489 = arith.subf %get3A_487, %sub3A_488 : vector<64x1024xf32>
        %abs3A_490 = math.absf %sub3A_489 : vector<64x1024xf32>
        %get3A_491 = arith.constant 0 : index
        %get3A_492 = arith.constant 0 : index
        %get3A_493 = vector.load %arg12[%get3A_491, %get3A_492] : memref<64x1024xf32, #tpu.memory_space<vmem>>, vector<64x1024xf32>
        %sub3A_494 = vector.broadcast %slice3A_480 : vector<64x1xf32> to vector<64x1024xf32>
        %sub3A_495 = arith.subf %get3A_493, %sub3A_494 : vector<64x1024xf32>
        %abs3A_496 = math.absf %sub3A_495 : vector<64x1024xf32>
        %add3A_497 = arith.addf %abs3A_490, %abs3A_496 : vector<64x1024xf32>
        %sub3A_498 = arith.subf %add3A_497, %get3A_484 : vector<64x1024xf32>
        %reduce_min3A_499 = arith.constant dense<0x7F800000> : vector<64xf32>
        %reduce_min3A_500 = vector.multi_reduction <minimumf>, %sub3A_498, %reduce_min3A_499 [1] : vector<64x1024xf32> to vector<64xf32>
        %broadcast_in_dim3A_501 = vector.shape_cast %reduce_min3A_500 : vector<64xf32> to vector<64x1xf32>
        %eq3A_502 = vector.broadcast %broadcast_in_dim3A_501 : vector<64x1xf32> to vector<64x1024xf32>
        %eq3A_503 = arith.cmpf oeq, %sub3A_498, %eq3A_502 : vector<64x1024xf32>
        %jit3A_504 = arith.constant 1.024000e+03 : f32
        %broadcast_in_dim3A_505 = vector.broadcast %jit3A_504 : f32 to vector<64x1024xf32>
        %select_n3A_506 = arith.select %eq3A_503, %convert_element_type3A, %broadcast_in_dim3A_505 : vector<64x1024xi1>, vector<64x1024xf32>
        %reduce_min3A_507 = arith.constant dense<0x7F800000> : vector<64xf32>
        %reduce_min3A_508 = vector.multi_reduction <minimumf>, %select_n3A_506, %reduce_min3A_507 [1] : vector<64x1024xf32> to vector<64xf32>
        %broadcast_in_dim3A_509 = vector.shape_cast %reduce_min3A_508 : vector<64xf32> to vector<64x1xf32>
        %eq3A_510 = vector.broadcast %broadcast_in_dim3A_509 : vector<64x1xf32> to vector<64x1024xf32>
        %eq3A_511 = arith.cmpf oeq, %convert_element_type3A, %eq3A_510 : vector<64x1024xf32>
        %gt3A_512 = vector.broadcast %add3A_481 : i32 to vector<64x1xi32>
        %gt3A_513 = arith.cmpi sgt, %get3A_61, %gt3A_512 : vector<64x1xi32>
        %and3A_514 = vector.broadcast %gt3A_513 : vector<64x1xi1> to vector<64x1024xi1>
        %and3A_515 = arith.andi %eq3A_511, %and3A_514 : vector<64x1024xi1>
        %jit3A_516 = arith.constant 0xFF800000 : f32
        %broadcast_in_dim3A_517 = vector.broadcast %jit3A_516 : f32 to vector<64x1024xf32>
        %select_n3A_518 = arith.select %and3A_515, %broadcast_in_dim3A_517, %get3A_484 : vector<64x1024xi1>, vector<64x1024xf32>
        %swap3A_519 = arith.constant 0 : index
        %swap3A_520 = arith.constant 0 : index
        %swap3A_521 = vector.load %arg14[%swap3A_519, %swap3A_520] : memref<64x1024xf32, #tpu.memory_space<vmem>>, vector<64x1024xf32>
        tpu.vector_store %arg14[%swap3A_519, %swap3A_520], %select_n3A_518 {strides = array<i32>} : memref<64x1024xf32, #tpu.memory_space<vmem>>, vector<64x1024xf32>,
        %eq3A_522 = vector.broadcast %add3A_458 : i32 to vector<64x128xi32>
        %eq3A_523 = arith.cmpi eq, %iota3A_58, %eq3A_522 : vector<64x128xi32>
        %broadcast_in_dim3A_524 = vector.shape_cast %broadcast_in_dim3A_509 : vector<64x1xf32> to vector<64x1xf32>
        %broadcast_in_dim3A_525 = vector.broadcast %broadcast_in_dim3A_524 : vector<64x1xf32> to vector<64x128xf32>
        %select_n3A_526 = arith.select %eq3A_523, %broadcast_in_dim3A_525, %select_n3A_454 : vector<64x128xi1>, vector<64x128xf32>
        %mul3A_527 = arith.constant 8 : i32
        %mul3A_528 = arith.muli %mul3A_527, %while3A_242 : i32
        %add3A_529 = arith.constant 4 : i32
        %add3A_530 = arith.addi %mul3A_528, %add3A_529 : i32
        %sub3A_531 = arith.constant 128 : i32
        %sub3A_532 = arith.subi %sub3A_531, %add3A_530 : i32
        %jit3A_533 = arith.constant 128 : i32
        %eq3A_534 = arith.constant 0 : i32
        %eq3A_535 = arith.cmpi eq, %jit3A_533, %eq3A_534 : i32
        %jit3A_536 = arith.constant 1 : i32
        %select_n3A_537 = arith.select %eq3A_535, %jit3A_536, %jit3A_533 : i32
        %rem3A_538 = arith.remsi %sub3A_532, %select_n3A_537 : i32
        %ne3A_539 = arith.constant 0 : i32
        %ne3A_540 = arith.cmpi ne, %rem3A_538, %ne3A_539 : i32
        %lt3A_541 = arith.constant 0 : i32
        %lt3A_542 = arith.cmpi slt, %rem3A_538, %lt3A_541 : i32
        %lt3A_543 = arith.constant 0 : i32
        %lt3A_544 = arith.cmpi slt, %select_n3A_537, %lt3A_543 : i32
        %ne3A_545 = arith.xori %lt3A_542, %lt3A_544 : i1
        %and3A_546 = arith.andi %ne3A_545, %ne3A_540 : i1
        %add3A_547 = arith.addi %rem3A_538, %select_n3A_537 : i32
        %select_n3A_548 = arith.select %and3A_546, %add3A_547, %rem3A_538 : i32
        %roll3A_549 = tpu.dynamic_rotate %get3A_193 by %select_n3A_548 dim 1 : vector<64x128xf32>, i32 -> vector<64x128xf32>
        %slice3A_550 = vector.extract_strided_slice %roll3A_549 {offsets = [0, 0], sizes = [64, 1], strides = [1, 1]} : vector<64x128xf32> to vector<64x1xf32>
        %roll3A_551 = tpu.dynamic_rotate %get3A_196 by %select_n3A_548 dim 1 : vector<64x128xf32>, i32 -> vector<64x128xf32>
        %slice3A_552 = vector.extract_strided_slice %roll3A_551 {offsets = [0, 0], sizes = [64, 1], strides = [1, 1]} : vector<64x128xf32> to vector<64x1xf32>
        %add3A_553 = arith.addi %multiple_of3A, %add3A_530 : i32
        %get3A_554 = arith.constant 0 : index
        %get3A_555 = arith.constant 0 : index
        %get3A_556 = vector.load %arg14[%get3A_554, %get3A_555] : memref<64x1024xf32, #tpu.memory_space<vmem>>, vector<64x1024xf32>
        %get3A_557 = arith.constant 0 : index
        %get3A_558 = arith.constant 0 : index
        %get3A_559 = vector.load %arg11[%get3A_557, %get3A_558] : memref<64x1024xf32, #tpu.memory_space<vmem>>, vector<64x1024xf32>
        %sub3A_560 = vector.broadcast %slice3A_550 : vector<64x1xf32> to vector<64x1024xf32>
        %sub3A_561 = arith.subf %get3A_559, %sub3A_560 : vector<64x1024xf32>
        %abs3A_562 = math.absf %sub3A_561 : vector<64x1024xf32>
        %get3A_563 = arith.constant 0 : index
        %get3A_564 = arith.constant 0 : index
        %get3A_565 = vector.load %arg12[%get3A_563, %get3A_564] : memref<64x1024xf32, #tpu.memory_space<vmem>>, vector<64x1024xf32>
        %sub3A_566 = vector.broadcast %slice3A_552 : vector<64x1xf32> to vector<64x1024xf32>
        %sub3A_567 = arith.subf %get3A_565, %sub3A_566 : vector<64x1024xf32>
        %abs3A_568 = math.absf %sub3A_567 : vector<64x1024xf32>
        %add3A_569 = arith.addf %abs3A_562, %abs3A_568 : vector<64x1024xf32>
        %sub3A_570 = arith.subf %add3A_569, %get3A_556 : vector<64x1024xf32>
        %reduce_min3A_571 = arith.constant dense<0x7F800000> : vector<64xf32>
        %reduce_min3A_572 = vector.multi_reduction <minimumf>, %sub3A_570, %reduce_min3A_571 [1] : vector<64x1024xf32> to vector<64xf32>
        %broadcast_in_dim3A_573 = vector.shape_cast %reduce_min3A_572 : vector<64xf32> to vector<64x1xf32>
        %eq3A_574 = vector.broadcast %broadcast_in_dim3A_573 : vector<64x1xf32> to vector<64x1024xf32>
        %eq3A_575 = arith.cmpf oeq, %sub3A_570, %eq3A_574 : vector<64x1024xf32>
        %jit3A_576 = arith.constant 1.024000e+03 : f32
        %broadcast_in_dim3A_577 = vector.broadcast %jit3A_576 : f32 to vector<64x1024xf32>
        %select_n3A_578 = arith.select %eq3A_575, %convert_element_type3A, %broadcast_in_dim3A_577 : vector<64x1024xi1>, vector<64x1024xf32>
        %reduce_min3A_579 = arith.constant dense<0x7F800000> : vector<64xf32>
        %reduce_min3A_580 = vector.multi_reduction <minimumf>, %select_n3A_578, %reduce_min3A_579 [1] : vector<64x1024xf32> to vector<64xf32>
        %broadcast_in_dim3A_581 = vector.shape_cast %reduce_min3A_580 : vector<64xf32> to vector<64x1xf32>
        %eq3A_582 = vector.broadcast %broadcast_in_dim3A_581 : vector<64x1xf32> to vector<64x1024xf32>
        %eq3A_583 = arith.cmpf oeq, %convert_element_type3A, %eq3A_582 : vector<64x1024xf32>
        %gt3A_584 = vector.broadcast %add3A_553 : i32 to vector<64x1xi32>
        %gt3A_585 = arith.cmpi sgt, %get3A_61, %gt3A_584 : vector<64x1xi32>
        %and3A_586 = vector.broadcast %gt3A_585 : vector<64x1xi1> to vector<64x1024xi1>
        %and3A_587 = arith.andi %eq3A_583, %and3A_586 : vector<64x1024xi1>
        %jit3A_588 = arith.constant 0xFF800000 : f32
        %broadcast_in_dim3A_589 = vector.broadcast %jit3A_588 : f32 to vector<64x1024xf32>
        %select_n3A_590 = arith.select %and3A_587, %broadcast_in_dim3A_589, %get3A_556 : vector<64x1024xi1>, vector<64x1024xf32>
        %swap3A_591 = arith.constant 0 : index
        %swap3A_592 = arith.constant 0 : index
        %swap3A_593 = vector.load %arg14[%swap3A_591, %swap3A_592] : memref<64x1024xf32, #tpu.memory_space<vmem>>, vector<64x1024xf32>
        tpu.vector_store %arg14[%swap3A_591, %swap3A_592], %select_n3A_590 {strides = array<i32>} : memref<64x1024xf32, #tpu.memory_space<vmem>>, vector<64x1024xf32>,
        %eq3A_594 = vector.broadcast %add3A_530 : i32 to vector<64x128xi32>
        %eq3A_595 = arith.cmpi eq, %iota3A_58, %eq3A_594 : vector<64x128xi32>
        %broadcast_in_dim3A_596 = vector.shape_cast %broadcast_in_dim3A_581 : vector<64x1xf32> to vector<64x1xf32>
        %broadcast_in_dim3A_597 = vector.broadcast %broadcast_in_dim3A_596 : vector<64x1xf32> to vector<64x128xf32>
        %select_n3A_598 = arith.select %eq3A_595, %broadcast_in_dim3A_597, %select_n3A_526 : vector<64x128xi1>, vector<64x128xf32>
        %mul3A_599 = arith.constant 8 : i32
        %mul3A_600 = arith.muli %mul3A_599, %while3A_242 : i32
        %add3A_601 = arith.constant 5 : i32
        %add3A_602 = arith.addi %mul3A_600, %add3A_601 : i32
        %sub3A_603 = arith.constant 128 : i32
        %sub3A_604 = arith.subi %sub3A_603, %add3A_602 : i32
        %jit3A_605 = arith.constant 128 : i32
        %eq3A_606 = arith.constant 0 : i32
        %eq3A_607 = arith.cmpi eq, %jit3A_605, %eq3A_606 : i32
        %jit3A_608 = arith.constant 1 : i32
        %select_n3A_609 = arith.select %eq3A_607, %jit3A_608, %jit3A_605 : i32
        %rem3A_610 = arith.remsi %sub3A_604, %select_n3A_609 : i32
        %ne3A_611 = arith.constant 0 : i32
        %ne3A_612 = arith.cmpi ne, %rem3A_610, %ne3A_611 : i32
        %lt3A_613 = arith.constant 0 : i32
        %lt3A_614 = arith.cmpi slt, %rem3A_610, %lt3A_613 : i32
        %lt3A_615 = arith.constant 0 : i32
        %lt3A_616 = arith.cmpi slt, %select_n3A_609, %lt3A_615 : i32
        %ne3A_617 = arith.xori %lt3A_614, %lt3A_616 : i1
        %and3A_618 = arith.andi %ne3A_617, %ne3A_612 : i1
        %add3A_619 = arith.addi %rem3A_610, %select_n3A_609 : i32
        %select_n3A_620 = arith.select %and3A_618, %add3A_619, %rem3A_610 : i32
        %roll3A_621 = tpu.dynamic_rotate %get3A_193 by %select_n3A_620 dim 1 : vector<64x128xf32>, i32 -> vector<64x128xf32>
        %slice3A_622 = vector.extract_strided_slice %roll3A_621 {offsets = [0, 0], sizes = [64, 1], strides = [1, 1]} : vector<64x128xf32> to vector<64x1xf32>
        %roll3A_623 = tpu.dynamic_rotate %get3A_196 by %select_n3A_620 dim 1 : vector<64x128xf32>, i32 -> vector<64x128xf32>
        %slice3A_624 = vector.extract_strided_slice %roll3A_623 {offsets = [0, 0], sizes = [64, 1], strides = [1, 1]} : vector<64x128xf32> to vector<64x1xf32>
        %add3A_625 = arith.addi %multiple_of3A, %add3A_602 : i32
        %get3A_626 = arith.constant 0 : index
        %get3A_627 = arith.constant 0 : index
        %get3A_628 = vector.load %arg14[%get3A_626, %get3A_627] : memref<64x1024xf32, #tpu.memory_space<vmem>>, vector<64x1024xf32>
        %get3A_629 = arith.constant 0 : index
        %get3A_630 = arith.constant 0 : index
        %get3A_631 = vector.load %arg11[%get3A_629, %get3A_630] : memref<64x1024xf32, #tpu.memory_space<vmem>>, vector<64x1024xf32>
        %sub3A_632 = vector.broadcast %slice3A_622 : vector<64x1xf32> to vector<64x1024xf32>
        %sub3A_633 = arith.subf %get3A_631, %sub3A_632 : vector<64x1024xf32>
        %abs3A_634 = math.absf %sub3A_633 : vector<64x1024xf32>
        %get3A_635 = arith.constant 0 : index
        %get3A_636 = arith.constant 0 : index
        %get3A_637 = vector.load %arg12[%get3A_635, %get3A_636] : memref<64x1024xf32, #tpu.memory_space<vmem>>, vector<64x1024xf32>
        %sub3A_638 = vector.broadcast %slice3A_624 : vector<64x1xf32> to vector<64x1024xf32>
        %sub3A_639 = arith.subf %get3A_637, %sub3A_638 : vector<64x1024xf32>
        %abs3A_640 = math.absf %sub3A_639 : vector<64x1024xf32>
        %add3A_641 = arith.addf %abs3A_634, %abs3A_640 : vector<64x1024xf32>
        %sub3A_642 = arith.subf %add3A_641, %get3A_628 : vector<64x1024xf32>
        %reduce_min3A_643 = arith.constant dense<0x7F800000> : vector<64xf32>
        %reduce_min3A_644 = vector.multi_reduction <minimumf>, %sub3A_642, %reduce_min3A_643 [1] : vector<64x1024xf32> to vector<64xf32>
        %broadcast_in_dim3A_645 = vector.shape_cast %reduce_min3A_644 : vector<64xf32> to vector<64x1xf32>
        %eq3A_646 = vector.broadcast %broadcast_in_dim3A_645 : vector<64x1xf32> to vector<64x1024xf32>
        %eq3A_647 = arith.cmpf oeq, %sub3A_642, %eq3A_646 : vector<64x1024xf32>
        %jit3A_648 = arith.constant 1.024000e+03 : f32
        %broadcast_in_dim3A_649 = vector.broadcast %jit3A_648 : f32 to vector<64x1024xf32>
        %select_n3A_650 = arith.select %eq3A_647, %convert_element_type3A, %broadcast_in_dim3A_649 : vector<64x1024xi1>, vector<64x1024xf32>
        %reduce_min3A_651 = arith.constant dense<0x7F800000> : vector<64xf32>
        %reduce_min3A_652 = vector.multi_reduction <minimumf>, %select_n3A_650, %reduce_min3A_651 [1] : vector<64x1024xf32> to vector<64xf32>
        %broadcast_in_dim3A_653 = vector.shape_cast %reduce_min3A_652 : vector<64xf32> to vector<64x1xf32>
        %eq3A_654 = vector.broadcast %broadcast_in_dim3A_653 : vector<64x1xf32> to vector<64x1024xf32>
        %eq3A_655 = arith.cmpf oeq, %convert_element_type3A, %eq3A_654 : vector<64x1024xf32>
        %gt3A_656 = vector.broadcast %add3A_625 : i32 to vector<64x1xi32>
        %gt3A_657 = arith.cmpi sgt, %get3A_61, %gt3A_656 : vector<64x1xi32>
        %and3A_658 = vector.broadcast %gt3A_657 : vector<64x1xi1> to vector<64x1024xi1>
        %and3A_659 = arith.andi %eq3A_655, %and3A_658 : vector<64x1024xi1>
        %jit3A_660 = arith.constant 0xFF800000 : f32
        %broadcast_in_dim3A_661 = vector.broadcast %jit3A_660 : f32 to vector<64x1024xf32>
        %select_n3A_662 = arith.select %and3A_659, %broadcast_in_dim3A_661, %get3A_628 : vector<64x1024xi1>, vector<64x1024xf32>
        %swap3A_663 = arith.constant 0 : index
        %swap3A_664 = arith.constant 0 : index
        %swap3A_665 = vector.load %arg14[%swap3A_663, %swap3A_664] : memref<64x1024xf32, #tpu.memory_space<vmem>>, vector<64x1024xf32>
        tpu.vector_store %arg14[%swap3A_663, %swap3A_664], %select_n3A_662 {strides = array<i32>} : memref<64x1024xf32, #tpu.memory_space<vmem>>, vector<64x1024xf32>,
        %eq3A_666 = vector.broadcast %add3A_602 : i32 to vector<64x128xi32>
        %eq3A_667 = arith.cmpi eq, %iota3A_58, %eq3A_666 : vector<64x128xi32>
        %broadcast_in_dim3A_668 = vector.shape_cast %broadcast_in_dim3A_653 : vector<64x1xf32> to vector<64x1xf32>
        %broadcast_in_dim3A_669 = vector.broadcast %broadcast_in_dim3A_668 : vector<64x1xf32> to vector<64x128xf32>
        %select_n3A_670 = arith.select %eq3A_667, %broadcast_in_dim3A_669, %select_n3A_598 : vector<64x128xi1>, vector<64x128xf32>
        %mul3A_671 = arith.constant 8 : i32
        %mul3A_672 = arith.muli %mul3A_671, %while3A_242 : i32
        %add3A_673 = arith.constant 6 : i32
        %add3A_674 = arith.addi %mul3A_672, %add3A_673 : i32
        %sub3A_675 = arith.constant 128 : i32
        %sub3A_676 = arith.subi %sub3A_675, %add3A_674 : i32
        %jit3A_677 = arith.constant 128 : i32
        %eq3A_678 = arith.constant 0 : i32
        %eq3A_679 = arith.cmpi eq, %jit3A_677, %eq3A_678 : i32
        %jit3A_680 = arith.constant 1 : i32
        %select_n3A_681 = arith.select %eq3A_679, %jit3A_680, %jit3A_677 : i32
        %rem3A_682 = arith.remsi %sub3A_676, %select_n3A_681 : i32
        %ne3A_683 = arith.constant 0 : i32
        %ne3A_684 = arith.cmpi ne, %rem3A_682, %ne3A_683 : i32
        %lt3A_685 = arith.constant 0 : i32
        %lt3A_686 = arith.cmpi slt, %rem3A_682, %lt3A_685 : i32
        %lt3A_687 = arith.constant 0 : i32
        %lt3A_688 = arith.cmpi slt, %select_n3A_681, %lt3A_687 : i32
        %ne3A_689 = arith.xori %lt3A_686, %lt3A_688 : i1
        %and3A_690 = arith.andi %ne3A_689, %ne3A_684 : i1
        %add3A_691 = arith.addi %rem3A_682, %select_n3A_681 : i32
        %select_n3A_692 = arith.select %and3A_690, %add3A_691, %rem3A_682 : i32
        %roll3A_693 = tpu.dynamic_rotate %get3A_193 by %select_n3A_692 dim 1 : vector<64x128xf32>, i32 -> vector<64x128xf32>
        %slice3A_694 = vector.extract_strided_slice %roll3A_693 {offsets = [0, 0], sizes = [64, 1], strides = [1, 1]} : vector<64x128xf32> to vector<64x1xf32>
        %roll3A_695 = tpu.dynamic_rotate %get3A_196 by %select_n3A_692 dim 1 : vector<64x128xf32>, i32 -> vector<64x128xf32>
        %slice3A_696 = vector.extract_strided_slice %roll3A_695 {offsets = [0, 0], sizes = [64, 1], strides = [1, 1]} : vector<64x128xf32> to vector<64x1xf32>
        %add3A_697 = arith.addi %multiple_of3A, %add3A_674 : i32
        %get3A_698 = arith.constant 0 : index
        %get3A_699 = arith.constant 0 : index
        %get3A_700 = vector.load %arg14[%get3A_698, %get3A_699] : memref<64x1024xf32, #tpu.memory_space<vmem>>, vector<64x1024xf32>
        %get3A_701 = arith.constant 0 : index
        %get3A_702 = arith.constant 0 : index
        %get3A_703 = vector.load %arg11[%get3A_701, %get3A_702] : memref<64x1024xf32, #tpu.memory_space<vmem>>, vector<64x1024xf32>
        %sub3A_704 = vector.broadcast %slice3A_694 : vector<64x1xf32> to vector<64x1024xf32>
        %sub3A_705 = arith.subf %get3A_703, %sub3A_704 : vector<64x1024xf32>
        %abs3A_706 = math.absf %sub3A_705 : vector<64x1024xf32>
        %get3A_707 = arith.constant 0 : index
        %get3A_708 = arith.constant 0 : index
        %get3A_709 = vector.load %arg12[%get3A_707, %get3A_708] : memref<64x1024xf32, #tpu.memory_space<vmem>>, vector<64x1024xf32>
        %sub3A_710 = vector.broadcast %slice3A_696 : vector<64x1xf32> to vector<64x1024xf32>
        %sub3A_711 = arith.subf %get3A_709, %sub3A_710 : vector<64x1024xf32>
        %abs3A_712 = math.absf %sub3A_711 : vector<64x1024xf32>
        %add3A_713 = arith.addf %abs3A_706, %abs3A_712 : vector<64x1024xf32>
        %sub3A_714 = arith.subf %add3A_713, %get3A_700 : vector<64x1024xf32>
        %reduce_min3A_715 = arith.constant dense<0x7F800000> : vector<64xf32>
        %reduce_min3A_716 = vector.multi_reduction <minimumf>, %sub3A_714, %reduce_min3A_715 [1] : vector<64x1024xf32> to vector<64xf32>
        %broadcast_in_dim3A_717 = vector.shape_cast %reduce_min3A_716 : vector<64xf32> to vector<64x1xf32>
        %eq3A_718 = vector.broadcast %broadcast_in_dim3A_717 : vector<64x1xf32> to vector<64x1024xf32>
        %eq3A_719 = arith.cmpf oeq, %sub3A_714, %eq3A_718 : vector<64x1024xf32>
        %jit3A_720 = arith.constant 1.024000e+03 : f32
        %broadcast_in_dim3A_721 = vector.broadcast %jit3A_720 : f32 to vector<64x1024xf32>
        %select_n3A_722 = arith.select %eq3A_719, %convert_element_type3A, %broadcast_in_dim3A_721 : vector<64x1024xi1>, vector<64x1024xf32>
        %reduce_min3A_723 = arith.constant dense<0x7F800000> : vector<64xf32>
        %reduce_min3A_724 = vector.multi_reduction <minimumf>, %select_n3A_722, %reduce_min3A_723 [1] : vector<64x1024xf32> to vector<64xf32>
        %broadcast_in_dim3A_725 = vector.shape_cast %reduce_min3A_724 : vector<64xf32> to vector<64x1xf32>
        %eq3A_726 = vector.broadcast %broadcast_in_dim3A_725 : vector<64x1xf32> to vector<64x1024xf32>
        %eq3A_727 = arith.cmpf oeq, %convert_element_type3A, %eq3A_726 : vector<64x1024xf32>
        %gt3A_728 = vector.broadcast %add3A_697 : i32 to vector<64x1xi32>
        %gt3A_729 = arith.cmpi sgt, %get3A_61, %gt3A_728 : vector<64x1xi32>
        %and3A_730 = vector.broadcast %gt3A_729 : vector<64x1xi1> to vector<64x1024xi1>
        %and3A_731 = arith.andi %eq3A_727, %and3A_730 : vector<64x1024xi1>
        %jit3A_732 = arith.constant 0xFF800000 : f32
        %broadcast_in_dim3A_733 = vector.broadcast %jit3A_732 : f32 to vector<64x1024xf32>
        %select_n3A_734 = arith.select %and3A_731, %broadcast_in_dim3A_733, %get3A_700 : vector<64x1024xi1>, vector<64x1024xf32>
        %swap3A_735 = arith.constant 0 : index
        %swap3A_736 = arith.constant 0 : index
        %swap3A_737 = vector.load %arg14[%swap3A_735, %swap3A_736] : memref<64x1024xf32, #tpu.memory_space<vmem>>, vector<64x1024xf32>
        tpu.vector_store %arg14[%swap3A_735, %swap3A_736], %select_n3A_734 {strides = array<i32>} : memref<64x1024xf32, #tpu.memory_space<vmem>>, vector<64x1024xf32>,
        %eq3A_738 = vector.broadcast %add3A_674 : i32 to vector<64x128xi32>
        %eq3A_739 = arith.cmpi eq, %iota3A_58, %eq3A_738 : vector<64x128xi32>
        %broadcast_in_dim3A_740 = vector.shape_cast %broadcast_in_dim3A_725 : vector<64x1xf32> to vector<64x1xf32>
        %broadcast_in_dim3A_741 = vector.broadcast %broadcast_in_dim3A_740 : vector<64x1xf32> to vector<64x128xf32>
        %select_n3A_742 = arith.select %eq3A_739, %broadcast_in_dim3A_741, %select_n3A_670 : vector<64x128xi1>, vector<64x128xf32>
        %mul3A_743 = arith.constant 8 : i32
        %mul3A_744 = arith.muli %mul3A_743, %while3A_242 : i32
        %add3A_745 = arith.constant 7 : i32
        %add3A_746 = arith.addi %mul3A_744, %add3A_745 : i32
        %sub3A_747 = arith.constant 128 : i32
        %sub3A_748 = arith.subi %sub3A_747, %add3A_746 : i32
        %jit3A_749 = arith.constant 128 : i32
        %eq3A_750 = arith.constant 0 : i32
        %eq3A_751 = arith.cmpi eq, %jit3A_749, %eq3A_750 : i32
        %jit3A_752 = arith.constant 1 : i32
        %select_n3A_753 = arith.select %eq3A_751, %jit3A_752, %jit3A_749 : i32
        %rem3A_754 = arith.remsi %sub3A_748, %select_n3A_753 : i32
        %ne3A_755 = arith.constant 0 : i32
        %ne3A_756 = arith.cmpi ne, %rem3A_754, %ne3A_755 : i32
        %lt3A_757 = arith.constant 0 : i32
        %lt3A_758 = arith.cmpi slt, %rem3A_754, %lt3A_757 : i32
        %lt3A_759 = arith.constant 0 : i32
        %lt3A_760 = arith.cmpi slt, %select_n3A_753, %lt3A_759 : i32
        %ne3A_761 = arith.xori %lt3A_758, %lt3A_760 : i1
        %and3A_762 = arith.andi %ne3A_761, %ne3A_756 : i1
        %add3A_763 = arith.addi %rem3A_754, %select_n3A_753 : i32
        %select_n3A_764 = arith.select %and3A_762, %add3A_763, %rem3A_754 : i32
        %roll3A_765 = tpu.dynamic_rotate %get3A_193 by %select_n3A_764 dim 1 : vector<64x128xf32>, i32 -> vector<64x128xf32>
        %slice3A_766 = vector.extract_strided_slice %roll3A_765 {offsets = [0, 0], sizes = [64, 1], strides = [1, 1]} : vector<64x128xf32> to vector<64x1xf32>
        %roll3A_767 = tpu.dynamic_rotate %get3A_196 by %select_n3A_764 dim 1 : vector<64x128xf32>, i32 -> vector<64x128xf32>
        %slice3A_768 = vector.extract_strided_slice %roll3A_767 {offsets = [0, 0], sizes = [64, 1], strides = [1, 1]} : vector<64x128xf32> to vector<64x1xf32>
        %add3A_769 = arith.addi %multiple_of3A, %add3A_746 : i32
        %get3A_770 = arith.constant 0 : index
        %get3A_771 = arith.constant 0 : index
        %get3A_772 = vector.load %arg14[%get3A_770, %get3A_771] : memref<64x1024xf32, #tpu.memory_space<vmem>>, vector<64x1024xf32>
        %get3A_773 = arith.constant 0 : index
        %get3A_774 = arith.constant 0 : index
        %get3A_775 = vector.load %arg11[%get3A_773, %get3A_774] : memref<64x1024xf32, #tpu.memory_space<vmem>>, vector<64x1024xf32>
        %sub3A_776 = vector.broadcast %slice3A_766 : vector<64x1xf32> to vector<64x1024xf32>
        %sub3A_777 = arith.subf %get3A_775, %sub3A_776 : vector<64x1024xf32>
        %abs3A_778 = math.absf %sub3A_777 : vector<64x1024xf32>
        %get3A_779 = arith.constant 0 : index
        %get3A_780 = arith.constant 0 : index
        %get3A_781 = vector.load %arg12[%get3A_779, %get3A_780] : memref<64x1024xf32, #tpu.memory_space<vmem>>, vector<64x1024xf32>
        %sub3A_782 = vector.broadcast %slice3A_768 : vector<64x1xf32> to vector<64x1024xf32>
        %sub3A_783 = arith.subf %get3A_781, %sub3A_782 : vector<64x1024xf32>
        %abs3A_784 = math.absf %sub3A_783 : vector<64x1024xf32>
        %add3A_785 = arith.addf %abs3A_778, %abs3A_784 : vector<64x1024xf32>
        %sub3A_786 = arith.subf %add3A_785, %get3A_772 : vector<64x1024xf32>
        %reduce_min3A_787 = arith.constant dense<0x7F800000> : vector<64xf32>
        %reduce_min3A_788 = vector.multi_reduction <minimumf>, %sub3A_786, %reduce_min3A_787 [1] : vector<64x1024xf32> to vector<64xf32>
        %broadcast_in_dim3A_789 = vector.shape_cast %reduce_min3A_788 : vector<64xf32> to vector<64x1xf32>
        %eq3A_790 = vector.broadcast %broadcast_in_dim3A_789 : vector<64x1xf32> to vector<64x1024xf32>
        %eq3A_791 = arith.cmpf oeq, %sub3A_786, %eq3A_790 : vector<64x1024xf32>
        %jit3A_792 = arith.constant 1.024000e+03 : f32
        %broadcast_in_dim3A_793 = vector.broadcast %jit3A_792 : f32 to vector<64x1024xf32>
        %select_n3A_794 = arith.select %eq3A_791, %convert_element_type3A, %broadcast_in_dim3A_793 : vector<64x1024xi1>, vector<64x1024xf32>
        %reduce_min3A_795 = arith.constant dense<0x7F800000> : vector<64xf32>
        %reduce_min3A_796 = vector.multi_reduction <minimumf>, %select_n3A_794, %reduce_min3A_795 [1] : vector<64x1024xf32> to vector<64xf32>
        %broadcast_in_dim3A_797 = vector.shape_cast %reduce_min3A_796 : vector<64xf32> to vector<64x1xf32>
        %eq3A_798 = vector.broadcast %broadcast_in_dim3A_797 : vector<64x1xf32> to vector<64x1024xf32>
        %eq3A_799 = arith.cmpf oeq, %convert_element_type3A, %eq3A_798 : vector<64x1024xf32>
        %gt3A_800 = vector.broadcast %add3A_769 : i32 to vector<64x1xi32>
        %gt3A_801 = arith.cmpi sgt, %get3A_61, %gt3A_800 : vector<64x1xi32>
        %and3A_802 = vector.broadcast %gt3A_801 : vector<64x1xi1> to vector<64x1024xi1>
        %and3A_803 = arith.andi %eq3A_799, %and3A_802 : vector<64x1024xi1>
        %jit3A_804 = arith.constant 0xFF800000 : f32
        %broadcast_in_dim3A_805 = vector.broadcast %jit3A_804 : f32 to vector<64x1024xf32>
        %select_n3A_806 = arith.select %and3A_803, %broadcast_in_dim3A_805, %get3A_772 : vector<64x1024xi1>, vector<64x1024xf32>
        %swap3A_807 = arith.constant 0 : index
        %swap3A_808 = arith.constant 0 : index
        %swap3A_809 = vector.load %arg14[%swap3A_807, %swap3A_808] : memref<64x1024xf32, #tpu.memory_space<vmem>>, vector<64x1024xf32>
        tpu.vector_store %arg14[%swap3A_807, %swap3A_808], %select_n3A_806 {strides = array<i32>} : memref<64x1024xf32, #tpu.memory_space<vmem>>, vector<64x1024xf32>,
        %eq3A_810 = vector.broadcast %add3A_746 : i32 to vector<64x128xi32>
        %eq3A_811 = arith.cmpi eq, %iota3A_58, %eq3A_810 : vector<64x128xi32>
        %broadcast_in_dim3A_812 = vector.shape_cast %broadcast_in_dim3A_797 : vector<64x1xf32> to vector<64x1xf32>
        %broadcast_in_dim3A_813 = vector.broadcast %broadcast_in_dim3A_812 : vector<64x1xf32> to vector<64x128xf32>
        %select_n3A_814 = arith.select %eq3A_811, %broadcast_in_dim3A_813, %select_n3A_742 : vector<64x128xi1>, vector<64x128xf32>
        scf.yield %select_n3A_814 : vector<64x128xf32>
      }
      %swap3A_239 = arith.constant 0 : index
      %swap3A_240 = arith.index_cast %multiple_of3A : i32 to index
      %swap3A_241 = vector.load %arg10[%swap3A_239, %swap3A_240] : memref<64x1024xf32, #tpu.memory_space<vmem>>, vector<64x128xf32>
      tpu.vector_store %arg10[%swap3A_239, %swap3A_240], %while3A_238 {strides = array<i32>} : memref<64x1024xf32, #tpu.memory_space<vmem>>, vector<64x128xf32>,
    }
    %while3A_98 = arith.constant 1 : i32
    scf.for %while3A_188 = %while3A_96 to %while3A_92 step %while3A_98  : i32 {
      %mul3A_189 = arith.constant 128 : i32
      %mul3A_190 = arith.muli %while3A_188, %mul3A_189 : i32
      %multiple_of3A = tpu.assume_multiple %mul3A_190, 128 : i32
      %get3A_191 = arith.constant 0 : index
      %get3A_192 = arith.index_cast %multiple_of3A : i32 to index
      %get3A_193 = vector.load %arg5[%get3A_191, %get3A_192] : memref<64x1024xf32, #tpu.memory_space<vmem>>, vector<64x128xf32>
      %get3A_194 = arith.constant 0 : index
      %get3A_195 = arith.index_cast %multiple_of3A : i32 to index
      %get3A_196 = vector.load %arg6[%get3A_194, %get3A_195] : memref<64x1024xf32, #tpu.memory_space<vmem>>, vector<64x128xf32>
      %sub3A_197 = arith.subi %reduce_max3A_68, %multiple_of3A : i32
      %min3A_198 = arith.constant 128 : i32
      %min3A_199 = arith.minsi %sub3A_197, %min3A_198 : i32
      %add3A_200 = arith.constant 7 : i32
      %add3A_201 = arith.addi %min3A_199, %add3A_200 : i32
      %jit3A_202 = arith.constant 8 : i32
      %div3A_203 = arith.divsi %add3A_201, %jit3A_202 : i32
      %sign3A_204 = arith.constant 0 : i32
      %sign3A_205 = arith.cmpi sgt, %add3A_201, %sign3A_204 : i32
      %sign3A_206 = arith.extui %sign3A_205 : i1 to i32
      %sign3A_207 = arith.constant 0 : i32
      %sign3A_208 = arith.cmpi slt, %add3A_201, %sign3A_207 : i32
      %sign3A_209 = arith.extui %sign3A_208 : i1 to i32
      %sign3A_210 = arith.subi %sign3A_206, %sign3A_209 : i32
      %sign3A_211 = arith.constant 0 : i32
      %sign3A_212 = arith.cmpi sgt, %jit3A_202, %sign3A_211 : i32
      %sign3A_213 = arith.extui %sign3A_212 : i1 to i32
      %sign3A_214 = arith.constant 0 : i32
      %sign3A_215 = arith.cmpi slt, %jit3A_202, %sign3A_214 : i32
      %sign3A_216 = arith.extui %sign3A_215 : i1 to i32
      %sign3A_217 = arith.subi %sign3A_213, %sign3A_216 : i32
      %ne3A_218 = arith.cmpi ne, %sign3A_210, %sign3A_217 : i32
      %rem3A_219 = arith.remsi %add3A_201, %jit3A_202 : i32
      %ne3A_220 = arith.constant 0 : i32
      %ne3A_221 = arith.cmpi ne, %rem3A_219, %ne3A_220 : i32
      %and3A_222 = arith.andi %ne3A_218, %ne3A_221 : i1
      %sub3A_223 = arith.constant 1 : i32
      %sub3A_224 = arith.subi %div3A_203, %sub3A_223 : i32
      %select_n3A_225 = arith.select %and3A_222, %sub3A_224, %div3A_203 : i32
      %broadcast_in_dim3A_226 = arith.constant 0.000000e+00 : f32
      %broadcast_in_dim3A_227 = vector.broadcast %broadcast_in_dim3A_226 : f32 to vector<64x128xf32>
      %while3A_228 = arith.constant 0 : i32
      %while3A_229 = arith.subi %select_n3A_225, %while3A_228 : i32
      %while3A_230 = arith.addi %while3A_228, %while3A_229 : i32
      %while3A_231 = arith.constant 1 : i32
      %while3A_232 = arith.divsi %while3A_229, %while3A_231 : i32
      %while3A_233 = arith.muli %while3A_232, %while3A_231 : i32
      %while3A_234 = arith.addi %while3A_228, %while3A_233 : i32
      %while3A_235 = arith.constant 1 : i32
      %while3A_236 = scf.for %while3A_242 = %while3A_228 to %while3A_234 step %while3A_235 iter_args(%while3A_243 = %broadcast_in_dim3A_227) -> (vector<64x128xf32>)  : i32 {
        %mul3A_244 = arith.constant 8 : i32
        %mul3A_245 = arith.muli %mul3A_244, %while3A_242 : i32
        %add3A_246 = arith.constant 0 : i32
        %add3A_247 = arith.addi %mul3A_245, %add3A_246 : i32
        %sub3A_248 = arith.constant 128 : i32
        %sub3A_249 = arith.subi %sub3A_248, %add3A_247 : i32
        %jit3A_250 = arith.constant 128 : i32
        %eq3A_251 = arith.constant 0 : i32
        %eq3A_252 = arith.cmpi eq, %jit3A_250, %eq3A_251 : i32
        %jit3A_253 = arith.constant 1 : i32
        %select_n3A_254 = arith.select %eq3A_252, %jit3A_253, %jit3A_250 : i32
        %rem3A_255 = arith.remsi %sub3A_249, %select_n3A_254 : i32
        %ne3A_256 = arith.constant 0 : i32
        %ne3A_257 = arith.cmpi ne, %rem3A_255, %ne3A_256 : i32
        %lt3A = arith.constant 0 : i32
        %lt3A_258 = arith.cmpi slt, %rem3A_255, %lt3A : i32
        %lt3A_259 = arith.constant 0 : i32
        %lt3A_260 = arith.cmpi slt, %select_n3A_254, %lt3A_259 : i32
        %ne3A_261 = arith.xori %lt3A_258, %lt3A_260 : i1
        %and3A_262 = arith.andi %ne3A_261, %ne3A_257 : i1
        %add3A_263 = arith.addi %rem3A_255, %select_n3A_254 : i32
        %select_n3A_264 = arith.select %and3A_262, %add3A_263, %rem3A_255 : i32
        %roll3A = tpu.dynamic_rotate %get3A_193 by %select_n3A_264 dim 1 : vector<64x128xf32>, i32 -> vector<64x128xf32>
        %slice3A = vector.extract_strided_slice %roll3A {offsets = [0, 0], sizes = [64, 1], strides = [1, 1]} : vector<64x128xf32> to vector<64x1xf32>
        %roll3A_265 = tpu.dynamic_rotate %get3A_196 by %select_n3A_264 dim 1 : vector<64x128xf32>, i32 -> vector<64x128xf32>
        %slice3A_266 = vector.extract_strided_slice %roll3A_265 {offsets = [0, 0], sizes = [64, 1], strides = [1, 1]} : vector<64x128xf32> to vector<64x1xf32>
        %add3A_267 = arith.addi %multiple_of3A, %add3A_247 : i32
        %get3A_268 = arith.constant 0 : index
        %get3A_269 = arith.constant 0 : index
        %get3A_270 = vector.load %arg14[%get3A_268, %get3A_269] : memref<64x1024xf32, #tpu.memory_space<vmem>>, vector<64x1024xf32>
        %get3A_271 = arith.constant 0 : index
        %get3A_272 = arith.constant 0 : index
        %get3A_273 = vector.load %arg11[%get3A_271, %get3A_272] : memref<64x1024xf32, #tpu.memory_space<vmem>>, vector<64x1024xf32>
        %sub3A_274 = vector.broadcast %slice3A : vector<64x1xf32> to vector<64x1024xf32>
        %sub3A_275 = arith.subf %get3A_273, %sub3A_274 : vector<64x1024xf32>
        %abs3A_276 = math.absf %sub3A_275 : vector<64x1024xf32>
        %get3A_277 = arith.constant 0 : index
        %get3A_278 = arith.constant 0 : index
        %get3A_279 = vector.load %arg12[%get3A_277, %get3A_278] : memref<64x1024xf32, #tpu.memory_space<vmem>>, vector<64x1024xf32>
        %sub3A_280 = vector.broadcast %slice3A_266 : vector<64x1xf32> to vector<64x1024xf32>
        %sub3A_281 = arith.subf %get3A_279, %sub3A_280 : vector<64x1024xf32>
        %abs3A_282 = math.absf %sub3A_281 : vector<64x1024xf32>
        %add3A_283 = arith.addf %abs3A_276, %abs3A_282 : vector<64x1024xf32>
        %sub3A_284 = arith.subf %add3A_283, %get3A_270 : vector<64x1024xf32>
        %reduce_min3A = arith.constant dense<0x7F800000> : vector<64xf32>
        %reduce_min3A_285 = vector.multi_reduction <minimumf>, %sub3A_284, %reduce_min3A [1] : vector<64x1024xf32> to vector<64xf32>
        %broadcast_in_dim3A_286 = vector.shape_cast %reduce_min3A_285 : vector<64xf32> to vector<64x1xf32>
        %eq3A_287 = vector.broadcast %broadcast_in_dim3A_286 : vector<64x1xf32> to vector<64x1024xf32>
        %eq3A_288 = arith.cmpf oeq, %sub3A_284, %eq3A_287 : vector<64x1024xf32>
        %jit3A_289 = arith.constant 1.024000e+03 : f32
        %broadcast_in_dim3A_290 = vector.broadcast %jit3A_289 : f32 to vector<64x1024xf32>
        %select_n3A_291 = arith.select %eq3A_288, %convert_element_type3A, %broadcast_in_dim3A_290 : vector<64x1024xi1>, vector<64x1024xf32>
        %reduce_min3A_292 = arith.constant dense<0x7F800000> : vector<64xf32>
        %reduce_min3A_293 = vector.multi_reduction <minimumf>, %select_n3A_291, %reduce_min3A_292 [1] : vector<64x1024xf32> to vector<64xf32>
        %broadcast_in_dim3A_294 = vector.shape_cast %reduce_min3A_293 : vector<64xf32> to vector<64x1xf32>
        %eq3A_295 = vector.broadcast %broadcast_in_dim3A_294 : vector<64x1xf32> to vector<64x1024xf32>
        %eq3A_296 = arith.cmpf oeq, %convert_element_type3A, %eq3A_295 : vector<64x1024xf32>
        %gt3A = vector.broadcast %add3A_267 : i32 to vector<64x1xi32>
        %gt3A_297 = arith.cmpi sgt, %get3A_61, %gt3A : vector<64x1xi32>
        %and3A_298 = vector.broadcast %gt3A_297 : vector<64x1xi1> to vector<64x1024xi1>
        %and3A_299 = arith.andi %eq3A_296, %and3A_298 : vector<64x1024xi1>
        %jit3A_300 = arith.constant 0xFF800000 : f32
        %broadcast_in_dim3A_301 = vector.broadcast %jit3A_300 : f32 to vector<64x1024xf32>
        %select_n3A_302 = arith.select %and3A_299, %broadcast_in_dim3A_301, %get3A_270 : vector<64x1024xi1>, vector<64x1024xf32>
        %swap3A_303 = arith.constant 0 : index
        %swap3A_304 = arith.constant 0 : index
        %swap3A_305 = vector.load %arg14[%swap3A_303, %swap3A_304] : memref<64x1024xf32, #tpu.memory_space<vmem>>, vector<64x1024xf32>
        tpu.vector_store %arg14[%swap3A_303, %swap3A_304], %select_n3A_302 {strides = array<i32>} : memref<64x1024xf32, #tpu.memory_space<vmem>>, vector<64x1024xf32>,
        %eq3A_306 = vector.broadcast %add3A_247 : i32 to vector<64x128xi32>
        %eq3A_307 = arith.cmpi eq, %iota3A_58, %eq3A_306 : vector<64x128xi32>
        %broadcast_in_dim3A_308 = vector.shape_cast %broadcast_in_dim3A_294 : vector<64x1xf32> to vector<64x1xf32>
        %broadcast_in_dim3A_309 = vector.broadcast %broadcast_in_dim3A_308 : vector<64x1xf32> to vector<64x128xf32>
        %select_n3A_310 = arith.select %eq3A_307, %broadcast_in_dim3A_309, %while3A_243 : vector<64x128xi1>, vector<64x128xf32>
        %mul3A_311 = arith.constant 8 : i32
        %mul3A_312 = arith.muli %mul3A_311, %while3A_242 : i32
        %add3A_313 = arith.constant 1 : i32
        %add3A_314 = arith.addi %mul3A_312, %add3A_313 : i32
        %sub3A_315 = arith.constant 128 : i32
        %sub3A_316 = arith.subi %sub3A_315, %add3A_314 : i32
        %jit3A_317 = arith.constant 128 : i32
        %eq3A_318 = arith.constant 0 : i32
        %eq3A_319 = arith.cmpi eq, %jit3A_317, %eq3A_318 : i32
        %jit3A_320 = arith.constant 1 : i32
        %select_n3A_321 = arith.select %eq3A_319, %jit3A_320, %jit3A_317 : i32
        %rem3A_322 = arith.remsi %sub3A_316, %select_n3A_321 : i32
        %ne3A_323 = arith.constant 0 : i32
        %ne3A_324 = arith.cmpi ne, %rem3A_322, %ne3A_323 : i32
        %lt3A_325 = arith.constant 0 : i32
        %lt3A_326 = arith.cmpi slt, %rem3A_322, %lt3A_325 : i32
        %lt3A_327 = arith.constant 0 : i32
        %lt3A_328 = arith.cmpi slt, %select_n3A_321, %lt3A_327 : i32
        %ne3A_329 = arith.xori %lt3A_326, %lt3A_328 : i1
        %and3A_330 = arith.andi %ne3A_329, %ne3A_324 : i1
        %add3A_331 = arith.addi %rem3A_322, %select_n3A_321 : i32
        %select_n3A_332 = arith.select %and3A_330, %add3A_331, %rem3A_322 : i32
        %roll3A_333 = tpu.dynamic_rotate %get3A_193 by %select_n3A_332 dim 1 : vector<64x128xf32>, i32 -> vector<64x128xf32>
        %slice3A_334 = vector.extract_strided_slice %roll3A_333 {offsets = [0, 0], sizes = [64, 1], strides = [1, 1]} : vector<64x128xf32> to vector<64x1xf32>
        %roll3A_335 = tpu.dynamic_rotate %get3A_196 by %select_n3A_332 dim 1 : vector<64x128xf32>, i32 -> vector<64x128xf32>
        %slice3A_336 = vector.extract_strided_slice %roll3A_335 {offsets = [0, 0], sizes = [64, 1], strides = [1, 1]} : vector<64x128xf32> to vector<64x1xf32>
        %add3A_337 = arith.addi %multiple_of3A, %add3A_314 : i32
        %get3A_338 = arith.constant 0 : index
        %get3A_339 = arith.constant 0 : index
        %get3A_340 = vector.load %arg14[%get3A_338, %get3A_339] : memref<64x1024xf32, #tpu.memory_space<vmem>>, vector<64x1024xf32>
        %get3A_341 = arith.constant 0 : index
        %get3A_342 = arith.constant 0 : index
        %get3A_343 = vector.load %arg11[%get3A_341, %get3A_342] : memref<64x1024xf32, #tpu.memory_space<vmem>>, vector<64x1024xf32>
        %sub3A_344 = vector.broadcast %slice3A_334 : vector<64x1xf32> to vector<64x1024xf32>
        %sub3A_345 = arith.subf %get3A_343, %sub3A_344 : vector<64x1024xf32>
        %abs3A_346 = math.absf %sub3A_345 : vector<64x1024xf32>
        %get3A_347 = arith.constant 0 : index
        %get3A_348 = arith.constant 0 : index
        %get3A_349 = vector.load %arg12[%get3A_347, %get3A_348] : memref<64x1024xf32, #tpu.memory_space<vmem>>, vector<64x1024xf32>
        %sub3A_350 = vector.broadcast %slice3A_336 : vector<64x1xf32> to vector<64x1024xf32>
        %sub3A_351 = arith.subf %get3A_349, %sub3A_350 : vector<64x1024xf32>
        %abs3A_352 = math.absf %sub3A_351 : vector<64x1024xf32>
        %add3A_353 = arith.addf %abs3A_346, %abs3A_352 : vector<64x1024xf32>
        %sub3A_354 = arith.subf %add3A_353, %get3A_340 : vector<64x1024xf32>
        %reduce_min3A_355 = arith.constant dense<0x7F800000> : vector<64xf32>
        %reduce_min3A_356 = vector.multi_reduction <minimumf>, %sub3A_354, %reduce_min3A_355 [1] : vector<64x1024xf32> to vector<64xf32>
        %broadcast_in_dim3A_357 = vector.shape_cast %reduce_min3A_356 : vector<64xf32> to vector<64x1xf32>
        %eq3A_358 = vector.broadcast %broadcast_in_dim3A_357 : vector<64x1xf32> to vector<64x1024xf32>
        %eq3A_359 = arith.cmpf oeq, %sub3A_354, %eq3A_358 : vector<64x1024xf32>
        %jit3A_360 = arith.constant 1.024000e+03 : f32
        %broadcast_in_dim3A_361 = vector.broadcast %jit3A_360 : f32 to vector<64x1024xf32>
        %select_n3A_362 = arith.select %eq3A_359, %convert_element_type3A, %broadcast_in_dim3A_361 : vector<64x1024xi1>, vector<64x1024xf32>
        %reduce_min3A_363 = arith.constant dense<0x7F800000> : vector<64xf32>
        %reduce_min3A_364 = vector.multi_reduction <minimumf>, %select_n3A_362, %reduce_min3A_363 [1] : vector<64x1024xf32> to vector<64xf32>
        %broadcast_in_dim3A_365 = vector.shape_cast %reduce_min3A_364 : vector<64xf32> to vector<64x1xf32>
        %eq3A_366 = vector.broadcast %broadcast_in_dim3A_365 : vector<64x1xf32> to vector<64x1024xf32>
        %eq3A_367 = arith.cmpf oeq, %convert_element_type3A, %eq3A_366 : vector<64x1024xf32>
        %gt3A_368 = vector.broadcast %add3A_337 : i32 to vector<64x1xi32>
        %gt3A_369 = arith.cmpi sgt, %get3A_61, %gt3A_368 : vector<64x1xi32>
        %and3A_370 = vector.broadcast %gt3A_369 : vector<64x1xi1> to vector<64x1024xi1>
        %and3A_371 = arith.andi %eq3A_367, %and3A_370 : vector<64x1024xi1>
        %jit3A_372 = arith.constant 0xFF800000 : f32
        %broadcast_in_dim3A_373 = vector.broadcast %jit3A_372 : f32 to vector<64x1024xf32>
        %select_n3A_374 = arith.select %and3A_371, %broadcast_in_dim3A_373, %get3A_340 : vector<64x1024xi1>, vector<64x1024xf32>
        %swap3A_375 = arith.constant 0 : index
        %swap3A_376 = arith.constant 0 : index
        %swap3A_377 = vector.load %arg14[%swap3A_375, %swap3A_376] : memref<64x1024xf32, #tpu.memory_space<vmem>>, vector<64x1024xf32>
        tpu.vector_store %arg14[%swap3A_375, %swap3A_376], %select_n3A_374 {strides = array<i32>} : memref<64x1024xf32, #tpu.memory_space<vmem>>, vector<64x1024xf32>,
        %eq3A_378 = vector.broadcast %add3A_314 : i32 to vector<64x128xi32>
        %eq3A_379 = arith.cmpi eq, %iota3A_58, %eq3A_378 : vector<64x128xi32>
        %broadcast_in_dim3A_380 = vector.shape_cast %broadcast_in_dim3A_365 : vector<64x1xf32> to vector<64x1xf32>
        %broadcast_in_dim3A_381 = vector.broadcast %broadcast_in_dim3A_380 : vector<64x1xf32> to vector<64x128xf32>
        %select_n3A_382 = arith.select %eq3A_379, %broadcast_in_dim3A_381, %select_n3A_310 : vector<64x128xi1>, vector<64x128xf32>
        %mul3A_383 = arith.constant 8 : i32
        %mul3A_384 = arith.muli %mul3A_383, %while3A_242 : i32
        %add3A_385 = arith.constant 2 : i32
        %add3A_386 = arith.addi %mul3A_384, %add3A_385 : i32
        %sub3A_387 = arith.constant 128 : i32
        %sub3A_388 = arith.subi %sub3A_387, %add3A_386 : i32
        %jit3A_389 = arith.constant 128 : i32
        %eq3A_390 = arith.constant 0 : i32
        %eq3A_391 = arith.cmpi eq, %jit3A_389, %eq3A_390 : i32
        %jit3A_392 = arith.constant 1 : i32
        %select_n3A_393 = arith.select %eq3A_391, %jit3A_392, %jit3A_389 : i32
        %rem3A_394 = arith.remsi %sub3A_388, %select_n3A_393 : i32
        %ne3A_395 = arith.constant 0 : i32
        %ne3A_396 = arith.cmpi ne, %rem3A_394, %ne3A_395 : i32
        %lt3A_397 = arith.constant 0 : i32
        %lt3A_398 = arith.cmpi slt, %rem3A_394, %lt3A_397 : i32
        %lt3A_399 = arith.constant 0 : i32
        %lt3A_400 = arith.cmpi slt, %select_n3A_393, %lt3A_399 : i32
        %ne3A_401 = arith.xori %lt3A_398, %lt3A_400 : i1
        %and3A_402 = arith.andi %ne3A_401, %ne3A_396 : i1
        %add3A_403 = arith.addi %rem3A_394, %select_n3A_393 : i32
        %select_n3A_404 = arith.select %and3A_402, %add3A_403, %rem3A_394 : i32
        %roll3A_405 = tpu.dynamic_rotate %get3A_193 by %select_n3A_404 dim 1 : vector<64x128xf32>, i32 -> vector<64x128xf32>
        %slice3A_406 = vector.extract_strided_slice %roll3A_405 {offsets = [0, 0], sizes = [64, 1], strides = [1, 1]} : vector<64x128xf32> to vector<64x1xf32>
        %roll3A_407 = tpu.dynamic_rotate %get3A_196 by %select_n3A_404 dim 1 : vector<64x128xf32>, i32 -> vector<64x128xf32>
        %slice3A_408 = vector.extract_strided_slice %roll3A_407 {offsets = [0, 0], sizes = [64, 1], strides = [1, 1]} : vector<64x128xf32> to vector<64x1xf32>
        %add3A_409 = arith.addi %multiple_of3A, %add3A_386 : i32
        %get3A_410 = arith.constant 0 : index
        %get3A_411 = arith.constant 0 : index
        %get3A_412 = vector.load %arg14[%get3A_410, %get3A_411] : memref<64x1024xf32, #tpu.memory_space<vmem>>, vector<64x1024xf32>
        %get3A_413 = arith.constant 0 : index
        %get3A_414 = arith.constant 0 : index
        %get3A_415 = vector.load %arg11[%get3A_413, %get3A_414] : memref<64x1024xf32, #tpu.memory_space<vmem>>, vector<64x1024xf32>
        %sub3A_416 = vector.broadcast %slice3A_406 : vector<64x1xf32> to vector<64x1024xf32>
        %sub3A_417 = arith.subf %get3A_415, %sub3A_416 : vector<64x1024xf32>
        %abs3A_418 = math.absf %sub3A_417 : vector<64x1024xf32>
        %get3A_419 = arith.constant 0 : index
        %get3A_420 = arith.constant 0 : index
        %get3A_421 = vector.load %arg12[%get3A_419, %get3A_420] : memref<64x1024xf32, #tpu.memory_space<vmem>>, vector<64x1024xf32>
        %sub3A_422 = vector.broadcast %slice3A_408 : vector<64x1xf32> to vector<64x1024xf32>
        %sub3A_423 = arith.subf %get3A_421, %sub3A_422 : vector<64x1024xf32>
        %abs3A_424 = math.absf %sub3A_423 : vector<64x1024xf32>
        %add3A_425 = arith.addf %abs3A_418, %abs3A_424 : vector<64x1024xf32>
        %sub3A_426 = arith.subf %add3A_425, %get3A_412 : vector<64x1024xf32>
        %reduce_min3A_427 = arith.constant dense<0x7F800000> : vector<64xf32>
        %reduce_min3A_428 = vector.multi_reduction <minimumf>, %sub3A_426, %reduce_min3A_427 [1] : vector<64x1024xf32> to vector<64xf32>
        %broadcast_in_dim3A_429 = vector.shape_cast %reduce_min3A_428 : vector<64xf32> to vector<64x1xf32>
        %eq3A_430 = vector.broadcast %broadcast_in_dim3A_429 : vector<64x1xf32> to vector<64x1024xf32>
        %eq3A_431 = arith.cmpf oeq, %sub3A_426, %eq3A_430 : vector<64x1024xf32>
        %jit3A_432 = arith.constant 1.024000e+03 : f32
        %broadcast_in_dim3A_433 = vector.broadcast %jit3A_432 : f32 to vector<64x1024xf32>
        %select_n3A_434 = arith.select %eq3A_431, %convert_element_type3A, %broadcast_in_dim3A_433 : vector<64x1024xi1>, vector<64x1024xf32>
        %reduce_min3A_435 = arith.constant dense<0x7F800000> : vector<64xf32>
        %reduce_min3A_436 = vector.multi_reduction <minimumf>, %select_n3A_434, %reduce_min3A_435 [1] : vector<64x1024xf32> to vector<64xf32>
        %broadcast_in_dim3A_437 = vector.shape_cast %reduce_min3A_436 : vector<64xf32> to vector<64x1xf32>
        %eq3A_438 = vector.broadcast %broadcast_in_dim3A_437 : vector<64x1xf32> to vector<64x1024xf32>
        %eq3A_439 = arith.cmpf oeq, %convert_element_type3A, %eq3A_438 : vector<64x1024xf32>
        %gt3A_440 = vector.broadcast %add3A_409 : i32 to vector<64x1xi32>
        %gt3A_441 = arith.cmpi sgt, %get3A_61, %gt3A_440 : vector<64x1xi32>
        %and3A_442 = vector.broadcast %gt3A_441 : vector<64x1xi1> to vector<64x1024xi1>
        %and3A_443 = arith.andi %eq3A_439, %and3A_442 : vector<64x1024xi1>
        %jit3A_444 = arith.constant 0xFF800000 : f32
        %broadcast_in_dim3A_445 = vector.broadcast %jit3A_444 : f32 to vector<64x1024xf32>
        %select_n3A_446 = arith.select %and3A_443, %broadcast_in_dim3A_445, %get3A_412 : vector<64x1024xi1>, vector<64x1024xf32>
        %swap3A_447 = arith.constant 0 : index
        %swap3A_448 = arith.constant 0 : index
        %swap3A_449 = vector.load %arg14[%swap3A_447, %swap3A_448] : memref<64x1024xf32, #tpu.memory_space<vmem>>, vector<64x1024xf32>
        tpu.vector_store %arg14[%swap3A_447, %swap3A_448], %select_n3A_446 {strides = array<i32>} : memref<64x1024xf32, #tpu.memory_space<vmem>>, vector<64x1024xf32>,
        %eq3A_450 = vector.broadcast %add3A_386 : i32 to vector<64x128xi32>
        %eq3A_451 = arith.cmpi eq, %iota3A_58, %eq3A_450 : vector<64x128xi32>
        %broadcast_in_dim3A_452 = vector.shape_cast %broadcast_in_dim3A_437 : vector<64x1xf32> to vector<64x1xf32>
        %broadcast_in_dim3A_453 = vector.broadcast %broadcast_in_dim3A_452 : vector<64x1xf32> to vector<64x128xf32>
        %select_n3A_454 = arith.select %eq3A_451, %broadcast_in_dim3A_453, %select_n3A_382 : vector<64x128xi1>, vector<64x128xf32>
        %mul3A_455 = arith.constant 8 : i32
        %mul3A_456 = arith.muli %mul3A_455, %while3A_242 : i32
        %add3A_457 = arith.constant 3 : i32
        %add3A_458 = arith.addi %mul3A_456, %add3A_457 : i32
        %sub3A_459 = arith.constant 128 : i32
        %sub3A_460 = arith.subi %sub3A_459, %add3A_458 : i32
        %jit3A_461 = arith.constant 128 : i32
        %eq3A_462 = arith.constant 0 : i32
        %eq3A_463 = arith.cmpi eq, %jit3A_461, %eq3A_462 : i32
        %jit3A_464 = arith.constant 1 : i32
        %select_n3A_465 = arith.select %eq3A_463, %jit3A_464, %jit3A_461 : i32
        %rem3A_466 = arith.remsi %sub3A_460, %select_n3A_465 : i32
        %ne3A_467 = arith.constant 0 : i32
        %ne3A_468 = arith.cmpi ne, %rem3A_466, %ne3A_467 : i32
        %lt3A_469 = arith.constant 0 : i32
        %lt3A_470 = arith.cmpi slt, %rem3A_466, %lt3A_469 : i32
        %lt3A_471 = arith.constant 0 : i32
        %lt3A_472 = arith.cmpi slt, %select_n3A_465, %lt3A_471 : i32
        %ne3A_473 = arith.xori %lt3A_470, %lt3A_472 : i1
        %and3A_474 = arith.andi %ne3A_473, %ne3A_468 : i1
        %add3A_475 = arith.addi %rem3A_466, %select_n3A_465 : i32
        %select_n3A_476 = arith.select %and3A_474, %add3A_475, %rem3A_466 : i32
        %roll3A_477 = tpu.dynamic_rotate %get3A_193 by %select_n3A_476 dim 1 : vector<64x128xf32>, i32 -> vector<64x128xf32>
        %slice3A_478 = vector.extract_strided_slice %roll3A_477 {offsets = [0, 0], sizes = [64, 1], strides = [1, 1]} : vector<64x128xf32> to vector<64x1xf32>
        %roll3A_479 = tpu.dynamic_rotate %get3A_196 by %select_n3A_476 dim 1 : vector<64x128xf32>, i32 -> vector<64x128xf32>
        %slice3A_480 = vector.extract_strided_slice %roll3A_479 {offsets = [0, 0], sizes = [64, 1], strides = [1, 1]} : vector<64x128xf32> to vector<64x1xf32>
        %add3A_481 = arith.addi %multiple_of3A, %add3A_458 : i32
        %get3A_482 = arith.constant 0 : index
        %get3A_483 = arith.constant 0 : index
        %get3A_484 = vector.load %arg14[%get3A_482, %get3A_483] : memref<64x1024xf32, #tpu.memory_space<vmem>>, vector<64x1024xf32>
        %get3A_485 = arith.constant 0 : index
        %get3A_486 = arith.constant 0 : index
        %get3A_487 = vector.load %arg11[%get3A_485, %get3A_486] : memref<64x1024xf32, #tpu.memory_space<vmem>>, vector<64x1024xf32>
        %sub3A_488 = vector.broadcast %slice3A_478 : vector<64x1xf32> to vector<64x1024xf32>
        %sub3A_489 = arith.subf %get3A_487, %sub3A_488 : vector<64x1024xf32>
        %abs3A_490 = math.absf %sub3A_489 : vector<64x1024xf32>
        %get3A_491 = arith.constant 0 : index
        %get3A_492 = arith.constant 0 : index
        %get3A_493 = vector.load %arg12[%get3A_491, %get3A_492] : memref<64x1024xf32, #tpu.memory_space<vmem>>, vector<64x1024xf32>
        %sub3A_494 = vector.broadcast %slice3A_480 : vector<64x1xf32> to vector<64x1024xf32>
        %sub3A_495 = arith.subf %get3A_493, %sub3A_494 : vector<64x1024xf32>
        %abs3A_496 = math.absf %sub3A_495 : vector<64x1024xf32>
        %add3A_497 = arith.addf %abs3A_490, %abs3A_496 : vector<64x1024xf32>
        %sub3A_498 = arith.subf %add3A_497, %get3A_484 : vector<64x1024xf32>
        %reduce_min3A_499 = arith.constant dense<0x7F800000> : vector<64xf32>
        %reduce_min3A_500 = vector.multi_reduction <minimumf>, %sub3A_498, %reduce_min3A_499 [1] : vector<64x1024xf32> to vector<64xf32>
        %broadcast_in_dim3A_501 = vector.shape_cast %reduce_min3A_500 : vector<64xf32> to vector<64x1xf32>
        %eq3A_502 = vector.broadcast %broadcast_in_dim3A_501 : vector<64x1xf32> to vector<64x1024xf32>
        %eq3A_503 = arith.cmpf oeq, %sub3A_498, %eq3A_502 : vector<64x1024xf32>
        %jit3A_504 = arith.constant 1.024000e+03 : f32
        %broadcast_in_dim3A_505 = vector.broadcast %jit3A_504 : f32 to vector<64x1024xf32>
        %select_n3A_506 = arith.select %eq3A_503, %convert_element_type3A, %broadcast_in_dim3A_505 : vector<64x1024xi1>, vector<64x1024xf32>
        %reduce_min3A_507 = arith.constant dense<0x7F800000> : vector<64xf32>
        %reduce_min3A_508 = vector.multi_reduction <minimumf>, %select_n3A_506, %reduce_min3A_507 [1] : vector<64x1024xf32> to vector<64xf32>
        %broadcast_in_dim3A_509 = vector.shape_cast %reduce_min3A_508 : vector<64xf32> to vector<64x1xf32>
        %eq3A_510 = vector.broadcast %broadcast_in_dim3A_509 : vector<64x1xf32> to vector<64x1024xf32>
        %eq3A_511 = arith.cmpf oeq, %convert_element_type3A, %eq3A_510 : vector<64x1024xf32>
        %gt3A_512 = vector.broadcast %add3A_481 : i32 to vector<64x1xi32>
        %gt3A_513 = arith.cmpi sgt, %get3A_61, %gt3A_512 : vector<64x1xi32>
        %and3A_514 = vector.broadcast %gt3A_513 : vector<64x1xi1> to vector<64x1024xi1>
        %and3A_515 = arith.andi %eq3A_511, %and3A_514 : vector<64x1024xi1>
        %jit3A_516 = arith.constant 0xFF800000 : f32
        %broadcast_in_dim3A_517 = vector.broadcast %jit3A_516 : f32 to vector<64x1024xf32>
        %select_n3A_518 = arith.select %and3A_515, %broadcast_in_dim3A_517, %get3A_484 : vector<64x1024xi1>, vector<64x1024xf32>
        %swap3A_519 = arith.constant 0 : index
        %swap3A_520 = arith.constant 0 : index
        %swap3A_521 = vector.load %arg14[%swap3A_519, %swap3A_520] : memref<64x1024xf32, #tpu.memory_space<vmem>>, vector<64x1024xf32>
        tpu.vector_store %arg14[%swap3A_519, %swap3A_520], %select_n3A_518 {strides = array<i32>} : memref<64x1024xf32, #tpu.memory_space<vmem>>, vector<64x1024xf32>,
        %eq3A_522 = vector.broadcast %add3A_458 : i32 to vector<64x128xi32>
        %eq3A_523 = arith.cmpi eq, %iota3A_58, %eq3A_522 : vector<64x128xi32>
        %broadcast_in_dim3A_524 = vector.shape_cast %broadcast_in_dim3A_509 : vector<64x1xf32> to vector<64x1xf32>
        %broadcast_in_dim3A_525 = vector.broadcast %broadcast_in_dim3A_524 : vector<64x1xf32> to vector<64x128xf32>
        %select_n3A_526 = arith.select %eq3A_523, %broadcast_in_dim3A_525, %select_n3A_454 : vector<64x128xi1>, vector<64x128xf32>
        %mul3A_527 = arith.constant 8 : i32
        %mul3A_528 = arith.muli %mul3A_527, %while3A_242 : i32
        %add3A_529 = arith.constant 4 : i32
        %add3A_530 = arith.addi %mul3A_528, %add3A_529 : i32
        %sub3A_531 = arith.constant 128 : i32
        %sub3A_532 = arith.subi %sub3A_531, %add3A_530 : i32
        %jit3A_533 = arith.constant 128 : i32
        %eq3A_534 = arith.constant 0 : i32
        %eq3A_535 = arith.cmpi eq, %jit3A_533, %eq3A_534 : i32
        %jit3A_536 = arith.constant 1 : i32
        %select_n3A_537 = arith.select %eq3A_535, %jit3A_536, %jit3A_533 : i32
        %rem3A_538 = arith.remsi %sub3A_532, %select_n3A_537 : i32
        %ne3A_539 = arith.constant 0 : i32
        %ne3A_540 = arith.cmpi ne, %rem3A_538, %ne3A_539 : i32
        %lt3A_541 = arith.constant 0 : i32
        %lt3A_542 = arith.cmpi slt, %rem3A_538, %lt3A_541 : i32
        %lt3A_543 = arith.constant 0 : i32
        %lt3A_544 = arith.cmpi slt, %select_n3A_537, %lt3A_543 : i32
        %ne3A_545 = arith.xori %lt3A_542, %lt3A_544 : i1
        %and3A_546 = arith.andi %ne3A_545, %ne3A_540 : i1
        %add3A_547 = arith.addi %rem3A_538, %select_n3A_537 : i32
        %select_n3A_548 = arith.select %and3A_546, %add3A_547, %rem3A_538 : i32
        %roll3A_549 = tpu.dynamic_rotate %get3A_193 by %select_n3A_548 dim 1 : vector<64x128xf32>, i32 -> vector<64x128xf32>
        %slice3A_550 = vector.extract_strided_slice %roll3A_549 {offsets = [0, 0], sizes = [64, 1], strides = [1, 1]} : vector<64x128xf32> to vector<64x1xf32>
        %roll3A_551 = tpu.dynamic_rotate %get3A_196 by %select_n3A_548 dim 1 : vector<64x128xf32>, i32 -> vector<64x128xf32>
        %slice3A_552 = vector.extract_strided_slice %roll3A_551 {offsets = [0, 0], sizes = [64, 1], strides = [1, 1]} : vector<64x128xf32> to vector<64x1xf32>
        %add3A_553 = arith.addi %multiple_of3A, %add3A_530 : i32
        %get3A_554 = arith.constant 0 : index
        %get3A_555 = arith.constant 0 : index
        %get3A_556 = vector.load %arg14[%get3A_554, %get3A_555] : memref<64x1024xf32, #tpu.memory_space<vmem>>, vector<64x1024xf32>
        %get3A_557 = arith.constant 0 : index
        %get3A_558 = arith.constant 0 : index
        %get3A_559 = vector.load %arg11[%get3A_557, %get3A_558] : memref<64x1024xf32, #tpu.memory_space<vmem>>, vector<64x1024xf32>
        %sub3A_560 = vector.broadcast %slice3A_550 : vector<64x1xf32> to vector<64x1024xf32>
        %sub3A_561 = arith.subf %get3A_559, %sub3A_560 : vector<64x1024xf32>
        %abs3A_562 = math.absf %sub3A_561 : vector<64x1024xf32>
        %get3A_563 = arith.constant 0 : index
        %get3A_564 = arith.constant 0 : index
        %get3A_565 = vector.load %arg12[%get3A_563, %get3A_564] : memref<64x1024xf32, #tpu.memory_space<vmem>>, vector<64x1024xf32>
        %sub3A_566 = vector.broadcast %slice3A_552 : vector<64x1xf32> to vector<64x1024xf32>
        %sub3A_567 = arith.subf %get3A_565, %sub3A_566 : vector<64x1024xf32>
        %abs3A_568 = math.absf %sub3A_567 : vector<64x1024xf32>
        %add3A_569 = arith.addf %abs3A_562, %abs3A_568 : vector<64x1024xf32>
        %sub3A_570 = arith.subf %add3A_569, %get3A_556 : vector<64x1024xf32>
        %reduce_min3A_571 = arith.constant dense<0x7F800000> : vector<64xf32>
        %reduce_min3A_572 = vector.multi_reduction <minimumf>, %sub3A_570, %reduce_min3A_571 [1] : vector<64x1024xf32> to vector<64xf32>
        %broadcast_in_dim3A_573 = vector.shape_cast %reduce_min3A_572 : vector<64xf32> to vector<64x1xf32>
        %eq3A_574 = vector.broadcast %broadcast_in_dim3A_573 : vector<64x1xf32> to vector<64x1024xf32>
        %eq3A_575 = arith.cmpf oeq, %sub3A_570, %eq3A_574 : vector<64x1024xf32>
        %jit3A_576 = arith.constant 1.024000e+03 : f32
        %broadcast_in_dim3A_577 = vector.broadcast %jit3A_576 : f32 to vector<64x1024xf32>
        %select_n3A_578 = arith.select %eq3A_575, %convert_element_type3A, %broadcast_in_dim3A_577 : vector<64x1024xi1>, vector<64x1024xf32>
        %reduce_min3A_579 = arith.constant dense<0x7F800000> : vector<64xf32>
        %reduce_min3A_580 = vector.multi_reduction <minimumf>, %select_n3A_578, %reduce_min3A_579 [1] : vector<64x1024xf32> to vector<64xf32>
        %broadcast_in_dim3A_581 = vector.shape_cast %reduce_min3A_580 : vector<64xf32> to vector<64x1xf32>
        %eq3A_582 = vector.broadcast %broadcast_in_dim3A_581 : vector<64x1xf32> to vector<64x1024xf32>
        %eq3A_583 = arith.cmpf oeq, %convert_element_type3A, %eq3A_582 : vector<64x1024xf32>
        %gt3A_584 = vector.broadcast %add3A_553 : i32 to vector<64x1xi32>
        %gt3A_585 = arith.cmpi sgt, %get3A_61, %gt3A_584 : vector<64x1xi32>
        %and3A_586 = vector.broadcast %gt3A_585 : vector<64x1xi1> to vector<64x1024xi1>
        %and3A_587 = arith.andi %eq3A_583, %and3A_586 : vector<64x1024xi1>
        %jit3A_588 = arith.constant 0xFF800000 : f32
        %broadcast_in_dim3A_589 = vector.broadcast %jit3A_588 : f32 to vector<64x1024xf32>
        %select_n3A_590 = arith.select %and3A_587, %broadcast_in_dim3A_589, %get3A_556 : vector<64x1024xi1>, vector<64x1024xf32>
        %swap3A_591 = arith.constant 0 : index
        %swap3A_592 = arith.constant 0 : index
        %swap3A_593 = vector.load %arg14[%swap3A_591, %swap3A_592] : memref<64x1024xf32, #tpu.memory_space<vmem>>, vector<64x1024xf32>
        tpu.vector_store %arg14[%swap3A_591, %swap3A_592], %select_n3A_590 {strides = array<i32>} : memref<64x1024xf32, #tpu.memory_space<vmem>>, vector<64x1024xf32>,
        %eq3A_594 = vector.broadcast %add3A_530 : i32 to vector<64x128xi32>
        %eq3A_595 = arith.cmpi eq, %iota3A_58, %eq3A_594 : vector<64x128xi32>
        %broadcast_in_dim3A_596 = vector.shape_cast %broadcast_in_dim3A_581 : vector<64x1xf32> to vector<64x1xf32>
        %broadcast_in_dim3A_597 = vector.broadcast %broadcast_in_dim3A_596 : vector<64x1xf32> to vector<64x128xf32>
        %select_n3A_598 = arith.select %eq3A_595, %broadcast_in_dim3A_597, %select_n3A_526 : vector<64x128xi1>, vector<64x128xf32>
        %mul3A_599 = arith.constant 8 : i32
        %mul3A_600 = arith.muli %mul3A_599, %while3A_242 : i32
        %add3A_601 = arith.constant 5 : i32
        %add3A_602 = arith.addi %mul3A_600, %add3A_601 : i32
        %sub3A_603 = arith.constant 128 : i32
        %sub3A_604 = arith.subi %sub3A_603, %add3A_602 : i32
        %jit3A_605 = arith.constant 128 : i32
        %eq3A_606 = arith.constant 0 : i32
        %eq3A_607 = arith.cmpi eq, %jit3A_605, %eq3A_606 : i32
        %jit3A_608 = arith.constant 1 : i32
        %select_n3A_609 = arith.select %eq3A_607, %jit3A_608, %jit3A_605 : i32
        %rem3A_610 = arith.remsi %sub3A_604, %select_n3A_609 : i32
        %ne3A_611 = arith.constant 0 : i32
        %ne3A_612 = arith.cmpi ne, %rem3A_610, %ne3A_611 : i32
        %lt3A_613 = arith.constant 0 : i32
        %lt3A_614 = arith.cmpi slt, %rem3A_610, %lt3A_613 : i32
        %lt3A_615 = arith.constant 0 : i32
        %lt3A_616 = arith.cmpi slt, %select_n3A_609, %lt3A_615 : i32
        %ne3A_617 = arith.xori %lt3A_614, %lt3A_616 : i1
        %and3A_618 = arith.andi %ne3A_617, %ne3A_612 : i1
        %add3A_619 = arith.addi %rem3A_610, %select_n3A_609 : i32
        %select_n3A_620 = arith.select %and3A_618, %add3A_619, %rem3A_610 : i32
        %roll3A_621 = tpu.dynamic_rotate %get3A_193 by %select_n3A_620 dim 1 : vector<64x128xf32>, i32 -> vector<64x128xf32>
        %slice3A_622 = vector.extract_strided_slice %roll3A_621 {offsets = [0, 0], sizes = [64, 1], strides = [1, 1]} : vector<64x128xf32> to vector<64x1xf32>
        %roll3A_623 = tpu.dynamic_rotate %get3A_196 by %select_n3A_620 dim 1 : vector<64x128xf32>, i32 -> vector<64x128xf32>
        %slice3A_624 = vector.extract_strided_slice %roll3A_623 {offsets = [0, 0], sizes = [64, 1], strides = [1, 1]} : vector<64x128xf32> to vector<64x1xf32>
        %add3A_625 = arith.addi %multiple_of3A, %add3A_602 : i32
        %get3A_626 = arith.constant 0 : index
        %get3A_627 = arith.constant 0 : index
        %get3A_628 = vector.load %arg14[%get3A_626, %get3A_627] : memref<64x1024xf32, #tpu.memory_space<vmem>>, vector<64x1024xf32>
        %get3A_629 = arith.constant 0 : index
        %get3A_630 = arith.constant 0 : index
        %get3A_631 = vector.load %arg11[%get3A_629, %get3A_630] : memref<64x1024xf32, #tpu.memory_space<vmem>>, vector<64x1024xf32>
        %sub3A_632 = vector.broadcast %slice3A_622 : vector<64x1xf32> to vector<64x1024xf32>
        %sub3A_633 = arith.subf %get3A_631, %sub3A_632 : vector<64x1024xf32>
        %abs3A_634 = math.absf %sub3A_633 : vector<64x1024xf32>
        %get3A_635 = arith.constant 0 : index
        %get3A_636 = arith.constant 0 : index
        %get3A_637 = vector.load %arg12[%get3A_635, %get3A_636] : memref<64x1024xf32, #tpu.memory_space<vmem>>, vector<64x1024xf32>
        %sub3A_638 = vector.broadcast %slice3A_624 : vector<64x1xf32> to vector<64x1024xf32>
        %sub3A_639 = arith.subf %get3A_637, %sub3A_638 : vector<64x1024xf32>
        %abs3A_640 = math.absf %sub3A_639 : vector<64x1024xf32>
        %add3A_641 = arith.addf %abs3A_634, %abs3A_640 : vector<64x1024xf32>
        %sub3A_642 = arith.subf %add3A_641, %get3A_628 : vector<64x1024xf32>
        %reduce_min3A_643 = arith.constant dense<0x7F800000> : vector<64xf32>
        %reduce_min3A_644 = vector.multi_reduction <minimumf>, %sub3A_642, %reduce_min3A_643 [1] : vector<64x1024xf32> to vector<64xf32>
        %broadcast_in_dim3A_645 = vector.shape_cast %reduce_min3A_644 : vector<64xf32> to vector<64x1xf32>
        %eq3A_646 = vector.broadcast %broadcast_in_dim3A_645 : vector<64x1xf32> to vector<64x1024xf32>
        %eq3A_647 = arith.cmpf oeq, %sub3A_642, %eq3A_646 : vector<64x1024xf32>
        %jit3A_648 = arith.constant 1.024000e+03 : f32
        %broadcast_in_dim3A_649 = vector.broadcast %jit3A_648 : f32 to vector<64x1024xf32>
        %select_n3A_650 = arith.select %eq3A_647, %convert_element_type3A, %broadcast_in_dim3A_649 : vector<64x1024xi1>, vector<64x1024xf32>
        %reduce_min3A_651 = arith.constant dense<0x7F800000> : vector<64xf32>
        %reduce_min3A_652 = vector.multi_reduction <minimumf>, %select_n3A_650, %reduce_min3A_651 [1] : vector<64x1024xf32> to vector<64xf32>
        %broadcast_in_dim3A_653 = vector.shape_cast %reduce_min3A_652 : vector<64xf32> to vector<64x1xf32>
        %eq3A_654 = vector.broadcast %broadcast_in_dim3A_653 : vector<64x1xf32> to vector<64x1024xf32>
        %eq3A_655 = arith.cmpf oeq, %convert_element_type3A, %eq3A_654 : vector<64x1024xf32>
        %gt3A_656 = vector.broadcast %add3A_625 : i32 to vector<64x1xi32>
        %gt3A_657 = arith.cmpi sgt, %get3A_61, %gt3A_656 : vector<64x1xi32>
        %and3A_658 = vector.broadcast %gt3A_657 : vector<64x1xi1> to vector<64x1024xi1>
        %and3A_659 = arith.andi %eq3A_655, %and3A_658 : vector<64x1024xi1>
        %jit3A_660 = arith.constant 0xFF800000 : f32
        %broadcast_in_dim3A_661 = vector.broadcast %jit3A_660 : f32 to vector<64x1024xf32>
        %select_n3A_662 = arith.select %and3A_659, %broadcast_in_dim3A_661, %get3A_628 : vector<64x1024xi1>, vector<64x1024xf32>
        %swap3A_663 = arith.constant 0 : index
        %swap3A_664 = arith.constant 0 : index
        %swap3A_665 = vector.load %arg14[%swap3A_663, %swap3A_664] : memref<64x1024xf32, #tpu.memory_space<vmem>>, vector<64x1024xf32>
        tpu.vector_store %arg14[%swap3A_663, %swap3A_664], %select_n3A_662 {strides = array<i32>} : memref<64x1024xf32, #tpu.memory_space<vmem>>, vector<64x1024xf32>,
        %eq3A_666 = vector.broadcast %add3A_602 : i32 to vector<64x128xi32>
        %eq3A_667 = arith.cmpi eq, %iota3A_58, %eq3A_666 : vector<64x128xi32>
        %broadcast_in_dim3A_668 = vector.shape_cast %broadcast_in_dim3A_653 : vector<64x1xf32> to vector<64x1xf32>
        %broadcast_in_dim3A_669 = vector.broadcast %broadcast_in_dim3A_668 : vector<64x1xf32> to vector<64x128xf32>
        %select_n3A_670 = arith.select %eq3A_667, %broadcast_in_dim3A_669, %select_n3A_598 : vector<64x128xi1>, vector<64x128xf32>
        %mul3A_671 = arith.constant 8 : i32
        %mul3A_672 = arith.muli %mul3A_671, %while3A_242 : i32
        %add3A_673 = arith.constant 6 : i32
        %add3A_674 = arith.addi %mul3A_672, %add3A_673 : i32
        %sub3A_675 = arith.constant 128 : i32
        %sub3A_676 = arith.subi %sub3A_675, %add3A_674 : i32
        %jit3A_677 = arith.constant 128 : i32
        %eq3A_678 = arith.constant 0 : i32
        %eq3A_679 = arith.cmpi eq, %jit3A_677, %eq3A_678 : i32
        %jit3A_680 = arith.constant 1 : i32
        %select_n3A_681 = arith.select %eq3A_679, %jit3A_680, %jit3A_677 : i32
        %rem3A_682 = arith.remsi %sub3A_676, %select_n3A_681 : i32
        %ne3A_683 = arith.constant 0 : i32
        %ne3A_684 = arith.cmpi ne, %rem3A_682, %ne3A_683 : i32
        %lt3A_685 = arith.constant 0 : i32
        %lt3A_686 = arith.cmpi slt, %rem3A_682, %lt3A_685 : i32
        %lt3A_687 = arith.constant 0 : i32
        %lt3A_688 = arith.cmpi slt, %select_n3A_681, %lt3A_687 : i32
        %ne3A_689 = arith.xori %lt3A_686, %lt3A_688 : i1
        %and3A_690 = arith.andi %ne3A_689, %ne3A_684 : i1
        %add3A_691 = arith.addi %rem3A_682, %select_n3A_681 : i32
        %select_n3A_692 = arith.select %and3A_690, %add3A_691, %rem3A_682 : i32
        %roll3A_693 = tpu.dynamic_rotate %get3A_193 by %select_n3A_692 dim 1 : vector<64x128xf32>, i32 -> vector<64x128xf32>
        %slice3A_694 = vector.extract_strided_slice %roll3A_693 {offsets = [0, 0], sizes = [64, 1], strides = [1, 1]} : vector<64x128xf32> to vector<64x1xf32>
        %roll3A_695 = tpu.dynamic_rotate %get3A_196 by %select_n3A_692 dim 1 : vector<64x128xf32>, i32 -> vector<64x128xf32>
        %slice3A_696 = vector.extract_strided_slice %roll3A_695 {offsets = [0, 0], sizes = [64, 1], strides = [1, 1]} : vector<64x128xf32> to vector<64x1xf32>
        %add3A_697 = arith.addi %multiple_of3A, %add3A_674 : i32
        %get3A_698 = arith.constant 0 : index
        %get3A_699 = arith.constant 0 : index
        %get3A_700 = vector.load %arg14[%get3A_698, %get3A_699] : memref<64x1024xf32, #tpu.memory_space<vmem>>, vector<64x1024xf32>
        %get3A_701 = arith.constant 0 : index
        %get3A_702 = arith.constant 0 : index
        %get3A_703 = vector.load %arg11[%get3A_701, %get3A_702] : memref<64x1024xf32, #tpu.memory_space<vmem>>, vector<64x1024xf32>
        %sub3A_704 = vector.broadcast %slice3A_694 : vector<64x1xf32> to vector<64x1024xf32>
        %sub3A_705 = arith.subf %get3A_703, %sub3A_704 : vector<64x1024xf32>
        %abs3A_706 = math.absf %sub3A_705 : vector<64x1024xf32>
        %get3A_707 = arith.constant 0 : index
        %get3A_708 = arith.constant 0 : index
        %get3A_709 = vector.load %arg12[%get3A_707, %get3A_708] : memref<64x1024xf32, #tpu.memory_space<vmem>>, vector<64x1024xf32>
        %sub3A_710 = vector.broadcast %slice3A_696 : vector<64x1xf32> to vector<64x1024xf32>
        %sub3A_711 = arith.subf %get3A_709, %sub3A_710 : vector<64x1024xf32>
        %abs3A_712 = math.absf %sub3A_711 : vector<64x1024xf32>
        %add3A_713 = arith.addf %abs3A_706, %abs3A_712 : vector<64x1024xf32>
        %sub3A_714 = arith.subf %add3A_713, %get3A_700 : vector<64x1024xf32>
        %reduce_min3A_715 = arith.constant dense<0x7F800000> : vector<64xf32>
        %reduce_min3A_716 = vector.multi_reduction <minimumf>, %sub3A_714, %reduce_min3A_715 [1] : vector<64x1024xf32> to vector<64xf32>
        %broadcast_in_dim3A_717 = vector.shape_cast %reduce_min3A_716 : vector<64xf32> to vector<64x1xf32>
        %eq3A_718 = vector.broadcast %broadcast_in_dim3A_717 : vector<64x1xf32> to vector<64x1024xf32>
        %eq3A_719 = arith.cmpf oeq, %sub3A_714, %eq3A_718 : vector<64x1024xf32>
        %jit3A_720 = arith.constant 1.024000e+03 : f32
        %broadcast_in_dim3A_721 = vector.broadcast %jit3A_720 : f32 to vector<64x1024xf32>
        %select_n3A_722 = arith.select %eq3A_719, %convert_element_type3A, %broadcast_in_dim3A_721 : vector<64x1024xi1>, vector<64x1024xf32>
        %reduce_min3A_723 = arith.constant dense<0x7F800000> : vector<64xf32>
        %reduce_min3A_724 = vector.multi_reduction <minimumf>, %select_n3A_722, %reduce_min3A_723 [1] : vector<64x1024xf32> to vector<64xf32>
        %broadcast_in_dim3A_725 = vector.shape_cast %reduce_min3A_724 : vector<64xf32> to vector<64x1xf32>
        %eq3A_726 = vector.broadcast %broadcast_in_dim3A_725 : vector<64x1xf32> to vector<64x1024xf32>
        %eq3A_727 = arith.cmpf oeq, %convert_element_type3A, %eq3A_726 : vector<64x1024xf32>
        %gt3A_728 = vector.broadcast %add3A_697 : i32 to vector<64x1xi32>
        %gt3A_729 = arith.cmpi sgt, %get3A_61, %gt3A_728 : vector<64x1xi32>
        %and3A_730 = vector.broadcast %gt3A_729 : vector<64x1xi1> to vector<64x1024xi1>
        %and3A_731 = arith.andi %eq3A_727, %and3A_730 : vector<64x1024xi1>
        %jit3A_732 = arith.constant 0xFF800000 : f32
        %broadcast_in_dim3A_733 = vector.broadcast %jit3A_732 : f32 to vector<64x1024xf32>
        %select_n3A_734 = arith.select %and3A_731, %broadcast_in_dim3A_733, %get3A_700 : vector<64x1024xi1>, vector<64x1024xf32>
        %swap3A_735 = arith.constant 0 : index
        %swap3A_736 = arith.constant 0 : index
        %swap3A_737 = vector.load %arg14[%swap3A_735, %swap3A_736] : memref<64x1024xf32, #tpu.memory_space<vmem>>, vector<64x1024xf32>
        tpu.vector_store %arg14[%swap3A_735, %swap3A_736], %select_n3A_734 {strides = array<i32>} : memref<64x1024xf32, #tpu.memory_space<vmem>>, vector<64x1024xf32>,
        %eq3A_738 = vector.broadcast %add3A_674 : i32 to vector<64x128xi32>
        %eq3A_739 = arith.cmpi eq, %iota3A_58, %eq3A_738 : vector<64x128xi32>
        %broadcast_in_dim3A_740 = vector.shape_cast %broadcast_in_dim3A_725 : vector<64x1xf32> to vector<64x1xf32>
        %broadcast_in_dim3A_741 = vector.broadcast %broadcast_in_dim3A_740 : vector<64x1xf32> to vector<64x128xf32>
        %select_n3A_742 = arith.select %eq3A_739, %broadcast_in_dim3A_741, %select_n3A_670 : vector<64x128xi1>, vector<64x128xf32>
        %mul3A_743 = arith.constant 8 : i32
        %mul3A_744 = arith.muli %mul3A_743, %while3A_242 : i32
        %add3A_745 = arith.constant 7 : i32
        %add3A_746 = arith.addi %mul3A_744, %add3A_745 : i32
        %sub3A_747 = arith.constant 128 : i32
        %sub3A_748 = arith.subi %sub3A_747, %add3A_746 : i32
        %jit3A_749 = arith.constant 128 : i32
        %eq3A_750 = arith.constant 0 : i32
        %eq3A_751 = arith.cmpi eq, %jit3A_749, %eq3A_750 : i32
        %jit3A_752 = arith.constant 1 : i32
        %select_n3A_753 = arith.select %eq3A_751, %jit3A_752, %jit3A_749 : i32
        %rem3A_754 = arith.remsi %sub3A_748, %select_n3A_753 : i32
        %ne3A_755 = arith.constant 0 : i32
        %ne3A_756 = arith.cmpi ne, %rem3A_754, %ne3A_755 : i32
        %lt3A_757 = arith.constant 0 : i32
        %lt3A_758 = arith.cmpi slt, %rem3A_754, %lt3A_757 : i32
        %lt3A_759 = arith.constant 0 : i32
        %lt3A_760 = arith.cmpi slt, %select_n3A_753, %lt3A_759 : i32
        %ne3A_761 = arith.xori %lt3A_758, %lt3A_760 : i1
        %and3A_762 = arith.andi %ne3A_761, %ne3A_756 : i1
        %add3A_763 = arith.addi %rem3A_754, %select_n3A_753 : i32
        %select_n3A_764 = arith.select %and3A_762, %add3A_763, %rem3A_754 : i32
        %roll3A_765 = tpu.dynamic_rotate %get3A_193 by %select_n3A_764 dim 1 : vector<64x128xf32>, i32 -> vector<64x128xf32>
        %slice3A_766 = vector.extract_strided_slice %roll3A_765 {offsets = [0, 0], sizes = [64, 1], strides = [1, 1]} : vector<64x128xf32> to vector<64x1xf32>
        %roll3A_767 = tpu.dynamic_rotate %get3A_196 by %select_n3A_764 dim 1 : vector<64x128xf32>, i32 -> vector<64x128xf32>
        %slice3A_768 = vector.extract_strided_slice %roll3A_767 {offsets = [0, 0], sizes = [64, 1], strides = [1, 1]} : vector<64x128xf32> to vector<64x1xf32>
        %add3A_769 = arith.addi %multiple_of3A, %add3A_746 : i32
        %get3A_770 = arith.constant 0 : index
        %get3A_771 = arith.constant 0 : index
        %get3A_772 = vector.load %arg14[%get3A_770, %get3A_771] : memref<64x1024xf32, #tpu.memory_space<vmem>>, vector<64x1024xf32>
        %get3A_773 = arith.constant 0 : index
        %get3A_774 = arith.constant 0 : index
        %get3A_775 = vector.load %arg11[%get3A_773, %get3A_774] : memref<64x1024xf32, #tpu.memory_space<vmem>>, vector<64x1024xf32>
        %sub3A_776 = vector.broadcast %slice3A_766 : vector<64x1xf32> to vector<64x1024xf32>
        %sub3A_777 = arith.subf %get3A_775, %sub3A_776 : vector<64x1024xf32>
        %abs3A_778 = math.absf %sub3A_777 : vector<64x1024xf32>
        %get3A_779 = arith.constant 0 : index
        %get3A_780 = arith.constant 0 : index
        %get3A_781 = vector.load %arg12[%get3A_779, %get3A_780] : memref<64x1024xf32, #tpu.memory_space<vmem>>, vector<64x1024xf32>
        %sub3A_782 = vector.broadcast %slice3A_768 : vector<64x1xf32> to vector<64x1024xf32>
        %sub3A_783 = arith.subf %get3A_781, %sub3A_782 : vector<64x1024xf32>
        %abs3A_784 = math.absf %sub3A_783 : vector<64x1024xf32>
        %add3A_785 = arith.addf %abs3A_778, %abs3A_784 : vector<64x1024xf32>
        %sub3A_786 = arith.subf %add3A_785, %get3A_772 : vector<64x1024xf32>
        %reduce_min3A_787 = arith.constant dense<0x7F800000> : vector<64xf32>
        %reduce_min3A_788 = vector.multi_reduction <minimumf>, %sub3A_786, %reduce_min3A_787 [1] : vector<64x1024xf32> to vector<64xf32>
        %broadcast_in_dim3A_789 = vector.shape_cast %reduce_min3A_788 : vector<64xf32> to vector<64x1xf32>
        %eq3A_790 = vector.broadcast %broadcast_in_dim3A_789 : vector<64x1xf32> to vector<64x1024xf32>
        %eq3A_791 = arith.cmpf oeq, %sub3A_786, %eq3A_790 : vector<64x1024xf32>
        %jit3A_792 = arith.constant 1.024000e+03 : f32
        %broadcast_in_dim3A_793 = vector.broadcast %jit3A_792 : f32 to vector<64x1024xf32>
        %select_n3A_794 = arith.select %eq3A_791, %convert_element_type3A, %broadcast_in_dim3A_793 : vector<64x1024xi1>, vector<64x1024xf32>
        %reduce_min3A_795 = arith.constant dense<0x7F800000> : vector<64xf32>
        %reduce_min3A_796 = vector.multi_reduction <minimumf>, %select_n3A_794, %reduce_min3A_795 [1] : vector<64x1024xf32> to vector<64xf32>
        %broadcast_in_dim3A_797 = vector.shape_cast %reduce_min3A_796 : vector<64xf32> to vector<64x1xf32>
        %eq3A_798 = vector.broadcast %broadcast_in_dim3A_797 : vector<64x1xf32> to vector<64x1024xf32>
        %eq3A_799 = arith.cmpf oeq, %convert_element_type3A, %eq3A_798 : vector<64x1024xf32>
        %gt3A_800 = vector.broadcast %add3A_769 : i32 to vector<64x1xi32>
        %gt3A_801 = arith.cmpi sgt, %get3A_61, %gt3A_800 : vector<64x1xi32>
        %and3A_802 = vector.broadcast %gt3A_801 : vector<64x1xi1> to vector<64x1024xi1>
        %and3A_803 = arith.andi %eq3A_799, %and3A_802 : vector<64x1024xi1>
        %jit3A_804 = arith.constant 0xFF800000 : f32
        %broadcast_in_dim3A_805 = vector.broadcast %jit3A_804 : f32 to vector<64x1024xf32>
        %select_n3A_806 = arith.select %and3A_803, %broadcast_in_dim3A_805, %get3A_772 : vector<64x1024xi1>, vector<64x1024xf32>
        %swap3A_807 = arith.constant 0 : index
        %swap3A_808 = arith.constant 0 : index
        %swap3A_809 = vector.load %arg14[%swap3A_807, %swap3A_808] : memref<64x1024xf32, #tpu.memory_space<vmem>>, vector<64x1024xf32>
        tpu.vector_store %arg14[%swap3A_807, %swap3A_808], %select_n3A_806 {strides = array<i32>} : memref<64x1024xf32, #tpu.memory_space<vmem>>, vector<64x1024xf32>,
        %eq3A_810 = vector.broadcast %add3A_746 : i32 to vector<64x128xi32>
        %eq3A_811 = arith.cmpi eq, %iota3A_58, %eq3A_810 : vector<64x128xi32>
        %broadcast_in_dim3A_812 = vector.shape_cast %broadcast_in_dim3A_797 : vector<64x1xf32> to vector<64x1xf32>
        %broadcast_in_dim3A_813 = vector.broadcast %broadcast_in_dim3A_812 : vector<64x1xf32> to vector<64x128xf32>
        %select_n3A_814 = arith.select %eq3A_811, %broadcast_in_dim3A_813, %select_n3A_742 : vector<64x128xi1>, vector<64x128xf32>
        scf.yield %select_n3A_814 : vector<64x128xf32>
      }
      %while3A_237 = arith.constant 1 : i32
      %while3A_238 = scf.for %while3A_242 = %while3A_234 to %while3A_230 step %while3A_237 iter_args(%while3A_243 = %while3A_236) -> (vector<64x128xf32>)  : i32 {
        %mul3A_244 = arith.constant 8 : i32
        %mul3A_245 = arith.muli %mul3A_244, %while3A_242 : i32
        %add3A_246 = arith.constant 0 : i32
        %add3A_247 = arith.addi %mul3A_245, %add3A_246 : i32
        %sub3A_248 = arith.constant 128 : i32
        %sub3A_249 = arith.subi %sub3A_248, %add3A_247 : i32
        %jit3A_250 = arith.constant 128 : i32
        %eq3A_251 = arith.constant 0 : i32
        %eq3A_252 = arith.cmpi eq, %jit3A_250, %eq3A_251 : i32
        %jit3A_253 = arith.constant 1 : i32
        %select_n3A_254 = arith.select %eq3A_252, %jit3A_253, %jit3A_250 : i32
        %rem3A_255 = arith.remsi %sub3A_249, %select_n3A_254 : i32
        %ne3A_256 = arith.constant 0 : i32
        %ne3A_257 = arith.cmpi ne, %rem3A_255, %ne3A_256 : i32
        %lt3A = arith.constant 0 : i32
        %lt3A_258 = arith.cmpi slt, %rem3A_255, %lt3A : i32
        %lt3A_259 = arith.constant 0 : i32
        %lt3A_260 = arith.cmpi slt, %select_n3A_254, %lt3A_259 : i32
        %ne3A_261 = arith.xori %lt3A_258, %lt3A_260 : i1
        %and3A_262 = arith.andi %ne3A_261, %ne3A_257 : i1
        %add3A_263 = arith.addi %rem3A_255, %select_n3A_254 : i32
        %select_n3A_264 = arith.select %and3A_262, %add3A_263, %rem3A_255 : i32
        %roll3A = tpu.dynamic_rotate %get3A_193 by %select_n3A_264 dim 1 : vector<64x128xf32>, i32 -> vector<64x128xf32>
        %slice3A = vector.extract_strided_slice %roll3A {offsets = [0, 0], sizes = [64, 1], strides = [1, 1]} : vector<64x128xf32> to vector<64x1xf32>
        %roll3A_265 = tpu.dynamic_rotate %get3A_196 by %select_n3A_264 dim 1 : vector<64x128xf32>, i32 -> vector<64x128xf32>
        %slice3A_266 = vector.extract_strided_slice %roll3A_265 {offsets = [0, 0], sizes = [64, 1], strides = [1, 1]} : vector<64x128xf32> to vector<64x1xf32>
        %add3A_267 = arith.addi %multiple_of3A, %add3A_247 : i32
        %get3A_268 = arith.constant 0 : index
        %get3A_269 = arith.constant 0 : index
        %get3A_270 = vector.load %arg14[%get3A_268, %get3A_269] : memref<64x1024xf32, #tpu.memory_space<vmem>>, vector<64x1024xf32>
        %get3A_271 = arith.constant 0 : index
        %get3A_272 = arith.constant 0 : index
        %get3A_273 = vector.load %arg11[%get3A_271, %get3A_272] : memref<64x1024xf32, #tpu.memory_space<vmem>>, vector<64x1024xf32>
        %sub3A_274 = vector.broadcast %slice3A : vector<64x1xf32> to vector<64x1024xf32>
        %sub3A_275 = arith.subf %get3A_273, %sub3A_274 : vector<64x1024xf32>
        %abs3A_276 = math.absf %sub3A_275 : vector<64x1024xf32>
        %get3A_277 = arith.constant 0 : index
        %get3A_278 = arith.constant 0 : index
        %get3A_279 = vector.load %arg12[%get3A_277, %get3A_278] : memref<64x1024xf32, #tpu.memory_space<vmem>>, vector<64x1024xf32>
        %sub3A_280 = vector.broadcast %slice3A_266 : vector<64x1xf32> to vector<64x1024xf32>
        %sub3A_281 = arith.subf %get3A_279, %sub3A_280 : vector<64x1024xf32>
        %abs3A_282 = math.absf %sub3A_281 : vector<64x1024xf32>
        %add3A_283 = arith.addf %abs3A_276, %abs3A_282 : vector<64x1024xf32>
        %sub3A_284 = arith.subf %add3A_283, %get3A_270 : vector<64x1024xf32>
        %reduce_min3A = arith.constant dense<0x7F800000> : vector<64xf32>
        %reduce_min3A_285 = vector.multi_reduction <minimumf>, %sub3A_284, %reduce_min3A [1] : vector<64x1024xf32> to vector<64xf32>
        %broadcast_in_dim3A_286 = vector.shape_cast %reduce_min3A_285 : vector<64xf32> to vector<64x1xf32>
        %eq3A_287 = vector.broadcast %broadcast_in_dim3A_286 : vector<64x1xf32> to vector<64x1024xf32>
        %eq3A_288 = arith.cmpf oeq, %sub3A_284, %eq3A_287 : vector<64x1024xf32>
        %jit3A_289 = arith.constant 1.024000e+03 : f32
        %broadcast_in_dim3A_290 = vector.broadcast %jit3A_289 : f32 to vector<64x1024xf32>
        %select_n3A_291 = arith.select %eq3A_288, %convert_element_type3A, %broadcast_in_dim3A_290 : vector<64x1024xi1>, vector<64x1024xf32>
        %reduce_min3A_292 = arith.constant dense<0x7F800000> : vector<64xf32>
        %reduce_min3A_293 = vector.multi_reduction <minimumf>, %select_n3A_291, %reduce_min3A_292 [1] : vector<64x1024xf32> to vector<64xf32>
        %broadcast_in_dim3A_294 = vector.shape_cast %reduce_min3A_293 : vector<64xf32> to vector<64x1xf32>
        %eq3A_295 = vector.broadcast %broadcast_in_dim3A_294 : vector<64x1xf32> to vector<64x1024xf32>
        %eq3A_296 = arith.cmpf oeq, %convert_element_type3A, %eq3A_295 : vector<64x1024xf32>
        %gt3A = vector.broadcast %add3A_267 : i32 to vector<64x1xi32>
        %gt3A_297 = arith.cmpi sgt, %get3A_61, %gt3A : vector<64x1xi32>
        %and3A_298 = vector.broadcast %gt3A_297 : vector<64x1xi1> to vector<64x1024xi1>
        %and3A_299 = arith.andi %eq3A_296, %and3A_298 : vector<64x1024xi1>
        %jit3A_300 = arith.constant 0xFF800000 : f32
        %broadcast_in_dim3A_301 = vector.broadcast %jit3A_300 : f32 to vector<64x1024xf32>
        %select_n3A_302 = arith.select %and3A_299, %broadcast_in_dim3A_301, %get3A_270 : vector<64x1024xi1>, vector<64x1024xf32>
        %swap3A_303 = arith.constant 0 : index
        %swap3A_304 = arith.constant 0 : index
        %swap3A_305 = vector.load %arg14[%swap3A_303, %swap3A_304] : memref<64x1024xf32, #tpu.memory_space<vmem>>, vector<64x1024xf32>
        tpu.vector_store %arg14[%swap3A_303, %swap3A_304], %select_n3A_302 {strides = array<i32>} : memref<64x1024xf32, #tpu.memory_space<vmem>>, vector<64x1024xf32>,
        %eq3A_306 = vector.broadcast %add3A_247 : i32 to vector<64x128xi32>
        %eq3A_307 = arith.cmpi eq, %iota3A_58, %eq3A_306 : vector<64x128xi32>
        %broadcast_in_dim3A_308 = vector.shape_cast %broadcast_in_dim3A_294 : vector<64x1xf32> to vector<64x1xf32>
        %broadcast_in_dim3A_309 = vector.broadcast %broadcast_in_dim3A_308 : vector<64x1xf32> to vector<64x128xf32>
        %select_n3A_310 = arith.select %eq3A_307, %broadcast_in_dim3A_309, %while3A_243 : vector<64x128xi1>, vector<64x128xf32>
        %mul3A_311 = arith.constant 8 : i32
        %mul3A_312 = arith.muli %mul3A_311, %while3A_242 : i32
        %add3A_313 = arith.constant 1 : i32
        %add3A_314 = arith.addi %mul3A_312, %add3A_313 : i32
        %sub3A_315 = arith.constant 128 : i32
        %sub3A_316 = arith.subi %sub3A_315, %add3A_314 : i32
        %jit3A_317 = arith.constant 128 : i32
        %eq3A_318 = arith.constant 0 : i32
        %eq3A_319 = arith.cmpi eq, %jit3A_317, %eq3A_318 : i32
        %jit3A_320 = arith.constant 1 : i32
        %select_n3A_321 = arith.select %eq3A_319, %jit3A_320, %jit3A_317 : i32
        %rem3A_322 = arith.remsi %sub3A_316, %select_n3A_321 : i32
        %ne3A_323 = arith.constant 0 : i32
        %ne3A_324 = arith.cmpi ne, %rem3A_322, %ne3A_323 : i32
        %lt3A_325 = arith.constant 0 : i32
        %lt3A_326 = arith.cmpi slt, %rem3A_322, %lt3A_325 : i32
        %lt3A_327 = arith.constant 0 : i32
        %lt3A_328 = arith.cmpi slt, %select_n3A_321, %lt3A_327 : i32
        %ne3A_329 = arith.xori %lt3A_326, %lt3A_328 : i1
        %and3A_330 = arith.andi %ne3A_329, %ne3A_324 : i1
        %add3A_331 = arith.addi %rem3A_322, %select_n3A_321 : i32
        %select_n3A_332 = arith.select %and3A_330, %add3A_331, %rem3A_322 : i32
        %roll3A_333 = tpu.dynamic_rotate %get3A_193 by %select_n3A_332 dim 1 : vector<64x128xf32>, i32 -> vector<64x128xf32>
        %slice3A_334 = vector.extract_strided_slice %roll3A_333 {offsets = [0, 0], sizes = [64, 1], strides = [1, 1]} : vector<64x128xf32> to vector<64x1xf32>
        %roll3A_335 = tpu.dynamic_rotate %get3A_196 by %select_n3A_332 dim 1 : vector<64x128xf32>, i32 -> vector<64x128xf32>
        %slice3A_336 = vector.extract_strided_slice %roll3A_335 {offsets = [0, 0], sizes = [64, 1], strides = [1, 1]} : vector<64x128xf32> to vector<64x1xf32>
        %add3A_337 = arith.addi %multiple_of3A, %add3A_314 : i32
        %get3A_338 = arith.constant 0 : index
        %get3A_339 = arith.constant 0 : index
        %get3A_340 = vector.load %arg14[%get3A_338, %get3A_339] : memref<64x1024xf32, #tpu.memory_space<vmem>>, vector<64x1024xf32>
        %get3A_341 = arith.constant 0 : index
        %get3A_342 = arith.constant 0 : index
        %get3A_343 = vector.load %arg11[%get3A_341, %get3A_342] : memref<64x1024xf32, #tpu.memory_space<vmem>>, vector<64x1024xf32>
        %sub3A_344 = vector.broadcast %slice3A_334 : vector<64x1xf32> to vector<64x1024xf32>
        %sub3A_345 = arith.subf %get3A_343, %sub3A_344 : vector<64x1024xf32>
        %abs3A_346 = math.absf %sub3A_345 : vector<64x1024xf32>
        %get3A_347 = arith.constant 0 : index
        %get3A_348 = arith.constant 0 : index
        %get3A_349 = vector.load %arg12[%get3A_347, %get3A_348] : memref<64x1024xf32, #tpu.memory_space<vmem>>, vector<64x1024xf32>
        %sub3A_350 = vector.broadcast %slice3A_336 : vector<64x1xf32> to vector<64x1024xf32>
        %sub3A_351 = arith.subf %get3A_349, %sub3A_350 : vector<64x1024xf32>
        %abs3A_352 = math.absf %sub3A_351 : vector<64x1024xf32>
        %add3A_353 = arith.addf %abs3A_346, %abs3A_352 : vector<64x1024xf32>
        %sub3A_354 = arith.subf %add3A_353, %get3A_340 : vector<64x1024xf32>
        %reduce_min3A_355 = arith.constant dense<0x7F800000> : vector<64xf32>
        %reduce_min3A_356 = vector.multi_reduction <minimumf>, %sub3A_354, %reduce_min3A_355 [1] : vector<64x1024xf32> to vector<64xf32>
        %broadcast_in_dim3A_357 = vector.shape_cast %reduce_min3A_356 : vector<64xf32> to vector<64x1xf32>
        %eq3A_358 = vector.broadcast %broadcast_in_dim3A_357 : vector<64x1xf32> to vector<64x1024xf32>
        %eq3A_359 = arith.cmpf oeq, %sub3A_354, %eq3A_358 : vector<64x1024xf32>
        %jit3A_360 = arith.constant 1.024000e+03 : f32
        %broadcast_in_dim3A_361 = vector.broadcast %jit3A_360 : f32 to vector<64x1024xf32>
        %select_n3A_362 = arith.select %eq3A_359, %convert_element_type3A, %broadcast_in_dim3A_361 : vector<64x1024xi1>, vector<64x1024xf32>
        %reduce_min3A_363 = arith.constant dense<0x7F800000> : vector<64xf32>
        %reduce_min3A_364 = vector.multi_reduction <minimumf>, %select_n3A_362, %reduce_min3A_363 [1] : vector<64x1024xf32> to vector<64xf32>
        %broadcast_in_dim3A_365 = vector.shape_cast %reduce_min3A_364 : vector<64xf32> to vector<64x1xf32>
        %eq3A_366 = vector.broadcast %broadcast_in_dim3A_365 : vector<64x1xf32> to vector<64x1024xf32>
        %eq3A_367 = arith.cmpf oeq, %convert_element_type3A, %eq3A_366 : vector<64x1024xf32>
        %gt3A_368 = vector.broadcast %add3A_337 : i32 to vector<64x1xi32>
        %gt3A_369 = arith.cmpi sgt, %get3A_61, %gt3A_368 : vector<64x1xi32>
        %and3A_370 = vector.broadcast %gt3A_369 : vector<64x1xi1> to vector<64x1024xi1>
        %and3A_371 = arith.andi %eq3A_367, %and3A_370 : vector<64x1024xi1>
        %jit3A_372 = arith.constant 0xFF800000 : f32
        %broadcast_in_dim3A_373 = vector.broadcast %jit3A_372 : f32 to vector<64x1024xf32>
        %select_n3A_374 = arith.select %and3A_371, %broadcast_in_dim3A_373, %get3A_340 : vector<64x1024xi1>, vector<64x1024xf32>
        %swap3A_375 = arith.constant 0 : index
        %swap3A_376 = arith.constant 0 : index
        %swap3A_377 = vector.load %arg14[%swap3A_375, %swap3A_376] : memref<64x1024xf32, #tpu.memory_space<vmem>>, vector<64x1024xf32>
        tpu.vector_store %arg14[%swap3A_375, %swap3A_376], %select_n3A_374 {strides = array<i32>} : memref<64x1024xf32, #tpu.memory_space<vmem>>, vector<64x1024xf32>,
        %eq3A_378 = vector.broadcast %add3A_314 : i32 to vector<64x128xi32>
        %eq3A_379 = arith.cmpi eq, %iota3A_58, %eq3A_378 : vector<64x128xi32>
        %broadcast_in_dim3A_380 = vector.shape_cast %broadcast_in_dim3A_365 : vector<64x1xf32> to vector<64x1xf32>
        %broadcast_in_dim3A_381 = vector.broadcast %broadcast_in_dim3A_380 : vector<64x1xf32> to vector<64x128xf32>
        %select_n3A_382 = arith.select %eq3A_379, %broadcast_in_dim3A_381, %select_n3A_310 : vector<64x128xi1>, vector<64x128xf32>
        %mul3A_383 = arith.constant 8 : i32
        %mul3A_384 = arith.muli %mul3A_383, %while3A_242 : i32
        %add3A_385 = arith.constant 2 : i32
        %add3A_386 = arith.addi %mul3A_384, %add3A_385 : i32
        %sub3A_387 = arith.constant 128 : i32
        %sub3A_388 = arith.subi %sub3A_387, %add3A_386 : i32
        %jit3A_389 = arith.constant 128 : i32
        %eq3A_390 = arith.constant 0 : i32
        %eq3A_391 = arith.cmpi eq, %jit3A_389, %eq3A_390 : i32
        %jit3A_392 = arith.constant 1 : i32
        %select_n3A_393 = arith.select %eq3A_391, %jit3A_392, %jit3A_389 : i32
        %rem3A_394 = arith.remsi %sub3A_388, %select_n3A_393 : i32
        %ne3A_395 = arith.constant 0 : i32
        %ne3A_396 = arith.cmpi ne, %rem3A_394, %ne3A_395 : i32
        %lt3A_397 = arith.constant 0 : i32
        %lt3A_398 = arith.cmpi slt, %rem3A_394, %lt3A_397 : i32
        %lt3A_399 = arith.constant 0 : i32
        %lt3A_400 = arith.cmpi slt, %select_n3A_393, %lt3A_399 : i32
        %ne3A_401 = arith.xori %lt3A_398, %lt3A_400 : i1
        %and3A_402 = arith.andi %ne3A_401, %ne3A_396 : i1
        %add3A_403 = arith.addi %rem3A_394, %select_n3A_393 : i32
        %select_n3A_404 = arith.select %and3A_402, %add3A_403, %rem3A_394 : i32
        %roll3A_405 = tpu.dynamic_rotate %get3A_193 by %select_n3A_404 dim 1 : vector<64x128xf32>, i32 -> vector<64x128xf32>
        %slice3A_406 = vector.extract_strided_slice %roll3A_405 {offsets = [0, 0], sizes = [64, 1], strides = [1, 1]} : vector<64x128xf32> to vector<64x1xf32>
        %roll3A_407 = tpu.dynamic_rotate %get3A_196 by %select_n3A_404 dim 1 : vector<64x128xf32>, i32 -> vector<64x128xf32>
        %slice3A_408 = vector.extract_strided_slice %roll3A_407 {offsets = [0, 0], sizes = [64, 1], strides = [1, 1]} : vector<64x128xf32> to vector<64x1xf32>
        %add3A_409 = arith.addi %multiple_of3A, %add3A_386 : i32
        %get3A_410 = arith.constant 0 : index
        %get3A_411 = arith.constant 0 : index
        %get3A_412 = vector.load %arg14[%get3A_410, %get3A_411] : memref<64x1024xf32, #tpu.memory_space<vmem>>, vector<64x1024xf32>
        %get3A_413 = arith.constant 0 : index
        %get3A_414 = arith.constant 0 : index
        %get3A_415 = vector.load %arg11[%get3A_413, %get3A_414] : memref<64x1024xf32, #tpu.memory_space<vmem>>, vector<64x1024xf32>
        %sub3A_416 = vector.broadcast %slice3A_406 : vector<64x1xf32> to vector<64x1024xf32>
        %sub3A_417 = arith.subf %get3A_415, %sub3A_416 : vector<64x1024xf32>
        %abs3A_418 = math.absf %sub3A_417 : vector<64x1024xf32>
        %get3A_419 = arith.constant 0 : index
        %get3A_420 = arith.constant 0 : index
        %get3A_421 = vector.load %arg12[%get3A_419, %get3A_420] : memref<64x1024xf32, #tpu.memory_space<vmem>>, vector<64x1024xf32>
        %sub3A_422 = vector.broadcast %slice3A_408 : vector<64x1xf32> to vector<64x1024xf32>
        %sub3A_423 = arith.subf %get3A_421, %sub3A_422 : vector<64x1024xf32>
        %abs3A_424 = math.absf %sub3A_423 : vector<64x1024xf32>
        %add3A_425 = arith.addf %abs3A_418, %abs3A_424 : vector<64x1024xf32>
        %sub3A_426 = arith.subf %add3A_425, %get3A_412 : vector<64x1024xf32>
        %reduce_min3A_427 = arith.constant dense<0x7F800000> : vector<64xf32>
        %reduce_min3A_428 = vector.multi_reduction <minimumf>, %sub3A_426, %reduce_min3A_427 [1] : vector<64x1024xf32> to vector<64xf32>
        %broadcast_in_dim3A_429 = vector.shape_cast %reduce_min3A_428 : vector<64xf32> to vector<64x1xf32>
        %eq3A_430 = vector.broadcast %broadcast_in_dim3A_429 : vector<64x1xf32> to vector<64x1024xf32>
        %eq3A_431 = arith.cmpf oeq, %sub3A_426, %eq3A_430 : vector<64x1024xf32>
        %jit3A_432 = arith.constant 1.024000e+03 : f32
        %broadcast_in_dim3A_433 = vector.broadcast %jit3A_432 : f32 to vector<64x1024xf32>
        %select_n3A_434 = arith.select %eq3A_431, %convert_element_type3A, %broadcast_in_dim3A_433 : vector<64x1024xi1>, vector<64x1024xf32>
        %reduce_min3A_435 = arith.constant dense<0x7F800000> : vector<64xf32>
        %reduce_min3A_436 = vector.multi_reduction <minimumf>, %select_n3A_434, %reduce_min3A_435 [1] : vector<64x1024xf32> to vector<64xf32>
        %broadcast_in_dim3A_437 = vector.shape_cast %reduce_min3A_436 : vector<64xf32> to vector<64x1xf32>
        %eq3A_438 = vector.broadcast %broadcast_in_dim3A_437 : vector<64x1xf32> to vector<64x1024xf32>
        %eq3A_439 = arith.cmpf oeq, %convert_element_type3A, %eq3A_438 : vector<64x1024xf32>
        %gt3A_440 = vector.broadcast %add3A_409 : i32 to vector<64x1xi32>
        %gt3A_441 = arith.cmpi sgt, %get3A_61, %gt3A_440 : vector<64x1xi32>
        %and3A_442 = vector.broadcast %gt3A_441 : vector<64x1xi1> to vector<64x1024xi1>
        %and3A_443 = arith.andi %eq3A_439, %and3A_442 : vector<64x1024xi1>
        %jit3A_444 = arith.constant 0xFF800000 : f32
        %broadcast_in_dim3A_445 = vector.broadcast %jit3A_444 : f32 to vector<64x1024xf32>
        %select_n3A_446 = arith.select %and3A_443, %broadcast_in_dim3A_445, %get3A_412 : vector<64x1024xi1>, vector<64x1024xf32>
        %swap3A_447 = arith.constant 0 : index
        %swap3A_448 = arith.constant 0 : index
        %swap3A_449 = vector.load %arg14[%swap3A_447, %swap3A_448] : memref<64x1024xf32, #tpu.memory_space<vmem>>, vector<64x1024xf32>
        tpu.vector_store %arg14[%swap3A_447, %swap3A_448], %select_n3A_446 {strides = array<i32>} : memref<64x1024xf32, #tpu.memory_space<vmem>>, vector<64x1024xf32>,
        %eq3A_450 = vector.broadcast %add3A_386 : i32 to vector<64x128xi32>
        %eq3A_451 = arith.cmpi eq, %iota3A_58, %eq3A_450 : vector<64x128xi32>
        %broadcast_in_dim3A_452 = vector.shape_cast %broadcast_in_dim3A_437 : vector<64x1xf32> to vector<64x1xf32>
        %broadcast_in_dim3A_453 = vector.broadcast %broadcast_in_dim3A_452 : vector<64x1xf32> to vector<64x128xf32>
        %select_n3A_454 = arith.select %eq3A_451, %broadcast_in_dim3A_453, %select_n3A_382 : vector<64x128xi1>, vector<64x128xf32>
        %mul3A_455 = arith.constant 8 : i32
        %mul3A_456 = arith.muli %mul3A_455, %while3A_242 : i32
        %add3A_457 = arith.constant 3 : i32
        %add3A_458 = arith.addi %mul3A_456, %add3A_457 : i32
        %sub3A_459 = arith.constant 128 : i32
        %sub3A_460 = arith.subi %sub3A_459, %add3A_458 : i32
        %jit3A_461 = arith.constant 128 : i32
        %eq3A_462 = arith.constant 0 : i32
        %eq3A_463 = arith.cmpi eq, %jit3A_461, %eq3A_462 : i32
        %jit3A_464 = arith.constant 1 : i32
        %select_n3A_465 = arith.select %eq3A_463, %jit3A_464, %jit3A_461 : i32
        %rem3A_466 = arith.remsi %sub3A_460, %select_n3A_465 : i32
        %ne3A_467 = arith.constant 0 : i32
        %ne3A_468 = arith.cmpi ne, %rem3A_466, %ne3A_467 : i32
        %lt3A_469 = arith.constant 0 : i32
        %lt3A_470 = arith.cmpi slt, %rem3A_466, %lt3A_469 : i32
        %lt3A_471 = arith.constant 0 : i32
        %lt3A_472 = arith.cmpi slt, %select_n3A_465, %lt3A_471 : i32
        %ne3A_473 = arith.xori %lt3A_470, %lt3A_472 : i1
        %and3A_474 = arith.andi %ne3A_473, %ne3A_468 : i1
        %add3A_475 = arith.addi %rem3A_466, %select_n3A_465 : i32
        %select_n3A_476 = arith.select %and3A_474, %add3A_475, %rem3A_466 : i32
        %roll3A_477 = tpu.dynamic_rotate %get3A_193 by %select_n3A_476 dim 1 : vector<64x128xf32>, i32 -> vector<64x128xf32>
        %slice3A_478 = vector.extract_strided_slice %roll3A_477 {offsets = [0, 0], sizes = [64, 1], strides = [1, 1]} : vector<64x128xf32> to vector<64x1xf32>
        %roll3A_479 = tpu.dynamic_rotate %get3A_196 by %select_n3A_476 dim 1 : vector<64x128xf32>, i32 -> vector<64x128xf32>
        %slice3A_480 = vector.extract_strided_slice %roll3A_479 {offsets = [0, 0], sizes = [64, 1], strides = [1, 1]} : vector<64x128xf32> to vector<64x1xf32>
        %add3A_481 = arith.addi %multiple_of3A, %add3A_458 : i32
        %get3A_482 = arith.constant 0 : index
        %get3A_483 = arith.constant 0 : index
        %get3A_484 = vector.load %arg14[%get3A_482, %get3A_483] : memref<64x1024xf32, #tpu.memory_space<vmem>>, vector<64x1024xf32>
        %get3A_485 = arith.constant 0 : index
        %get3A_486 = arith.constant 0 : index
        %get3A_487 = vector.load %arg11[%get3A_485, %get3A_486] : memref<64x1024xf32, #tpu.memory_space<vmem>>, vector<64x1024xf32>
        %sub3A_488 = vector.broadcast %slice3A_478 : vector<64x1xf32> to vector<64x1024xf32>
        %sub3A_489 = arith.subf %get3A_487, %sub3A_488 : vector<64x1024xf32>
        %abs3A_490 = math.absf %sub3A_489 : vector<64x1024xf32>
        %get3A_491 = arith.constant 0 : index
        %get3A_492 = arith.constant 0 : index
        %get3A_493 = vector.load %arg12[%get3A_491, %get3A_492] : memref<64x1024xf32, #tpu.memory_space<vmem>>, vector<64x1024xf32>
        %sub3A_494 = vector.broadcast %slice3A_480 : vector<64x1xf32> to vector<64x1024xf32>
        %sub3A_495 = arith.subf %get3A_493, %sub3A_494 : vector<64x1024xf32>
        %abs3A_496 = math.absf %sub3A_495 : vector<64x1024xf32>
        %add3A_497 = arith.addf %abs3A_490, %abs3A_496 : vector<64x1024xf32>
        %sub3A_498 = arith.subf %add3A_497, %get3A_484 : vector<64x1024xf32>
        %reduce_min3A_499 = arith.constant dense<0x7F800000> : vector<64xf32>
        %reduce_min3A_500 = vector.multi_reduction <minimumf>, %sub3A_498, %reduce_min3A_499 [1] : vector<64x1024xf32> to vector<64xf32>
        %broadcast_in_dim3A_501 = vector.shape_cast %reduce_min3A_500 : vector<64xf32> to vector<64x1xf32>
        %eq3A_502 = vector.broadcast %broadcast_in_dim3A_501 : vector<64x1xf32> to vector<64x1024xf32>
        %eq3A_503 = arith.cmpf oeq, %sub3A_498, %eq3A_502 : vector<64x1024xf32>
        %jit3A_504 = arith.constant 1.024000e+03 : f32
        %broadcast_in_dim3A_505 = vector.broadcast %jit3A_504 : f32 to vector<64x1024xf32>
        %select_n3A_506 = arith.select %eq3A_503, %convert_element_type3A, %broadcast_in_dim3A_505 : vector<64x1024xi1>, vector<64x1024xf32>
        %reduce_min3A_507 = arith.constant dense<0x7F800000> : vector<64xf32>
        %reduce_min3A_508 = vector.multi_reduction <minimumf>, %select_n3A_506, %reduce_min3A_507 [1] : vector<64x1024xf32> to vector<64xf32>
        %broadcast_in_dim3A_509 = vector.shape_cast %reduce_min3A_508 : vector<64xf32> to vector<64x1xf32>
        %eq3A_510 = vector.broadcast %broadcast_in_dim3A_509 : vector<64x1xf32> to vector<64x1024xf32>
        %eq3A_511 = arith.cmpf oeq, %convert_element_type3A, %eq3A_510 : vector<64x1024xf32>
        %gt3A_512 = vector.broadcast %add3A_481 : i32 to vector<64x1xi32>
        %gt3A_513 = arith.cmpi sgt, %get3A_61, %gt3A_512 : vector<64x1xi32>
        %and3A_514 = vector.broadcast %gt3A_513 : vector<64x1xi1> to vector<64x1024xi1>
        %and3A_515 = arith.andi %eq3A_511, %and3A_514 : vector<64x1024xi1>
        %jit3A_516 = arith.constant 0xFF800000 : f32
        %broadcast_in_dim3A_517 = vector.broadcast %jit3A_516 : f32 to vector<64x1024xf32>
        %select_n3A_518 = arith.select %and3A_515, %broadcast_in_dim3A_517, %get3A_484 : vector<64x1024xi1>, vector<64x1024xf32>
        %swap3A_519 = arith.constant 0 : index
        %swap3A_520 = arith.constant 0 : index
        %swap3A_521 = vector.load %arg14[%swap3A_519, %swap3A_520] : memref<64x1024xf32, #tpu.memory_space<vmem>>, vector<64x1024xf32>
        tpu.vector_store %arg14[%swap3A_519, %swap3A_520], %select_n3A_518 {strides = array<i32>} : memref<64x1024xf32, #tpu.memory_space<vmem>>, vector<64x1024xf32>,
        %eq3A_522 = vector.broadcast %add3A_458 : i32 to vector<64x128xi32>
        %eq3A_523 = arith.cmpi eq, %iota3A_58, %eq3A_522 : vector<64x128xi32>
        %broadcast_in_dim3A_524 = vector.shape_cast %broadcast_in_dim3A_509 : vector<64x1xf32> to vector<64x1xf32>
        %broadcast_in_dim3A_525 = vector.broadcast %broadcast_in_dim3A_524 : vector<64x1xf32> to vector<64x128xf32>
        %select_n3A_526 = arith.select %eq3A_523, %broadcast_in_dim3A_525, %select_n3A_454 : vector<64x128xi1>, vector<64x128xf32>
        %mul3A_527 = arith.constant 8 : i32
        %mul3A_528 = arith.muli %mul3A_527, %while3A_242 : i32
        %add3A_529 = arith.constant 4 : i32
        %add3A_530 = arith.addi %mul3A_528, %add3A_529 : i32
        %sub3A_531 = arith.constant 128 : i32
        %sub3A_532 = arith.subi %sub3A_531, %add3A_530 : i32
        %jit3A_533 = arith.constant 128 : i32
        %eq3A_534 = arith.constant 0 : i32
        %eq3A_535 = arith.cmpi eq, %jit3A_533, %eq3A_534 : i32
        %jit3A_536 = arith.constant 1 : i32
        %select_n3A_537 = arith.select %eq3A_535, %jit3A_536, %jit3A_533 : i32
        %rem3A_538 = arith.remsi %sub3A_532, %select_n3A_537 : i32
        %ne3A_539 = arith.constant 0 : i32
        %ne3A_540 = arith.cmpi ne, %rem3A_538, %ne3A_539 : i32
        %lt3A_541 = arith.constant 0 : i32
        %lt3A_542 = arith.cmpi slt, %rem3A_538, %lt3A_541 : i32
        %lt3A_543 = arith.constant 0 : i32
        %lt3A_544 = arith.cmpi slt, %select_n3A_537, %lt3A_543 : i32
        %ne3A_545 = arith.xori %lt3A_542, %lt3A_544 : i1
        %and3A_546 = arith.andi %ne3A_545, %ne3A_540 : i1
        %add3A_547 = arith.addi %rem3A_538, %select_n3A_537 : i32
        %select_n3A_548 = arith.select %and3A_546, %add3A_547, %rem3A_538 : i32
        %roll3A_549 = tpu.dynamic_rotate %get3A_193 by %select_n3A_548 dim 1 : vector<64x128xf32>, i32 -> vector<64x128xf32>
        %slice3A_550 = vector.extract_strided_slice %roll3A_549 {offsets = [0, 0], sizes = [64, 1], strides = [1, 1]} : vector<64x128xf32> to vector<64x1xf32>
        %roll3A_551 = tpu.dynamic_rotate %get3A_196 by %select_n3A_548 dim 1 : vector<64x128xf32>, i32 -> vector<64x128xf32>
        %slice3A_552 = vector.extract_strided_slice %roll3A_551 {offsets = [0, 0], sizes = [64, 1], strides = [1, 1]} : vector<64x128xf32> to vector<64x1xf32>
        %add3A_553 = arith.addi %multiple_of3A, %add3A_530 : i32
        %get3A_554 = arith.constant 0 : index
        %get3A_555 = arith.constant 0 : index
        %get3A_556 = vector.load %arg14[%get3A_554, %get3A_555] : memref<64x1024xf32, #tpu.memory_space<vmem>>, vector<64x1024xf32>
        %get3A_557 = arith.constant 0 : index
        %get3A_558 = arith.constant 0 : index
        %get3A_559 = vector.load %arg11[%get3A_557, %get3A_558] : memref<64x1024xf32, #tpu.memory_space<vmem>>, vector<64x1024xf32>
        %sub3A_560 = vector.broadcast %slice3A_550 : vector<64x1xf32> to vector<64x1024xf32>
        %sub3A_561 = arith.subf %get3A_559, %sub3A_560 : vector<64x1024xf32>
        %abs3A_562 = math.absf %sub3A_561 : vector<64x1024xf32>
        %get3A_563 = arith.constant 0 : index
        %get3A_564 = arith.constant 0 : index
        %get3A_565 = vector.load %arg12[%get3A_563, %get3A_564] : memref<64x1024xf32, #tpu.memory_space<vmem>>, vector<64x1024xf32>
        %sub3A_566 = vector.broadcast %slice3A_552 : vector<64x1xf32> to vector<64x1024xf32>
        %sub3A_567 = arith.subf %get3A_565, %sub3A_566 : vector<64x1024xf32>
        %abs3A_568 = math.absf %sub3A_567 : vector<64x1024xf32>
        %add3A_569 = arith.addf %abs3A_562, %abs3A_568 : vector<64x1024xf32>
        %sub3A_570 = arith.subf %add3A_569, %get3A_556 : vector<64x1024xf32>
        %reduce_min3A_571 = arith.constant dense<0x7F800000> : vector<64xf32>
        %reduce_min3A_572 = vector.multi_reduction <minimumf>, %sub3A_570, %reduce_min3A_571 [1] : vector<64x1024xf32> to vector<64xf32>
        %broadcast_in_dim3A_573 = vector.shape_cast %reduce_min3A_572 : vector<64xf32> to vector<64x1xf32>
        %eq3A_574 = vector.broadcast %broadcast_in_dim3A_573 : vector<64x1xf32> to vector<64x1024xf32>
        %eq3A_575 = arith.cmpf oeq, %sub3A_570, %eq3A_574 : vector<64x1024xf32>
        %jit3A_576 = arith.constant 1.024000e+03 : f32
        %broadcast_in_dim3A_577 = vector.broadcast %jit3A_576 : f32 to vector<64x1024xf32>
        %select_n3A_578 = arith.select %eq3A_575, %convert_element_type3A, %broadcast_in_dim3A_577 : vector<64x1024xi1>, vector<64x1024xf32>
        %reduce_min3A_579 = arith.constant dense<0x7F800000> : vector<64xf32>
        %reduce_min3A_580 = vector.multi_reduction <minimumf>, %select_n3A_578, %reduce_min3A_579 [1] : vector<64x1024xf32> to vector<64xf32>
        %broadcast_in_dim3A_581 = vector.shape_cast %reduce_min3A_580 : vector<64xf32> to vector<64x1xf32>
        %eq3A_582 = vector.broadcast %broadcast_in_dim3A_581 : vector<64x1xf32> to vector<64x1024xf32>
        %eq3A_583 = arith.cmpf oeq, %convert_element_type3A, %eq3A_582 : vector<64x1024xf32>
        %gt3A_584 = vector.broadcast %add3A_553 : i32 to vector<64x1xi32>
        %gt3A_585 = arith.cmpi sgt, %get3A_61, %gt3A_584 : vector<64x1xi32>
        %and3A_586 = vector.broadcast %gt3A_585 : vector<64x1xi1> to vector<64x1024xi1>
        %and3A_587 = arith.andi %eq3A_583, %and3A_586 : vector<64x1024xi1>
        %jit3A_588 = arith.constant 0xFF800000 : f32
        %broadcast_in_dim3A_589 = vector.broadcast %jit3A_588 : f32 to vector<64x1024xf32>
        %select_n3A_590 = arith.select %and3A_587, %broadcast_in_dim3A_589, %get3A_556 : vector<64x1024xi1>, vector<64x1024xf32>
        %swap3A_591 = arith.constant 0 : index
        %swap3A_592 = arith.constant 0 : index
        %swap3A_593 = vector.load %arg14[%swap3A_591, %swap3A_592] : memref<64x1024xf32, #tpu.memory_space<vmem>>, vector<64x1024xf32>
        tpu.vector_store %arg14[%swap3A_591, %swap3A_592], %select_n3A_590 {strides = array<i32>} : memref<64x1024xf32, #tpu.memory_space<vmem>>, vector<64x1024xf32>,
        %eq3A_594 = vector.broadcast %add3A_530 : i32 to vector<64x128xi32>
        %eq3A_595 = arith.cmpi eq, %iota3A_58, %eq3A_594 : vector<64x128xi32>
        %broadcast_in_dim3A_596 = vector.shape_cast %broadcast_in_dim3A_581 : vector<64x1xf32> to vector<64x1xf32>
        %broadcast_in_dim3A_597 = vector.broadcast %broadcast_in_dim3A_596 : vector<64x1xf32> to vector<64x128xf32>
        %select_n3A_598 = arith.select %eq3A_595, %broadcast_in_dim3A_597, %select_n3A_526 : vector<64x128xi1>, vector<64x128xf32>
        %mul3A_599 = arith.constant 8 : i32
        %mul3A_600 = arith.muli %mul3A_599, %while3A_242 : i32
        %add3A_601 = arith.constant 5 : i32
        %add3A_602 = arith.addi %mul3A_600, %add3A_601 : i32
        %sub3A_603 = arith.constant 128 : i32
        %sub3A_604 = arith.subi %sub3A_603, %add3A_602 : i32
        %jit3A_605 = arith.constant 128 : i32
        %eq3A_606 = arith.constant 0 : i32
        %eq3A_607 = arith.cmpi eq, %jit3A_605, %eq3A_606 : i32
        %jit3A_608 = arith.constant 1 : i32
        %select_n3A_609 = arith.select %eq3A_607, %jit3A_608, %jit3A_605 : i32
        %rem3A_610 = arith.remsi %sub3A_604, %select_n3A_609 : i32
        %ne3A_611 = arith.constant 0 : i32
        %ne3A_612 = arith.cmpi ne, %rem3A_610, %ne3A_611 : i32
        %lt3A_613 = arith.constant 0 : i32
        %lt3A_614 = arith.cmpi slt, %rem3A_610, %lt3A_613 : i32
        %lt3A_615 = arith.constant 0 : i32
        %lt3A_616 = arith.cmpi slt, %select_n3A_609, %lt3A_615 : i32
        %ne3A_617 = arith.xori %lt3A_614, %lt3A_616 : i1
        %and3A_618 = arith.andi %ne3A_617, %ne3A_612 : i1
        %add3A_619 = arith.addi %rem3A_610, %select_n3A_609 : i32
        %select_n3A_620 = arith.select %and3A_618, %add3A_619, %rem3A_610 : i32
        %roll3A_621 = tpu.dynamic_rotate %get3A_193 by %select_n3A_620 dim 1 : vector<64x128xf32>, i32 -> vector<64x128xf32>
        %slice3A_622 = vector.extract_strided_slice %roll3A_621 {offsets = [0, 0], sizes = [64, 1], strides = [1, 1]} : vector<64x128xf32> to vector<64x1xf32>
        %roll3A_623 = tpu.dynamic_rotate %get3A_196 by %select_n3A_620 dim 1 : vector<64x128xf32>, i32 -> vector<64x128xf32>
        %slice3A_624 = vector.extract_strided_slice %roll3A_623 {offsets = [0, 0], sizes = [64, 1], strides = [1, 1]} : vector<64x128xf32> to vector<64x1xf32>
        %add3A_625 = arith.addi %multiple_of3A, %add3A_602 : i32
        %get3A_626 = arith.constant 0 : index
        %get3A_627 = arith.constant 0 : index
        %get3A_628 = vector.load %arg14[%get3A_626, %get3A_627] : memref<64x1024xf32, #tpu.memory_space<vmem>>, vector<64x1024xf32>
        %get3A_629 = arith.constant 0 : index
        %get3A_630 = arith.constant 0 : index
        %get3A_631 = vector.load %arg11[%get3A_629, %get3A_630] : memref<64x1024xf32, #tpu.memory_space<vmem>>, vector<64x1024xf32>
        %sub3A_632 = vector.broadcast %slice3A_622 : vector<64x1xf32> to vector<64x1024xf32>
        %sub3A_633 = arith.subf %get3A_631, %sub3A_632 : vector<64x1024xf32>
        %abs3A_634 = math.absf %sub3A_633 : vector<64x1024xf32>
        %get3A_635 = arith.constant 0 : index
        %get3A_636 = arith.constant 0 : index
        %get3A_637 = vector.load %arg12[%get3A_635, %get3A_636] : memref<64x1024xf32, #tpu.memory_space<vmem>>, vector<64x1024xf32>
        %sub3A_638 = vector.broadcast %slice3A_624 : vector<64x1xf32> to vector<64x1024xf32>
        %sub3A_639 = arith.subf %get3A_637, %sub3A_638 : vector<64x1024xf32>
        %abs3A_640 = math.absf %sub3A_639 : vector<64x1024xf32>
        %add3A_641 = arith.addf %abs3A_634, %abs3A_640 : vector<64x1024xf32>
        %sub3A_642 = arith.subf %add3A_641, %get3A_628 : vector<64x1024xf32>
        %reduce_min3A_643 = arith.constant dense<0x7F800000> : vector<64xf32>
        %reduce_min3A_644 = vector.multi_reduction <minimumf>, %sub3A_642, %reduce_min3A_643 [1] : vector<64x1024xf32> to vector<64xf32>
        %broadcast_in_dim3A_645 = vector.shape_cast %reduce_min3A_644 : vector<64xf32> to vector<64x1xf32>
        %eq3A_646 = vector.broadcast %broadcast_in_dim3A_645 : vector<64x1xf32> to vector<64x1024xf32>
        %eq3A_647 = arith.cmpf oeq, %sub3A_642, %eq3A_646 : vector<64x1024xf32>
        %jit3A_648 = arith.constant 1.024000e+03 : f32
        %broadcast_in_dim3A_649 = vector.broadcast %jit3A_648 : f32 to vector<64x1024xf32>
        %select_n3A_650 = arith.select %eq3A_647, %convert_element_type3A, %broadcast_in_dim3A_649 : vector<64x1024xi1>, vector<64x1024xf32>
        %reduce_min3A_651 = arith.constant dense<0x7F800000> : vector<64xf32>
        %reduce_min3A_652 = vector.multi_reduction <minimumf>, %select_n3A_650, %reduce_min3A_651 [1] : vector<64x1024xf32> to vector<64xf32>
        %broadcast_in_dim3A_653 = vector.shape_cast %reduce_min3A_652 : vector<64xf32> to vector<64x1xf32>
        %eq3A_654 = vector.broadcast %broadcast_in_dim3A_653 : vector<64x1xf32> to vector<64x1024xf32>
        %eq3A_655 = arith.cmpf oeq, %convert_element_type3A, %eq3A_654 : vector<64x1024xf32>
        %gt3A_656 = vector.broadcast %add3A_625 : i32 to vector<64x1xi32>
        %gt3A_657 = arith.cmpi sgt, %get3A_61, %gt3A_656 : vector<64x1xi32>
        %and3A_658 = vector.broadcast %gt3A_657 : vector<64x1xi1> to vector<64x1024xi1>
        %and3A_659 = arith.andi %eq3A_655, %and3A_658 : vector<64x1024xi1>
        %jit3A_660 = arith.constant 0xFF800000 : f32
        %broadcast_in_dim3A_661 = vector.broadcast %jit3A_660 : f32 to vector<64x1024xf32>
        %select_n3A_662 = arith.select %and3A_659, %broadcast_in_dim3A_661, %get3A_628 : vector<64x1024xi1>, vector<64x1024xf32>
        %swap3A_663 = arith.constant 0 : index
        %swap3A_664 = arith.constant 0 : index
        %swap3A_665 = vector.load %arg14[%swap3A_663, %swap3A_664] : memref<64x1024xf32, #tpu.memory_space<vmem>>, vector<64x1024xf32>
        tpu.vector_store %arg14[%swap3A_663, %swap3A_664], %select_n3A_662 {strides = array<i32>} : memref<64x1024xf32, #tpu.memory_space<vmem>>, vector<64x1024xf32>,
        %eq3A_666 = vector.broadcast %add3A_602 : i32 to vector<64x128xi32>
        %eq3A_667 = arith.cmpi eq, %iota3A_58, %eq3A_666 : vector<64x128xi32>
        %broadcast_in_dim3A_668 = vector.shape_cast %broadcast_in_dim3A_653 : vector<64x1xf32> to vector<64x1xf32>
        %broadcast_in_dim3A_669 = vector.broadcast %broadcast_in_dim3A_668 : vector<64x1xf32> to vector<64x128xf32>
        %select_n3A_670 = arith.select %eq3A_667, %broadcast_in_dim3A_669, %select_n3A_598 : vector<64x128xi1>, vector<64x128xf32>
        %mul3A_671 = arith.constant 8 : i32
        %mul3A_672 = arith.muli %mul3A_671, %while3A_242 : i32
        %add3A_673 = arith.constant 6 : i32
        %add3A_674 = arith.addi %mul3A_672, %add3A_673 : i32
        %sub3A_675 = arith.constant 128 : i32
        %sub3A_676 = arith.subi %sub3A_675, %add3A_674 : i32
        %jit3A_677 = arith.constant 128 : i32
        %eq3A_678 = arith.constant 0 : i32
        %eq3A_679 = arith.cmpi eq, %jit3A_677, %eq3A_678 : i32
        %jit3A_680 = arith.constant 1 : i32
        %select_n3A_681 = arith.select %eq3A_679, %jit3A_680, %jit3A_677 : i32
        %rem3A_682 = arith.remsi %sub3A_676, %select_n3A_681 : i32
        %ne3A_683 = arith.constant 0 : i32
        %ne3A_684 = arith.cmpi ne, %rem3A_682, %ne3A_683 : i32
        %lt3A_685 = arith.constant 0 : i32
        %lt3A_686 = arith.cmpi slt, %rem3A_682, %lt3A_685 : i32
        %lt3A_687 = arith.constant 0 : i32
        %lt3A_688 = arith.cmpi slt, %select_n3A_681, %lt3A_687 : i32
        %ne3A_689 = arith.xori %lt3A_686, %lt3A_688 : i1
        %and3A_690 = arith.andi %ne3A_689, %ne3A_684 : i1
        %add3A_691 = arith.addi %rem3A_682, %select_n3A_681 : i32
        %select_n3A_692 = arith.select %and3A_690, %add3A_691, %rem3A_682 : i32
        %roll3A_693 = tpu.dynamic_rotate %get3A_193 by %select_n3A_692 dim 1 : vector<64x128xf32>, i32 -> vector<64x128xf32>
        %slice3A_694 = vector.extract_strided_slice %roll3A_693 {offsets = [0, 0], sizes = [64, 1], strides = [1, 1]} : vector<64x128xf32> to vector<64x1xf32>
        %roll3A_695 = tpu.dynamic_rotate %get3A_196 by %select_n3A_692 dim 1 : vector<64x128xf32>, i32 -> vector<64x128xf32>
        %slice3A_696 = vector.extract_strided_slice %roll3A_695 {offsets = [0, 0], sizes = [64, 1], strides = [1, 1]} : vector<64x128xf32> to vector<64x1xf32>
        %add3A_697 = arith.addi %multiple_of3A, %add3A_674 : i32
        %get3A_698 = arith.constant 0 : index
        %get3A_699 = arith.constant 0 : index
        %get3A_700 = vector.load %arg14[%get3A_698, %get3A_699] : memref<64x1024xf32, #tpu.memory_space<vmem>>, vector<64x1024xf32>
        %get3A_701 = arith.constant 0 : index
        %get3A_702 = arith.constant 0 : index
        %get3A_703 = vector.load %arg11[%get3A_701, %get3A_702] : memref<64x1024xf32, #tpu.memory_space<vmem>>, vector<64x1024xf32>
        %sub3A_704 = vector.broadcast %slice3A_694 : vector<64x1xf32> to vector<64x1024xf32>
        %sub3A_705 = arith.subf %get3A_703, %sub3A_704 : vector<64x1024xf32>
        %abs3A_706 = math.absf %sub3A_705 : vector<64x1024xf32>
        %get3A_707 = arith.constant 0 : index
        %get3A_708 = arith.constant 0 : index
        %get3A_709 = vector.load %arg12[%get3A_707, %get3A_708] : memref<64x1024xf32, #tpu.memory_space<vmem>>, vector<64x1024xf32>
        %sub3A_710 = vector.broadcast %slice3A_696 : vector<64x1xf32> to vector<64x1024xf32>
        %sub3A_711 = arith.subf %get3A_709, %sub3A_710 : vector<64x1024xf32>
        %abs3A_712 = math.absf %sub3A_711 : vector<64x1024xf32>
        %add3A_713 = arith.addf %abs3A_706, %abs3A_712 : vector<64x1024xf32>
        %sub3A_714 = arith.subf %add3A_713, %get3A_700 : vector<64x1024xf32>
        %reduce_min3A_715 = arith.constant dense<0x7F800000> : vector<64xf32>
        %reduce_min3A_716 = vector.multi_reduction <minimumf>, %sub3A_714, %reduce_min3A_715 [1] : vector<64x1024xf32> to vector<64xf32>
        %broadcast_in_dim3A_717 = vector.shape_cast %reduce_min3A_716 : vector<64xf32> to vector<64x1xf32>
        %eq3A_718 = vector.broadcast %broadcast_in_dim3A_717 : vector<64x1xf32> to vector<64x1024xf32>
        %eq3A_719 = arith.cmpf oeq, %sub3A_714, %eq3A_718 : vector<64x1024xf32>
        %jit3A_720 = arith.constant 1.024000e+03 : f32
        %broadcast_in_dim3A_721 = vector.broadcast %jit3A_720 : f32 to vector<64x1024xf32>
        %select_n3A_722 = arith.select %eq3A_719, %convert_element_type3A, %broadcast_in_dim3A_721 : vector<64x1024xi1>, vector<64x1024xf32>
        %reduce_min3A_723 = arith.constant dense<0x7F800000> : vector<64xf32>
        %reduce_min3A_724 = vector.multi_reduction <minimumf>, %select_n3A_722, %reduce_min3A_723 [1] : vector<64x1024xf32> to vector<64xf32>
        %broadcast_in_dim3A_725 = vector.shape_cast %reduce_min3A_724 : vector<64xf32> to vector<64x1xf32>
        %eq3A_726 = vector.broadcast %broadcast_in_dim3A_725 : vector<64x1xf32> to vector<64x1024xf32>
        %eq3A_727 = arith.cmpf oeq, %convert_element_type3A, %eq3A_726 : vector<64x1024xf32>
        %gt3A_728 = vector.broadcast %add3A_697 : i32 to vector<64x1xi32>
        %gt3A_729 = arith.cmpi sgt, %get3A_61, %gt3A_728 : vector<64x1xi32>
        %and3A_730 = vector.broadcast %gt3A_729 : vector<64x1xi1> to vector<64x1024xi1>
        %and3A_731 = arith.andi %eq3A_727, %and3A_730 : vector<64x1024xi1>
        %jit3A_732 = arith.constant 0xFF800000 : f32
        %broadcast_in_dim3A_733 = vector.broadcast %jit3A_732 : f32 to vector<64x1024xf32>
        %select_n3A_734 = arith.select %and3A_731, %broadcast_in_dim3A_733, %get3A_700 : vector<64x1024xi1>, vector<64x1024xf32>
        %swap3A_735 = arith.constant 0 : index
        %swap3A_736 = arith.constant 0 : index
        %swap3A_737 = vector.load %arg14[%swap3A_735, %swap3A_736] : memref<64x1024xf32, #tpu.memory_space<vmem>>, vector<64x1024xf32>
        tpu.vector_store %arg14[%swap3A_735, %swap3A_736], %select_n3A_734 {strides = array<i32>} : memref<64x1024xf32, #tpu.memory_space<vmem>>, vector<64x1024xf32>,
        %eq3A_738 = vector.broadcast %add3A_674 : i32 to vector<64x128xi32>
        %eq3A_739 = arith.cmpi eq, %iota3A_58, %eq3A_738 : vector<64x128xi32>
        %broadcast_in_dim3A_740 = vector.shape_cast %broadcast_in_dim3A_725 : vector<64x1xf32> to vector<64x1xf32>
        %broadcast_in_dim3A_741 = vector.broadcast %broadcast_in_dim3A_740 : vector<64x1xf32> to vector<64x128xf32>
        %select_n3A_742 = arith.select %eq3A_739, %broadcast_in_dim3A_741, %select_n3A_670 : vector<64x128xi1>, vector<64x128xf32>
        %mul3A_743 = arith.constant 8 : i32
        %mul3A_744 = arith.muli %mul3A_743, %while3A_242 : i32
        %add3A_745 = arith.constant 7 : i32
        %add3A_746 = arith.addi %mul3A_744, %add3A_745 : i32
        %sub3A_747 = arith.constant 128 : i32
        %sub3A_748 = arith.subi %sub3A_747, %add3A_746 : i32
        %jit3A_749 = arith.constant 128 : i32
        %eq3A_750 = arith.constant 0 : i32
        %eq3A_751 = arith.cmpi eq, %jit3A_749, %eq3A_750 : i32
        %jit3A_752 = arith.constant 1 : i32
        %select_n3A_753 = arith.select %eq3A_751, %jit3A_752, %jit3A_749 : i32
        %rem3A_754 = arith.remsi %sub3A_748, %select_n3A_753 : i32
        %ne3A_755 = arith.constant 0 : i32
        %ne3A_756 = arith.cmpi ne, %rem3A_754, %ne3A_755 : i32
        %lt3A_757 = arith.constant 0 : i32
        %lt3A_758 = arith.cmpi slt, %rem3A_754, %lt3A_757 : i32
        %lt3A_759 = arith.constant 0 : i32
        %lt3A_760 = arith.cmpi slt, %select_n3A_753, %lt3A_759 : i32
        %ne3A_761 = arith.xori %lt3A_758, %lt3A_760 : i1
        %and3A_762 = arith.andi %ne3A_761, %ne3A_756 : i1
        %add3A_763 = arith.addi %rem3A_754, %select_n3A_753 : i32
        %select_n3A_764 = arith.select %and3A_762, %add3A_763, %rem3A_754 : i32
        %roll3A_765 = tpu.dynamic_rotate %get3A_193 by %select_n3A_764 dim 1 : vector<64x128xf32>, i32 -> vector<64x128xf32>
        %slice3A_766 = vector.extract_strided_slice %roll3A_765 {offsets = [0, 0], sizes = [64, 1], strides = [1, 1]} : vector<64x128xf32> to vector<64x1xf32>
        %roll3A_767 = tpu.dynamic_rotate %get3A_196 by %select_n3A_764 dim 1 : vector<64x128xf32>, i32 -> vector<64x128xf32>
        %slice3A_768 = vector.extract_strided_slice %roll3A_767 {offsets = [0, 0], sizes = [64, 1], strides = [1, 1]} : vector<64x128xf32> to vector<64x1xf32>
        %add3A_769 = arith.addi %multiple_of3A, %add3A_746 : i32
        %get3A_770 = arith.constant 0 : index
        %get3A_771 = arith.constant 0 : index
        %get3A_772 = vector.load %arg14[%get3A_770, %get3A_771] : memref<64x1024xf32, #tpu.memory_space<vmem>>, vector<64x1024xf32>
        %get3A_773 = arith.constant 0 : index
        %get3A_774 = arith.constant 0 : index
        %get3A_775 = vector.load %arg11[%get3A_773, %get3A_774] : memref<64x1024xf32, #tpu.memory_space<vmem>>, vector<64x1024xf32>
        %sub3A_776 = vector.broadcast %slice3A_766 : vector<64x1xf32> to vector<64x1024xf32>
        %sub3A_777 = arith.subf %get3A_775, %sub3A_776 : vector<64x1024xf32>
        %abs3A_778 = math.absf %sub3A_777 : vector<64x1024xf32>
        %get3A_779 = arith.constant 0 : index
        %get3A_780 = arith.constant 0 : index
        %get3A_781 = vector.load %arg12[%get3A_779, %get3A_780] : memref<64x1024xf32, #tpu.memory_space<vmem>>, vector<64x1024xf32>
        %sub3A_782 = vector.broadcast %slice3A_768 : vector<64x1xf32> to vector<64x1024xf32>
        %sub3A_783 = arith.subf %get3A_781, %sub3A_782 : vector<64x1024xf32>
        %abs3A_784 = math.absf %sub3A_783 : vector<64x1024xf32>
        %add3A_785 = arith.addf %abs3A_778, %abs3A_784 : vector<64x1024xf32>
        %sub3A_786 = arith.subf %add3A_785, %get3A_772 : vector<64x1024xf32>
        %reduce_min3A_787 = arith.constant dense<0x7F800000> : vector<64xf32>
        %reduce_min3A_788 = vector.multi_reduction <minimumf>, %sub3A_786, %reduce_min3A_787 [1] : vector<64x1024xf32> to vector<64xf32>
        %broadcast_in_dim3A_789 = vector.shape_cast %reduce_min3A_788 : vector<64xf32> to vector<64x1xf32>
        %eq3A_790 = vector.broadcast %broadcast_in_dim3A_789 : vector<64x1xf32> to vector<64x1024xf32>
        %eq3A_791 = arith.cmpf oeq, %sub3A_786, %eq3A_790 : vector<64x1024xf32>
        %jit3A_792 = arith.constant 1.024000e+03 : f32
        %broadcast_in_dim3A_793 = vector.broadcast %jit3A_792 : f32 to vector<64x1024xf32>
        %select_n3A_794 = arith.select %eq3A_791, %convert_element_type3A, %broadcast_in_dim3A_793 : vector<64x1024xi1>, vector<64x1024xf32>
        %reduce_min3A_795 = arith.constant dense<0x7F800000> : vector<64xf32>
        %reduce_min3A_796 = vector.multi_reduction <minimumf>, %select_n3A_794, %reduce_min3A_795 [1] : vector<64x1024xf32> to vector<64xf32>
        %broadcast_in_dim3A_797 = vector.shape_cast %reduce_min3A_796 : vector<64xf32> to vector<64x1xf32>
        %eq3A_798 = vector.broadcast %broadcast_in_dim3A_797 : vector<64x1xf32> to vector<64x1024xf32>
        %eq3A_799 = arith.cmpf oeq, %convert_element_type3A, %eq3A_798 : vector<64x1024xf32>
        %gt3A_800 = vector.broadcast %add3A_769 : i32 to vector<64x1xi32>
        %gt3A_801 = arith.cmpi sgt, %get3A_61, %gt3A_800 : vector<64x1xi32>
        %and3A_802 = vector.broadcast %gt3A_801 : vector<64x1xi1> to vector<64x1024xi1>
        %and3A_803 = arith.andi %eq3A_799, %and3A_802 : vector<64x1024xi1>
        %jit3A_804 = arith.constant 0xFF800000 : f32
        %broadcast_in_dim3A_805 = vector.broadcast %jit3A_804 : f32 to vector<64x1024xf32>
        %select_n3A_806 = arith.select %and3A_803, %broadcast_in_dim3A_805, %get3A_772 : vector<64x1024xi1>, vector<64x1024xf32>
        %swap3A_807 = arith.constant 0 : index
        %swap3A_808 = arith.constant 0 : index
        %swap3A_809 = vector.load %arg14[%swap3A_807, %swap3A_808] : memref<64x1024xf32, #tpu.memory_space<vmem>>, vector<64x1024xf32>
        tpu.vector_store %arg14[%swap3A_807, %swap3A_808], %select_n3A_806 {strides = array<i32>} : memref<64x1024xf32, #tpu.memory_space<vmem>>, vector<64x1024xf32>,
        %eq3A_810 = vector.broadcast %add3A_746 : i32 to vector<64x128xi32>
        %eq3A_811 = arith.cmpi eq, %iota3A_58, %eq3A_810 : vector<64x128xi32>
        %broadcast_in_dim3A_812 = vector.shape_cast %broadcast_in_dim3A_797 : vector<64x1xf32> to vector<64x1xf32>
        %broadcast_in_dim3A_813 = vector.broadcast %broadcast_in_dim3A_812 : vector<64x1xf32> to vector<64x128xf32>
        %select_n3A_814 = arith.select %eq3A_811, %broadcast_in_dim3A_813, %select_n3A_742 : vector<64x128xi1>, vector<64x128xf32>
        scf.yield %select_n3A_814 : vector<64x128xf32>
      }
      %swap3A_239 = arith.constant 0 : index
      %swap3A_240 = arith.index_cast %multiple_of3A : i32 to index
      %swap3A_241 = vector.load %arg10[%swap3A_239, %swap3A_240] : memref<64x1024xf32, #tpu.memory_space<vmem>>, vector<64x128xf32>
      tpu.vector_store %arg10[%swap3A_239, %swap3A_240], %while3A_238 {strides = array<i32>} : memref<64x1024xf32, #tpu.memory_space<vmem>>, vector<64x128xf32>,
    }
    %get3A_99 = arith.constant 0 : index
    %get3A_100 = arith.constant 0 : index
    %get3A_101 = vector.load %arg14[%get3A_99, %get3A_100] : memref<64x1024xf32, #tpu.memory_space<vmem>>, vector<64x1024xf32>
    %eq3A = arith.constant 0xFF800000 : f32
    %eq3A_102 = vector.broadcast %eq3A : f32 to vector<64x1024xf32>
    %eq3A_103 = arith.cmpf oeq, %get3A_101, %eq3A_102 : vector<64x1024xf32>
    %convert_element_type3A_104 = arith.extui %eq3A_103 : vector<64x1024xi1> to vector<64x1024xi32>
    %convert_element_type3A_105 = arith.sitofp %convert_element_type3A_104 : vector<64x1024xi32> to vector<64x1024xf32>
    %get3A_106 = arith.constant 0 : index
    %get3A_107 = arith.constant 0 : index
    %get3A_108 = vector.load %arg8[%get3A_106, %get3A_107] : memref<64x1024xf32, #tpu.memory_space<vmem>>, vector<64x1024xf32>
    %reduce_sum3A = vector.shape_cast %get3A_108 : vector<64x1024xf32> to vector<1x64x1024xf32>
    %reduce_sum3A_109 = arith.constant dense<0.000000e+00> : vector<1xf32>
    %reduce_sum3A_110 = vector.multi_reduction <add>, %reduce_sum3A, %reduce_sum3A_109 [1, 2] : vector<1x64x1024xf32> to vector<1xf32>
    %reduce_sum3A_111 = vector.shape_cast %reduce_sum3A_110 : vector<1xf32> to vector<1x1x1xf32>
    %reduce_sum3A_112 = vector.extract %reduce_sum3A_111[0, 0, 0] : f32 from vector<1x1x1xf32>
    %jit3A_113 = arith.constant 0.000000e+00 : f32
    %max3A_114 = vector.broadcast %jit3A_113 : f32 to vector<64x1024xf32>
    %max3A_115 = arith.maximumf %max3A_114, %get3A_46 : vector<64x1024xf32>
    %mul3A_116 = arith.mulf %get3A_46, %convert_element_type3A_105 : vector<64x1024xf32>
    %sub3A_117 = arith.subf %max3A_115, %mul3A_116 : vector<64x1024xf32>
    %abs3A = math.absf %get3A_46 : vector<64x1024xf32>
    %neg3A_118 = arith.constant 0.000000e+00 : f32
    %neg3A_119 = vector.broadcast %neg3A_118 : f32 to vector<64x1024xf32>
    %neg3A_120 = arith.subf %neg3A_119, %abs3A : vector<64x1024xf32>
    %exp3A_121 = math.exp %neg3A_120 : vector<64x1024xf32>
    %log1p3A = math.log1p %exp3A_121 : vector<64x1024xf32>
    %add3A_122 = arith.addf %sub3A_117, %log1p3A : vector<64x1024xf32>
    %logistic3A = arith.negf %get3A_46 : vector<64x1024xf32>
    %logistic3A_123 = math.exp %logistic3A : vector<64x1024xf32>
    %logistic3A_124 = arith.constant 1.000000e+00 : f32
    %logistic3A_125 = vector.broadcast %logistic3A_124 : f32 to vector<64x1024xf32>
    %logistic3A_126 = arith.addf %logistic3A_125, %logistic3A_123 : vector<64x1024xf32>
    %logistic3A_127 = arith.divf %logistic3A_125, %logistic3A_126 : vector<64x1024xf32>
    %eq3A_128 = arith.constant 1.000000e+00 : f32
    %eq3A_129 = vector.broadcast %eq3A_128 : f32 to vector<64x1024xf32>
    %eq3A_130 = arith.cmpf oeq, %convert_element_type3A_105, %eq3A_129 : vector<64x1024xf32>
    %sub3A_131 = arith.constant 1.000000e+00 : f32
    %sub3A_132 = vector.broadcast %sub3A_131 : f32 to vector<64x1024xf32>
    %sub3A_133 = arith.subf %sub3A_132, %logistic3A_127 : vector<64x1024xf32>
    %select_n3A_134 = arith.select %eq3A_130, %logistic3A_127, %sub3A_133 : vector<64x1024xi1>, vector<64x1024xf32>
    %jit3A_135 = arith.constant 9.99999997E-7 : f32
    %jit3A_136 = arith.constant 0.999998986 : f32
    %max3A_137 = vector.broadcast %jit3A_135 : f32 to vector<64x1024xf32>
    %max3A_138 = arith.maximumf %max3A_137, %select_n3A_134 : vector<64x1024xf32>
    %min3A_139 = vector.broadcast %jit3A_136 : f32 to vector<64x1024xf32>
    %min3A_140 = arith.minimumf %min3A_139, %max3A_138 : vector<64x1024xf32>
    %eq3A_141 = arith.constant 1.000000e+00 : f32
    %eq3A_142 = vector.broadcast %eq3A_141 : f32 to vector<64x1024xf32>
    %eq3A_143 = arith.cmpf oeq, %convert_element_type3A_105, %eq3A_142 : vector<64x1024xf32>
    %jit3A_144 = arith.constant 0.899999976 : f32
    %jit3A_145 = arith.constant 1.000000e-01 : f32
    %broadcast_in_dim3A = vector.broadcast %jit3A_144 : f32 to vector<64x1024xf32>
    %broadcast_in_dim3A_146 = vector.broadcast %jit3A_145 : f32 to vector<64x1024xf32>
    %select_n3A_147 = arith.select %eq3A_143, %broadcast_in_dim3A, %broadcast_in_dim3A_146 : vector<64x1024xi1>, vector<64x1024xf32>
    %sub3A_148 = arith.constant 1.000000e+00 : f32
    %sub3A_149 = vector.broadcast %sub3A_148 : f32 to vector<64x1024xf32>
    %sub3A_150 = arith.subf %sub3A_149, %min3A_140 : vector<64x1024xf32>
    %mul3A_151 = arith.mulf %select_n3A_147, %sub3A_150 : vector<64x1024xf32>
    %mul3A_152 = arith.mulf %mul3A_151, %sub3A_150 : vector<64x1024xf32>
    %mul3A_153 = arith.mulf %mul3A_152, %add3A_122 : vector<64x1024xf32>
    %reduce_sum3A_154 = vector.shape_cast %mul3A_153 : vector<64x1024xf32> to vector<1x64x1024xf32>
    %reduce_sum3A_155 = arith.constant dense<0.000000e+00> : vector<1xf32>
    %reduce_sum3A_156 = vector.multi_reduction <add>, %reduce_sum3A_154, %reduce_sum3A_155 [1, 2] : vector<1x64x1024xf32> to vector<1xf32>
    %reduce_sum3A_157 = vector.shape_cast %reduce_sum3A_156 : vector<1xf32> to vector<1x1x1xf32>
    %reduce_sum3A_158 = vector.extract %reduce_sum3A_157[0, 0, 0] : f32 from vector<1x1x1xf32>
    %mul3A_159 = arith.constant 1.52587891E-5 : f32
    %mul3A_160 = arith.mulf %reduce_sum3A_158, %mul3A_159 : f32
    %logistic3A_161 = arith.negf %get3A_46 : vector<64x1024xf32>
    %logistic3A_162 = math.exp %logistic3A_161 : vector<64x1024xf32>
    %logistic3A_163 = arith.constant 1.000000e+00 : f32
    %logistic3A_164 = vector.broadcast %logistic3A_163 : f32 to vector<64x1024xf32>
    %logistic3A_165 = arith.addf %logistic3A_164, %logistic3A_162 : vector<64x1024xf32>
    %logistic3A_166 = arith.divf %logistic3A_164, %logistic3A_165 : vector<64x1024xf32>
    %reduce_sum3A_167 = arith.constant dense<0.000000e+00> : vector<64xf32>
    %reduce_sum3A_168 = vector.multi_reduction <add>, %logistic3A_166, %reduce_sum3A_167 [1] : vector<64x1024xf32> to vector<64xf32>
    %broadcast_in_dim3A_169 = vector.shape_cast %reduce_sum3A_168 : vector<64xf32> to vector<64x1xf32>
    %reduce_sum3A_170 = arith.constant dense<0.000000e+00> : vector<64xf32>
    %reduce_sum3A_171 = vector.multi_reduction <add>, %get3A_108, %reduce_sum3A_170 [1] : vector<64x1024xf32> to vector<64xf32>
    %broadcast_in_dim3A_172 = vector.shape_cast %reduce_sum3A_171 : vector<64xf32> to vector<64x1xf32>
    %sub3A_173 = arith.subf %broadcast_in_dim3A_169, %broadcast_in_dim3A_172 : vector<64x1xf32>
    %abs3A_174 = math.absf %sub3A_173 : vector<64x1xf32>
    %reduce_sum3A_175 = vector.shape_cast %abs3A_174 : vector<64x1xf32> to vector<1x64x1xf32>
    %reduce_sum3A_176 = arith.constant dense<0.000000e+00> : vector<1xf32>
    %reduce_sum3A_177 = vector.multi_reduction <add>, %reduce_sum3A_175, %reduce_sum3A_176 [1, 2] : vector<1x64x1xf32> to vector<1xf32>
    %reduce_sum3A_178 = vector.shape_cast %reduce_sum3A_177 : vector<1xf32> to vector<1x1x1xf32>
    %reduce_sum3A_179 = vector.extract %reduce_sum3A_178[0, 0, 0] : f32 from vector<1x1x1xf32>
    %mul3A_180 = arith.constant 1.562500e-02 : f32
    %mul3A_181 = arith.mulf %reduce_sum3A_179, %mul3A_180 : f32
    %swap3A_182 = arith.constant 0 : index
    %swap3A_183 = memref.load %arg13[%swap3A_182] : memref<4xf32, #tpu.memory_space<smem>>
    memref.store %mul3A_160, %arg13[%swap3A_182] : memref<4xf32, #tpu.memory_space<smem>>
    %swap3A_184 = arith.constant 1 : index
    %swap3A_185 = memref.load %arg13[%swap3A_184] : memref<4xf32, #tpu.memory_space<smem>>
    memref.store %mul3A_181, %arg13[%swap3A_184] : memref<4xf32, #tpu.memory_space<smem>>
    %swap3A_186 = arith.constant 2 : index
    %swap3A_187 = memref.load %arg13[%swap3A_186] : memref<4xf32, #tpu.memory_space<smem>>
    memref.store %reduce_sum3A_112, %arg13[%swap3A_186] : memref<4xf32, #tpu.memory_space<smem>>
    return
  }
}

</mosaic_0001>

<sc_bundles>
// kernel: kernel.6.cloned.1.call-start
scs
__scs_entry_jumppad:
0x0: {  	(pc) =	sbr.rel $0x88, $3  }
0x1: {  	(tag) =	ssettag $0x0;
	lr =	simm.s32 $0x1  }
0x2: {  	[smem:$0x3F9B] =	sst lr;
	_ =	strace $0xD0000000  }
0x3: {  	_ = 	snop  }
0x4: {  	_ = 	snop  }
0x5: {  	_ = 	snop  }
0x6: {  	_ = 	snop  }
0x7: {  	_ = 	snop  }
__scs_overlays_trampoline_lowered:
0x8: {  	[smem:$0x3FAA] =	sst s0  }
0x9: {  	[smem:$0x3FAB] =	sst s1  }
0xa: {  	[smem:$0x3FAC] =	sst s2  }
0xb: {  	[smem:$0x3FAD] =	sst s3  }
0xc: {  	[smem:$0x3FAE] =	sst s4  }
0xd: {  	[smem:$0x3FAF] =	sst s5  }
0xe: {  	[smem:$0x3FB0] =	sst s6  }
0xf: {  	[smem:$0x3FB1] =	sst s7  }
0x10: {  	[smem:$0x3FB2] =	sst s8  }
0x11: {  	[smem:$0x3FB3] =	sst s9;
	s0 =	simm.s32 @!p0 $0x0  }
0x12: {  	s1 =	sld [smem:$0x3F99];
	s0 =	simm.s32 @p0 $0x1  }
0x13: {  	[smem:$0x3FB4] =	sst s0;
	s0 =	simm.s32 @!p1 $0x0  }
0x14: {  	s2 =	sld [smem:$0x3F98];
	s0 =	simm.s32 @p1 $0x1  }
0x15: {  	[smem:$0x3FB5] =	sst s0;
	s0 =	simm.s32 @!p2 $0x0  }
0x16: {  	s3 =	sld [smem:$0x3FDB];
	s0 =	simm.s32 @p2 $0x1  }
0x17: {  	s4 =	simm.s32 $0x1BF5;
	[smem:$0x3FB7] =	sst s0  }
0x18: {  	s0 =	sld [smem:$0x3F9A];
	_ =	swait.ge [sflag:s4], $0x0  }
0x19: {  	s7 =	sld [smem:$0x3F9B]  }
0x1a: {  	s8 =	sadd.s32 $0xFFFFE003, lr  }
0x1b: {  	s9 =	sadd.s32 $0xFFFFFEF7, lr;
	s5 =	simm.s32 $0xFFFFFFFF;
	p2 =	slt.u32 s8, $0xFFFFF086  }
0x1c: {  	p1 =	slt.u32 s9, $0xF7A;
	s5 =	simm.s32 @!p2 $0x0  }
0x1d: {  	s5 =	simm.s32 @p1 $0x1;
	p0 =	seq.s32 s7, s2  }
0x1e: {  	s7 =	smul.u32 @!p0 $0xF7A, s2;
	p2 =	seq.s32 @!p0 s5, $0x0  }
0x1f: {  	s9 =	smul.u32 $0xF7A, s1;
	s8 =	simm.s32 @!p0 $0x1BF5;
	p2 =	por !p2, p0  }
0x20: {  	[sflag:s8] =	ssyncset.s32 @!p0 $0xFFFFF086;
	s6 =	sadd.s32 @!p0 s3, s7;
	s7 =	simm.s32 @!p0 $0x108  }
0x21: {  	s3 =	sadd.s32 s3, s9;
	s6 =	sadd.s32 @!p0 $0x88, s6;
	s7 =	simm.s32 @p2 $0x1082  }
0x22: {  	[simem:s7], [sflag:s8] =	dma.local @!p0 [hbm:s6], $0xF7A  }
0x23: {  	s9 =	sor.u32 $0xD0000000, s2;
	s6 =	simm.s32 $0x108;
	_ =	swait.ge @!p0 [sflag:s8], $0x0  }
0x24: {  	s3 =	sadd.s32 $0x88, s3;
	s6 =	simm.s32 @!p1 $0x1082;
	[sflag:s4] =	ssyncset.s32 $0xFFFFF086  }
0x25: {  	[simem:s6], [sflag:s4] =	dma.local [hbm:s3], $0xF7A  }
0x26: {  	[smem:$0x3F9B] =	sst s1;
	(tag) =	ssettag s2;
	_ =	strace s9  }
0x27: {  	s1 =	sld [smem:$0x3FAB]  }
0x28: {  	s2 =	sld [smem:$0x3FAC]  }
0x29: {  	s4 =	sld [smem:$0x3FAE]  }
0x2a: {  	p0 =	seq.s32 s5, $0x0;
	s5 =	sld [smem:$0x3FAF]  }
0x2b: {  	s6 =	sld [smem:$0x3FB0]  }
0x2c: {  	s7 =	sld [smem:$0x3FB1]  }
0x2d: {  	s3 =	simm.s32 $0x108;
	s8 =	sld [smem:$0x3FB2]  }
0x2e: {  	s3 =	simm.s32 @!p0 $0x1082;
	s9 =	sld [smem:$0x3FB3]  }
0x2f: {  	lr =	sadd.s32 s0, s3;
	s0 =	sld [smem:$0x3FAA]  }
0x30: {  	s3 =	sld [smem:$0x3FAD]  }
0x31: {  	[smem:$0x3FB6] =	sst s10  }
0x32: {  	s10 =	sld [smem:$0x3FB4];
	_ =	sdelay $0x3  }
0x33: {  	p0 =	seq.s32 s10, $0x1;
	s10 =	sld [smem:$0x3FB6];
	_ =	sdelay $0x3  }
0x34: {  	[smem:$0x3FB6] =	sst s10  }
0x35: {  	s10 =	sld [smem:$0x3FB5];
	_ =	sdelay $0x3  }
0x36: {  	p1 =	seq.s32 s10, $0x1;
	s10 =	sld [smem:$0x3FB6];
	_ =	sdelay $0x3  }
0x37: {  	[smem:$0x3FB6] =	sst s10  }
0x38: {  	s10 =	sld [smem:$0x3FB7]  }
0x39: {  	_ = 	snop;
	(pc) =	sbr.ind lr, $3  }
0x3a: {  	_ = 	snop  }
0x3b: {  	_ = 	snop  }
0x3c: {  	p2 =	seq.s32 s10, $0x1;
	s10 =	sld [smem:$0x3FB6]  }
0x3d: {  	_ =	shalt  }
0x3e: {  	_ =	shalt  }
0x3f: {  	_ =	shalt  }
0x40: {  	_ =	shalt  }
0x41: {  	_ =	shalt  }
0x42: {  	_ =	shalt  }
0x43: {  	_ =	shalt  }
0x44: {  	_ =	shalt  }
0x45: {  	_ =	shalt  }
0x46: {  	_ =	shalt  }
0x47: {  	_ =	shalt  }
0x48: {  	_ =	shalt  }
0x49: {  	_ =	shalt  }
0x4a: {  	_ =	shalt  }
0x4b: {  	_ =	shalt  }
0x4c: {  	_ =	shalt  }
0x4d: {  	_ =	shalt  }
0x4e: {  	_ =	shalt  }
0x4f: {  	_ =	shalt  }
0x50: {  	_ =	shalt  }
0x51: {  	_ =	shalt  }
0x52: {  	_ =	shalt  }
0x53: {  	_ =	shalt  }
0x54: {  	_ =	shalt  }
0x55: {  	_ =	shalt  }
0x56: {  	_ =	shalt  }
0x57: {  	_ =	shalt  }
0x58: {  	_ =	shalt  }
0x59: {  	_ =	shalt  }
0x5a: {  	_ =	shalt  }
0x5b: {  	_ =	shalt  }
0x5c: {  	_ =	shalt  }
0x5d: {  	_ =	shalt  }
0x5e: {  	_ =	shalt  }
0x5f: {  	_ =	shalt  }
0x60: {  	_ =	shalt  }
0x61: {  	_ =	shalt  }
0x62: {  	_ =	shalt  }
0x63: {  	_ =	shalt  }
0x64: {  	_ =	shalt  }
0x65: {  	_ =	shalt  }
0x66: {  	_ =	shalt  }
0x67: {  	_ =	shalt  }
0x68: {  	_ =	shalt  }
0x69: {  	_ =	shalt  }
0x6a: {  	_ =	shalt  }
0x6b: {  	_ =	shalt  }
0x6c: {  	_ =	shalt  }
0x6d: {  	_ =	shalt  }
0x6e: {  	_ =	shalt  }
0x6f: {  	_ =	shalt  }
0x70: {  	_ =	shalt  }
0x71: {  	_ =	shalt  }
0x72: {  	_ =	shalt  }
0x73: {  	_ =	shalt  }
0x74: {  	_ =	shalt  }
0x75: {  	_ =	shalt  }
0x76: {  	_ =	shalt  }
0x77: {  	_ =	shalt  }
0x78: {  	_ =	shalt  }
0x79: {  	_ =	shalt  }
0x7a: {  	_ =	shalt  }
0x7b: {  	_ =	shalt  }
0x7c: {  	_ =	shalt  }
0x7d: {  	_ =	shalt  }
0x7e: {  	_ =	shalt  }
0x7f: {  	_ =	shalt  }
0x80: {  	_ =	shalt  }
0x81: {  	_ =	shalt  }
0x82: {  	_ =	shalt  }
0x83: {  	_ =	shalt  }
0x84: {  	_ =	shalt  }
0x85: {  	_ =	shalt  }
0x86: {  	_ =	shalt  }
0x87: {  	_ =	shalt  }
.Lfunc_end0:
.L_simem_size_0:
called_computation_lowered:
.L_overlay_start_0:
0x88: {  	s2 =	sld [smem:$0x3FD9]  }
0x89: {  	s3 =	sld [smem:$0x3FFE];
	_ =	sdelay $0x1  }
0x8a: {  	s1 =	srdreg.scid  }
0x8b: {  	s0 =	sand.u32 $0x1, s1  }
0x8c: {  	s16 =	sshll.u32 s0, $0xA;
	s2 =	sadd.s32 s3, s2  }
0x8d: {  	s2 =	sadd.s32 s2, s16  }
0x8e: {  	[smem:$0x3FC2] =	sst s2  }
0x8f: {  	_ = 	snop  }
0x90: {  	(tm) =	ssettm $0x1  }
0x91: {  	s17 =	sld [smem:$0x3FFB];
	_ =	sdelay $0x3  }
0x92: {  	_ =	strace s17  }
0x93: {  	s2 =	sld [smem:$0x3FFC];
	_ =	sdelay $0x3  }
0x94: {  	_ =	strace s2  }
0x95: {  	s2 =	sld [smem:$0x3FFD];
	_ =	sdelay $0x3  }
0x96: {  	_ =	strace s2  }
0x97: {  	_ =	strace $0x8FFFFFFF  }
0x98: {  	s18 =	sld [smem:$0x3FDB];
	_ =	sdelay $0x1  }
0x99: {  	s19 =	simm.s32 $_scs_section_size  }
0x9a: {  	s4 =	simm.s32 $_size__tile_overlayer_lowered;
	s5 =	simm.s32 $_tile_overlayer_lowered  }
0x9b: {  	s22 =	simm.s32 $0x1BFF;
	s21 =	sshll.u32 s5, $0x1;
	s2 =	sadd.s32 s19, s18  }
0x9c: {  	s6 =	simm.s32 $0x0;
	s20 =	sshll.u32 s4, $0x1;
	s4 =	sadd.s32 s21, s2  }
0x9d: {  	[timem:s6], [sflag:s22] =	dma.local [hbm:s4], s20  }
0x9e: {  	_ =	swait.ge [sflag:s22], s20  }
0x9f: {  	s3 =	ssub.s32 $0x0, s20;
	[sflag:s22] =	ssyncset.done $0x0  }
0xa0: {  	[sflag:s22] =	ssyncadd.s32 s3;
	_ =	sdelay $0x1  }
0xa1: {  	s23 =	simm.s32 $0x1B8B  }
0xa2: {  	_ =	swait.ge [sflag:s23], $0x1  }
0xa3: {  	[sflag:s23] =	ssyncset.done $0x0  }
0xa4: {  	s25 =	simm.s32 $0x1B8E;
	s24 =	sld [smem:$0x3FFE];
	[sflag:s23] =	ssyncadd.s32 $0xFFFFFFFF  }
0xa5: {  	s26 =	simm.s32 $execute0_lowered;
	[smem:$0x3FD2] =	sst s25  }
0xa6: {  	s4 =	sshll.u32 s26, $0x1;
	_ =	strace $0x80000046;
	[dreg:$0x1] =	wrdreg $0xFFFFFFFF  }
0xa7: {  	s28 =	simm.s32 $_size_execute0_lowered;
	s2 =	sadd.s32 s2, s4;
	[dreg:$0x0] =	wrdreg $0x0  }
0xa8: {  	s4 =	sshll.u32 s28, $0x1;
	[dreg:$0x2] =	wrdreg s2  }
0xa9: {  	[dreg:$0x3] =	wrdreg s4  }
0xaa: {  	[dreg:$0x4] =	wrdreg $0xC0  }
0xab: {  	_ =	task [dreg:s6], $0x5FFFF  }
0xac: {  	[dreg:$0x1] =	wrdreg $0xFFFFFFFF  }
0xad: {  	[dreg:$0x0] =	wrdreg $0x60  }
0xae: {  	[dreg:$0x2] =	wrdreg s24  }
0xaf: {  	[dreg:$0x3] =	wrdreg $0x9  }
0xb0: {  	_ =	task.clear_ibuf [dreg:s6], $0x4FFFF;
	_ =	strace $0x90000046  }
0xb1: {  	s29 =	simm.s32 $0x9;
	_ =	strace $0x80000048  }
0xb2: {  	_ =	swait.ge [sflag:s29], $0x1  }
0xb3: {  	[sflag:s29] =	ssyncadd.s32 $0xFFFFFFFF  }
0xb4: {  	_ =	strace $0x90000048  }
0xb5: {  	_ =	sfence  }
0xb6: {  	s30 =	sld [smem:$0x0];
	_ =	sdelay $0x2  }
0xb7: {  	s31 =	sshll.u32 s1, $0xD;
	s1 =	sshrl.u32 s1, $0x2  }
0xb8: {  	s3 =	sand.u32 $0x4000, s31;
	s1 =	sadd.s32 s1, s30  }
0xb9: {  	s0 =	sor.u32 s3, s0;
	s1 =	sshll.u32 s1, $0x11  }
0xba: {  	s0 =	sor.u32 s1, s0  }
0xbb: {  	s0 =	sadd.s32 $0x8F2B, s0  }
0xbc: {  	[sflag:s0] =	ssyncadd.remote.s32 $0x1  }
0xbd: {  	_ =	sfence.sel $0xFFFF  }
0xbe: {  	[dreg:$0x0] =	wrdreg $0xFFFFFFFF;
	(pc) =	sbr.abs _section_cstart, $3  }
0xbf: {  	[dreg:$0x1] =	wrdreg $0xFFFFFFFF  }
0xc0: {  	_ =	task.clear_ibuf [dreg:s6], $0x2FFFF;
	_ =	strace $0x9FFFFFFF  }
0xc1: {  	(tm) =	ssettm $0x7FFFFFFF  }
tec
execute0_lowered:
.L_overlay_start_1:
0x0: {  	(tag) =	ssettag $0x1  }
0x1: {  	v0 =	vimm.s32 $0xEDCBA987;
	v1 =	vimm.s32 $0x65432100  }
0x2: {  	s9 =	rddreg [dreg:$0x0];
	v2 =	vimm.s32 $0xDCBA9876;
	v3 =	vimm.s32 $0x54321000;
	v4 =	vimm.s32 $0xBA987654  }
0x3: {  	s0 =	rddreg [dreg:$0x1];
	v5 =	vimm.s32 $0xE40000;
	v6 =	vimm.s32 $0x32100000;
	vm0 =	vmmov $0x3  }
0x4: {  	s1 =	simm.s32 $0x0;
	s6 =	srdreg.scid;
	s4 =	stileid.u32;
	vm2 =	vcmask $0x3F30;
	vm1 =	vmmov $0xf;
	v0 =	vunpack.c.l.s4.s8 v0  }
0x5: {  	s13 =	simm.s32 $0x80;
	s14 =	simm.s32 $0x400;
	s15 =	simm.s32 $0x1;
	v1 =	vunpack.c.l.s4.s8 v1;
	v2 =	vunpack.c.l.s4.s8 v2;
	v5 =	vunpack.c.l.s2.s4 v5  }
0x6: {  	s16 =	simm.s32 $0x800;
	s17 =	simm.s32 $0xC00;
	s18 =	simm.s32 $0x1000;
	v3 =	vunpack.c.l.s4.s8 v3;
	v4 =	vunpack.c.l.s4.s8 v4;
	v6 =	vunpack.c.l.s4.s8 v6  }
0x7: {  	s19 =	simm.s32 $0x1400;
	s20 =	simm.s32 $0x0;
	[smem:$0x7FF] =	sst s1;
	v0 =	vunpack.c.0.s8.s32 v0;
	v2 =	vunpack.c.0.s8.s32 v2;
	v5 =	vunpack.c.l.s4.s8 v5  }
0x8: {  	s2 =	sadd.s32 $0x7600, s9;
	s3 =	sadd.s32 $0x5600, s9;
	s5 =	sadd.s32 $0x3600, s9;
	v1 =	vunpack.c.0.s8.s32 v1;
	v3 =	vunpack.c.0.s8.s32 v3;
	v4 =	vunpack.c.0.s8.s32 v4  }
0x9: {  	s10 =	sand.u32 $0x1, s6;
	s6 =	sadd.s32 $0x9600, s9;
	s7 =	sshll.u32 s4, $0x1;
	v0 =	vand.u32 $0xF, v0;
	v2 =	vand.u32 $0xF, v2;
	v5 =	vunpack.c.0.s8.s32 v5  }
0xa: {  	s8 =	sadd.s32 $0xB600, s9;
	s11 =	sshll.u32 s10, $0x5;
	s10 =	ssub.s32 $0x2, s10;
	v2 =	vcombine.low v3, v2;
	v3 =	vunpack.c.0.s8.s32 v6;
	v6 =	vimm.s32 $0x7060504  }
0xb: {  	s9 =	sadd.s32 $0xD600, s9;
	s11 =	sor.u32 s7, s11;
	s12 =	sshrl.u32 s10, $0x1;
	v4 =	vand.u32 $0xF, v4;
	v0 =	vcombine.low v1, v0;
	v6 =	vunpack.c.0.s8.s32 v6  }
0xc: {  	_ =	strace $0x80000047;
	s11 =	sshrl.u32 s11, $0x3;
	s12 =	ssub.s32 s10, s12;
	v1 =	vimm.s32 $0x0;
	v5 =	vand.u32 $0x3, v5;
	v3 =	vcombine.low v3, v4  }
0xd: {  	s10 =	sshll.u32 s11, $0xD;
	s11 =	sshll.u32 s11, $0xA;
	s12 =	smax.u32 s12, $0x1;
	v4 =	vlaneseq.u32;
	v5 =	vsel vm2, v6, v5;
	vm2 =	vmmov $0xff  }
.LBB2_1:
0xe: {  	p1 =	por $0x1, $0x1;
	s23 =	simm.s32 $0x0  }
.LBB2_2:
0xf: {  	s21 =	sor.u32 s7, s23  }
0x10: {  	s21 =	sshll.u32 s21, $0x7  }
0x11: {  	s21 =	sand.u32 $0x380, s21  }
0x12: {  	s22 =	sor.u32 s10, s21  }
0x13: {  	s22 =	sshrl.u32 s22, $0x3  }
0x14: {  	s24 =	simm.s32 $0x0;
	s29 =	sadd.s32 s2, s22  }
0x15: {  	[tilespmem:s24], [sflag:$0x1] =	stream.strided.gather [hbm4b:s29+s13], $0x400, s14, s13, $0x38;
	[tilespmem:$0x1480] =	vst v63  }
0x16: {  	_ =	swait.ge [sflag:s15], $0x400  }
0x17: {  	[sflag:s15] =	ssyncset.done $0x0  }
0x18: {  	s30 =	sadd.s32 s3, s22;
	[sflag:s15] =	ssyncadd.s32 $0xFFFFFC00  }
0x19: {  	[tilespmem:s14], [sflag:$0x1] =	stream.strided.gather [hbm4b:s30+s13], $0x400, s14, s13, $0x38;
	[tilespmem:$0x1480] =	vst v63  }
0x1a: {  	_ =	swait.ge [sflag:s15], $0x400  }
0x1b: {  	[sflag:s15] =	ssyncset.done $0x0  }
0x1c: {  	s31 =	sadd.s32 s5, s22;
	[sflag:s15] =	ssyncadd.s32 $0xFFFFFC00  }
0x1d: {  	[tilespmem:s16], [sflag:$0x1] =	stream.strided.gather [hbm4b:s31+s13], $0x400, s14, s13, $0x38;
	[tilespmem:$0x1480] =	vst v63  }
0x1e: {  	_ =	swait.ge [sflag:s15], $0x400  }
0x1f: {  	p0 =	por p1, p1;
	[sflag:s15] =	ssyncset.done $0x0  }
0x20: {  	v6 =	vimm.s32 $0x0;
	s23 =	simm.s32 $0x0;
	v7 =	vimm.s32 $0x0;
	s24 =	simm.s32 $0x40;
	[sflag:s15] =	ssyncadd.s32 $0xFFFFFC00  }
.LBB2_3:
0x21: {  	p1 =	sne.s32 s24, $0xFC0;
	v8 =	vld [tilespmem:s23+$0x800]  }
0x22: {  	v9 =	vld [tilespmem:s23+$0x0];
	_ =	sdelay $0x3  }
0x23: {  	vm4 =	vgt.f32 v8, $0.0e+00  }
0x24: {  	v8 =	vsel vm4, $0x1, v1;
	v10 =	vmpcnt.ones.xlane vm4  }
0x25: {  	v11 =	vperm.xlane v8, v0  }
0x26: {  	vm3 =	veq.s32 v4, $0x0;
	v6 =	vadd.s32 v6, v10  }
0x27: {  	v10 =	vsel vm3, $0x0, v11  }
0x28: {  	v8 =	vadd.s32 v8, v10  }
0x29: {  	v10 =	vperm.xlane v8, v2;
	_ =	sdelay $0x1  }
0x2a: {  	v10 =	vsel vm0, $0x0, v10  }
0x2b: {  	v8 =	vadd.s32 v10, v8  }
0x2c: {  	v10 =	vperm.xlane v8, v3;
	_ =	sdelay $0x1  }
0x2d: {  	v10 =	vsel vm1, $0x0, v10  }
0x2e: {  	v8 =	vadd.s32 v10, v8  }
0x2f: {  	v10 =	vperm.xlane v8, v5;
	_ =	sdelay $0x1  }
0x30: {  	v10 =	vsel vm2, $0x0, v10  }
0x31: {  	v10 =	vadd.s32 v10, v7;
	v7 =	vmov v6  }
0x32: {  	v8 =	vadd.s32 v8, v10  }
0x33: {  	v8 =	vadd.s32 $0xFFFFFFFF, v8;
	_ =	sdelay $0x4  }
0x34: {  	[tilespmem:v8+s17+$0x0] =	vst.idx.msk vm4, v9  }
0x35: {  	v9 =	vld [tilespmem:s23+$0x400]  }
.Ltmp0:
0x36: {  	(pc) =	sbr.rel @p1 .LBB2_3-.Ltmp0, $2  }
0x37: {  	_ =	sdelay $0x2  }
0x38: {  	s23 =	sshra.s32 s24, $0x2;
	s24 =	sadd.s32 $0x40, s24;
	[tilespmem:v8+s18+$0x0] =	vst.idx.msk vm4, v9  }
0x39: {  	v8 =	vld [tilespmem:s23+$0x800];
	_ =	sdelay $0x4  }
0x3a: {  	vm4 =	vgt.f32 v8, $0.0e+00  }
0x3b: {  	v8 =	vsel vm4, $0x1, v1  }
0x3c: {  	v9 =	vperm.xlane v8, v0;
	_ =	sdelay $0x1  }
0x3d: {  	v9 =	vsel vm3, $0x0, v9  }
0x3e: {  	v8 =	vadd.s32 v8, v9  }
0x3f: {  	v9 =	vperm.xlane v8, v2;
	_ =	sdelay $0x1  }
0x40: {  	v9 =	vsel vm0, $0x0, v9  }
0x41: {  	v8 =	vadd.s32 v9, v8  }
0x42: {  	v9 =	vperm.xlane v8, v3;
	_ =	sdelay $0x1  }
0x43: {  	v9 =	vsel vm1, $0x0, v9  }
0x44: {  	v8 =	vadd.s32 v9, v8  }
0x45: {  	v9 =	vperm.xlane v8, v5;
	_ =	sdelay $0x1  }
0x46: {  	v9 =	vsel vm2, $0x0, v9  }
0x47: {  	v7 =	vadd.s32 v9, v7  }
0x48: {  	v7 =	vadd.s32 v8, v7  }
0x49: {  	v62 =	vld [tilespmem:s23+$0x0];
	v7 =	vadd.s32 $0xFFFFFFFF, v7;
	_ =	sdelay $0x4  }
0x4a: {  	[tilespmem:v7+s17+$0x0] =	vst.idx.msk vm4, v62  }
0x4b: {  	v8 =	vld [tilespmem:s23+$0x400];
	_ =	sdelay $0x2  }
0x4c: {  	v63 =	vmpcnt.ones.xlane vm4;
	_ =	sdelay $0x1  }
0x4d: {  	v6 =	vadd.s32 v6, v63;
	[tilespmem:v7+s18+$0x0] =	vst.idx.msk vm4, v8  }
0x4e: {  	s30 =	sadd.s32 s6, s22;
	s23 =	simm.s32 $0x1;
	[tilespmem:$0x1400] =	vst v6  }
0x4f: {  	[hbm4b:s30+s13] =	stream.strided.scatter [tilespmem:s17], [sflag:$0x1], $0x400, s14, s13, $0x38;
	[tilespmem:$0x1480] =	vst v63  }
0x50: {  	_ =	swait.ge [sflag:s23], $0x400  }
0x51: {  	[sflag:s23] =	ssyncset.done $0x0  }
0x52: {  	s31 =	sadd.s32 s8, s22;
	[sflag:s23] =	ssyncadd.s32 $0xFFFFFC00  }
0x53: {  	[hbm4b:s31+s13] =	stream.strided.scatter [tilespmem:s18], [sflag:$0x1], $0x400, s14, s13, $0x38;
	[tilespmem:$0x1480] =	vst v63  }
0x54: {  	s21 =	sor.u32 s11, s21;
	_ =	swait.ge [sflag:s23], $0x400  }
0x55: {  	s21 =	sshrl.u32 s21, $0x3;
	[sflag:s23] =	ssyncset.done $0x0  }
.Ltmp1:
0x56: {  	s21 =	sadd.s32 s9, s21;
	[sflag:s23] =	ssyncadd.s32 $0xFFFFFC00;
	(pc) =	sbr.rel @p0 .LBB2_2-.Ltmp1, $4  }
0x57: {  	[hbm4b:s21+s1] =	stream.linear.scatter [tilespmem:s19], [sflag:$0x1], $0x80, $0x38;
	[tilespmem:$0x1480] =	vst v63  }
0x58: {  	_ =	swait.ge [sflag:s23], $0x80  }
0x59: {  	[sflag:s23] =	ssyncset.done $0x0  }
0x5a: {  	p1 =	por $0x0, $0x0;
	[sflag:s23] =	ssyncadd.s32 $0xFFFFFF80  }
0x5b: {  	s20 =	sadd.s32 $0x1, s20  }
0x5c: {  	p0 =	sne.s32 s20, s12  }
.Ltmp2:
0x5d: {  	_ = 	snop;
	(pc) =	sbr.rel @p0 .LBB2_1-.Ltmp2, $1  }
0x5e: {  	_ =	sdelay $0x3  }
0x5f: {  	_ =	sfence.sel $0x180000  }
0x60: {  	[bflag:$0x0] =	sbarrier.arrive $0xFFFF  }
0x61: {  	p0 =	sne.s32 s4, $0x0;
	_ =	strace $0x90000047  }
0x62: {  	s0 =	sadd.s32 @!p0 $0x100000, s0;
	[bflag:$0x2] =	sbarrier.arrive $0xFFFF  }
0x63: {  	[sflag:s0] =	ssyncadd.tile.s32 @!p0 $0x1;
	_ =	shalt  }
.Lfunc_end2:
_tile_overlayer_lowered:
.L_overlay_start_2:
0x64: {  	(tag) =	ssettag $0x2  }
0x65: {  	s0 =	rddreg [dreg:$0x0];
	s2 =	stileid.u32  }
0x66: {  	s1 =	rddreg [dreg:$0x1];
	p0 =	sne.s32 s2, $0x0  }
0x67: {  	s3 =	rddreg [dreg:$0x2];
	[bflag:$0x3] =	sbarrier.arrive $0xFFFF;
	s2 =	simm.s32 @!p0 $0x1C01  }
0x68: {  	[timem:s3], [sflag:s2] =	dma.local @!p0 [hbm:s0], s1  }
0x69: {  	s0 =	simm.s32 @!p0 $0x1  }
0x6a: {  	_ =	swait.ge @!p0 [sflag:s0], s1  }
0x6b: {  	s1 =	ssub.s32 @!p0 $0x0, s1;
	[sflag:s0] =	ssyncset.done @!p0 $0x0  }
0x6c: {  	[sflag:s0] =	ssyncadd.s32 @!p0 s1  }
0x6d: {  	[bflag:$0x3] =	sbarrier.arrive $0xFFFF  }
0x6e: {  	_ =	shalt  }

// kernel: kernel.9.cloned.1.call-start
scs
__scs_entry_jumppad:
0x0: {  	(pc) =	sbr.rel $0x88, $3  }
0x1: {  	(tag) =	ssettag $0x0;
	lr =	simm.s32 $0x1  }
0x2: {  	[smem:$0x3F9B] =	sst lr;
	_ =	strace $0xD0000000  }
0x3: {  	_ = 	snop  }
0x4: {  	_ = 	snop  }
0x5: {  	_ = 	snop  }
0x6: {  	_ = 	snop  }
0x7: {  	_ = 	snop  }
__scs_overlays_trampoline_lowered:
0x8: {  	[smem:$0x3FAA] =	sst s0  }
0x9: {  	[smem:$0x3FAB] =	sst s1  }
0xa: {  	[smem:$0x3FAC] =	sst s2  }
0xb: {  	[smem:$0x3FAD] =	sst s3  }
0xc: {  	[smem:$0x3FAE] =	sst s4  }
0xd: {  	[smem:$0x3FAF] =	sst s5  }
0xe: {  	[smem:$0x3FB0] =	sst s6  }
0xf: {  	[smem:$0x3FB1] =	sst s7  }
0x10: {  	[smem:$0x3FB2] =	sst s8  }
0x11: {  	[smem:$0x3FB3] =	sst s9;
	s0 =	simm.s32 @!p0 $0x0  }
0x12: {  	s1 =	sld [smem:$0x3F99];
	s0 =	simm.s32 @p0 $0x1  }
0x13: {  	[smem:$0x3FB4] =	sst s0;
	s0 =	simm.s32 @!p1 $0x0  }
0x14: {  	s2 =	sld [smem:$0x3F98];
	s0 =	simm.s32 @p1 $0x1  }
0x15: {  	[smem:$0x3FB5] =	sst s0;
	s0 =	simm.s32 @!p2 $0x0  }
0x16: {  	s3 =	sld [smem:$0x3FDB];
	s0 =	simm.s32 @p2 $0x1  }
0x17: {  	s4 =	simm.s32 $0x1BF5;
	[smem:$0x3FB7] =	sst s0  }
0x18: {  	s0 =	sld [smem:$0x3F9A];
	_ =	swait.ge [sflag:s4], $0x0  }
0x19: {  	s7 =	sld [smem:$0x3F9B]  }
0x1a: {  	s8 =	sadd.s32 $0xFFFFE003, lr  }
0x1b: {  	s9 =	sadd.s32 $0xFFFFFEF7, lr;
	s5 =	simm.s32 $0xFFFFFFFF;
	p2 =	slt.u32 s8, $0xFFFFF086  }
0x1c: {  	p1 =	slt.u32 s9, $0xF7A;
	s5 =	simm.s32 @!p2 $0x0  }
0x1d: {  	s5 =	simm.s32 @p1 $0x1;
	p0 =	seq.s32 s7, s2  }
0x1e: {  	s7 =	smul.u32 @!p0 $0xF7A, s2;
	p2 =	seq.s32 @!p0 s5, $0x0  }
0x1f: {  	s9 =	smul.u32 $0xF7A, s1;
	s8 =	simm.s32 @!p0 $0x1BF5;
	p2 =	por !p2, p0  }
0x20: {  	[sflag:s8] =	ssyncset.s32 @!p0 $0xFFFFF086;
	s6 =	sadd.s32 @!p0 s3, s7;
	s7 =	simm.s32 @!p0 $0x108  }
0x21: {  	s3 =	sadd.s32 s3, s9;
	s6 =	sadd.s32 @!p0 $0x88, s6;
	s7 =	simm.s32 @p2 $0x1082  }
0x22: {  	[simem:s7], [sflag:s8] =	dma.local @!p0 [hbm:s6], $0xF7A  }
0x23: {  	s9 =	sor.u32 $0xD0000000, s2;
	s6 =	simm.s32 $0x108;
	_ =	swait.ge @!p0 [sflag:s8], $0x0  }
0x24: {  	s3 =	sadd.s32 $0x88, s3;
	s6 =	simm.s32 @!p1 $0x1082;
	[sflag:s4] =	ssyncset.s32 $0xFFFFF086  }
0x25: {  	[simem:s6], [sflag:s4] =	dma.local [hbm:s3], $0xF7A  }
0x26: {  	[smem:$0x3F9B] =	sst s1;
	(tag) =	ssettag s2;
	_ =	strace s9  }
0x27: {  	s1 =	sld [smem:$0x3FAB]  }
0x28: {  	s2 =	sld [smem:$0x3FAC]  }
0x29: {  	s4 =	sld [smem:$0x3FAE]  }
0x2a: {  	p0 =	seq.s32 s5, $0x0;
	s5 =	sld [smem:$0x3FAF]  }
0x2b: {  	s6 =	sld [smem:$0x3FB0]  }
0x2c: {  	s7 =	sld [smem:$0x3FB1]  }
0x2d: {  	s3 =	simm.s32 $0x108;
	s8 =	sld [smem:$0x3FB2]  }
0x2e: {  	s3 =	simm.s32 @!p0 $0x1082;
	s9 =	sld [smem:$0x3FB3]  }
0x2f: {  	lr =	sadd.s32 s0, s3;
	s0 =	sld [smem:$0x3FAA]  }
0x30: {  	s3 =	sld [smem:$0x3FAD]  }
0x31: {  	[smem:$0x3FB6] =	sst s10  }
0x32: {  	s10 =	sld [smem:$0x3FB4];
	_ =	sdelay $0x3  }
0x33: {  	p0 =	seq.s32 s10, $0x1;
	s10 =	sld [smem:$0x3FB6];
	_ =	sdelay $0x3  }
0x34: {  	[smem:$0x3FB6] =	sst s10  }
0x35: {  	s10 =	sld [smem:$0x3FB5];
	_ =	sdelay $0x3  }
0x36: {  	p1 =	seq.s32 s10, $0x1;
	s10 =	sld [smem:$0x3FB6];
	_ =	sdelay $0x3  }
0x37: {  	[smem:$0x3FB6] =	sst s10  }
0x38: {  	s10 =	sld [smem:$0x3FB7]  }
0x39: {  	_ = 	snop;
	(pc) =	sbr.ind lr, $3  }
0x3a: {  	_ = 	snop  }
0x3b: {  	_ = 	snop  }
0x3c: {  	p2 =	seq.s32 s10, $0x1;
	s10 =	sld [smem:$0x3FB6]  }
0x3d: {  	_ =	shalt  }
0x3e: {  	_ =	shalt  }
0x3f: {  	_ =	shalt  }
0x40: {  	_ =	shalt  }
0x41: {  	_ =	shalt  }
0x42: {  	_ =	shalt  }
0x43: {  	_ =	shalt  }
0x44: {  	_ =	shalt  }
0x45: {  	_ =	shalt  }
0x46: {  	_ =	shalt  }
0x47: {  	_ =	shalt  }
0x48: {  	_ =	shalt  }
0x49: {  	_ =	shalt  }
0x4a: {  	_ =	shalt  }
0x4b: {  	_ =	shalt  }
0x4c: {  	_ =	shalt  }
0x4d: {  	_ =	shalt  }
0x4e: {  	_ =	shalt  }
0x4f: {  	_ =	shalt  }
0x50: {  	_ =	shalt  }
0x51: {  	_ =	shalt  }
0x52: {  	_ =	shalt  }
0x53: {  	_ =	shalt  }
0x54: {  	_ =	shalt  }
0x55: {  	_ =	shalt  }
0x56: {  	_ =	shalt  }
0x57: {  	_ =	shalt  }
0x58: {  	_ =	shalt  }
0x59: {  	_ =	shalt  }
0x5a: {  	_ =	shalt  }
0x5b: {  	_ =	shalt  }
0x5c: {  	_ =	shalt  }
0x5d: {  	_ =	shalt  }
0x5e: {  	_ =	shalt  }
0x5f: {  	_ =	shalt  }
0x60: {  	_ =	shalt  }
0x61: {  	_ =	shalt  }
0x62: {  	_ =	shalt  }
0x63: {  	_ =	shalt  }
0x64: {  	_ =	shalt  }
0x65: {  	_ =	shalt  }
0x66: {  	_ =	shalt  }
0x67: {  	_ =	shalt  }
0x68: {  	_ =	shalt  }
0x69: {  	_ =	shalt  }
0x6a: {  	_ =	shalt  }
0x6b: {  	_ =	shalt  }
0x6c: {  	_ =	shalt  }
0x6d: {  	_ =	shalt  }
0x6e: {  	_ =	shalt  }
0x6f: {  	_ =	shalt  }
0x70: {  	_ =	shalt  }
0x71: {  	_ =	shalt  }
0x72: {  	_ =	shalt  }
0x73: {  	_ =	shalt  }
0x74: {  	_ =	shalt  }
0x75: {  	_ =	shalt  }
0x76: {  	_ =	shalt  }
0x77: {  	_ =	shalt  }
0x78: {  	_ =	shalt  }
0x79: {  	_ =	shalt  }
0x7a: {  	_ =	shalt  }
0x7b: {  	_ =	shalt  }
0x7c: {  	_ =	shalt  }
0x7d: {  	_ =	shalt  }
0x7e: {  	_ =	shalt  }
0x7f: {  	_ =	shalt  }
0x80: {  	_ =	shalt  }
0x81: {  	_ =	shalt  }
0x82: {  	_ =	shalt  }
0x83: {  	_ =	shalt  }
0x84: {  	_ =	shalt  }
0x85: {  	_ =	shalt  }
0x86: {  	_ =	shalt  }
0x87: {  	_ =	shalt  }
.Lfunc_end0:
.L_simem_size_0:
called_computation.1_lowered:
.L_overlay_start_0:
0x88: {  	s2 =	sld [smem:$0x3FD9]  }
0x89: {  	s3 =	sld [smem:$0x3FFE];
	_ =	sdelay $0x1  }
0x8a: {  	s1 =	srdreg.scid  }
0x8b: {  	s0 =	sand.u32 $0x1, s1  }
0x8c: {  	s16 =	sshll.u32 s0, $0xA;
	s2 =	sadd.s32 s3, s2  }
0x8d: {  	s2 =	sadd.s32 s2, s16  }
0x8e: {  	[smem:$0x3FC2] =	sst s2  }
0x8f: {  	_ = 	snop  }
0x90: {  	(tm) =	ssettm $0x1  }
0x91: {  	s17 =	sld [smem:$0x3FFB];
	_ =	sdelay $0x3  }
0x92: {  	_ =	strace s17  }
0x93: {  	s2 =	sld [smem:$0x3FFC];
	_ =	sdelay $0x3  }
0x94: {  	_ =	strace s2  }
0x95: {  	s2 =	sld [smem:$0x3FFD];
	_ =	sdelay $0x3  }
0x96: {  	_ =	strace s2  }
0x97: {  	_ =	strace $0x8FFFFFFF  }
0x98: {  	s18 =	sld [smem:$0x3FDB];
	_ =	sdelay $0x1  }
0x99: {  	s19 =	simm.s32 $_scs_section_size  }
0x9a: {  	s4 =	simm.s32 $_size__tile_overlayer_lowered;
	s5 =	simm.s32 $_tile_overlayer_lowered  }
0x9b: {  	s22 =	simm.s32 $0x1BFF;
	s21 =	sshll.u32 s5, $0x1;
	s2 =	sadd.s32 s19, s18  }
0x9c: {  	s6 =	simm.s32 $0x0;
	s20 =	sshll.u32 s4, $0x1;
	s4 =	sadd.s32 s21, s2  }
0x9d: {  	[timem:s6], [sflag:s22] =	dma.local [hbm:s4], s20  }
0x9e: {  	_ =	swait.ge [sflag:s22], s20  }
0x9f: {  	s3 =	ssub.s32 $0x0, s20;
	[sflag:s22] =	ssyncset.done $0x0  }
0xa0: {  	[sflag:s22] =	ssyncadd.s32 s3;
	_ =	sdelay $0x1  }
0xa1: {  	s23 =	simm.s32 $0x1B8B  }
0xa2: {  	_ =	swait.ge [sflag:s23], $0x1  }
0xa3: {  	[sflag:s23] =	ssyncset.done $0x0  }
0xa4: {  	s25 =	simm.s32 $0x1B8E;
	s24 =	sld [smem:$0x3FFE];
	[sflag:s23] =	ssyncadd.s32 $0xFFFFFFFF  }
0xa5: {  	s26 =	simm.s32 $execute0_lowered;
	[smem:$0x3FD2] =	sst s25  }
0xa6: {  	s4 =	sshll.u32 s26, $0x1;
	_ =	strace $0x80000049;
	[dreg:$0x1] =	wrdreg $0xFFFFFFFF  }
0xa7: {  	s28 =	simm.s32 $_size_execute0_lowered;
	s2 =	sadd.s32 s2, s4;
	[dreg:$0x0] =	wrdreg $0x0  }
0xa8: {  	s4 =	sshll.u32 s28, $0x1;
	[dreg:$0x2] =	wrdreg s2  }
0xa9: {  	[dreg:$0x3] =	wrdreg s4  }
0xaa: {  	[dreg:$0x4] =	wrdreg $0xC0  }
0xab: {  	_ =	task [dreg:s6], $0x5FFFF  }
0xac: {  	[dreg:$0x1] =	wrdreg $0xFFFFFFFF  }
0xad: {  	[dreg:$0x0] =	wrdreg $0x60  }
0xae: {  	[dreg:$0x2] =	wrdreg s24  }
0xaf: {  	[dreg:$0x3] =	wrdreg $0x9  }
0xb0: {  	_ =	task.clear_ibuf [dreg:s6], $0x4FFFF;
	_ =	strace $0x90000049  }
0xb1: {  	s29 =	simm.s32 $0x9;
	_ =	strace $0x8000004B  }
0xb2: {  	_ =	swait.ge [sflag:s29], $0x1  }
0xb3: {  	[sflag:s29] =	ssyncadd.s32 $0xFFFFFFFF  }
0xb4: {  	_ =	strace $0x9000004B  }
0xb5: {  	_ =	sfence  }
0xb6: {  	s30 =	sld [smem:$0x0];
	_ =	sdelay $0x2  }
0xb7: {  	s31 =	sshll.u32 s1, $0xD;
	s1 =	sshrl.u32 s1, $0x2  }
0xb8: {  	s3 =	sand.u32 $0x4000, s31;
	s1 =	sadd.s32 s1, s30  }
0xb9: {  	s0 =	sor.u32 s3, s0;
	s1 =	sshll.u32 s1, $0x11  }
0xba: {  	s0 =	sor.u32 s1, s0  }
0xbb: {  	s0 =	sadd.s32 $0x8F2B, s0  }
0xbc: {  	[sflag:s0] =	ssyncadd.remote.s32 $0x1  }
0xbd: {  	_ =	sfence.sel $0xFFFF  }
0xbe: {  	[dreg:$0x0] =	wrdreg $0xFFFFFFFF;
	(pc) =	sbr.abs _section_cstart, $3  }
0xbf: {  	[dreg:$0x1] =	wrdreg $0xFFFFFFFF  }
0xc0: {  	_ =	task.clear_ibuf [dreg:s6], $0x2FFFF;
	_ =	strace $0x9FFFFFFF  }
0xc1: {  	(tm) =	ssettm $0x7FFFFFFF  }
tec
execute0_lowered:
.L_overlay_start_1:
0x0: {  	(tag) =	ssettag $0x1  }
0x1: {  	s10 =	rddreg [dreg:$0x0]  }
0x2: {  	s0 =	rddreg [dreg:$0x1]  }
0x3: {  	s1 =	simm.s32 $0x0;
	s6 =	srdreg.scid;
	s2 =	stileid.u32  }
0x4: {  	s15 =	simm.s32 $0x400;
	s16 =	simm.s32 $0x1;
	s17 =	simm.s32 $0x800  }
0x5: {  	s18 =	simm.s32 $0x1400;
	s19 =	simm.s32 $0x1480;
	s20 =	simm.s32 $0x0  }
0x6: {  	[smem:$0x7FF] =	sst s1;
	s3 =	sadd.s32 $0x3600, s10;
	s4 =	sadd.s32 $0x5600, s10  }
0x7: {  	s5 =	sadd.s32 $0x7600, s10;
	s9 =	sand.u32 $0x1, s6;
	s6 =	sadd.s32 $0x9600, s10  }
0x8: {  	s7 =	sshll.u32 s2, $0x1;
	s8 =	sadd.s32 $0xB600, s10;
	s11 =	sshll.u32 s9, $0x5  }
0x9: {  	_ =	strace $0x8000004A;
	s12 =	ssub.s32 $0x2, s9;
	s11 =	sor.u32 s7, s11  }
0xa: {  	s9 =	sadd.s32 $0xD600, s10;
	s13 =	sshrl.u32 s12, $0x1;
	s14 =	sshrl.u32 s11, $0x3  }
0xb: {  	s10 =	sadd.s32 $0xDA00, s10;
	s13 =	ssub.s32 s12, s13;
	s11 =	sshll.u32 s14, $0xD  }
0xc: {  	v0 =	vlaneseq.u32;
	s12 =	sshll.u32 s14, $0xA;
	s13 =	smax.u32 s13, $0x1;
	s14 =	simm.s32 $0x80  }
.LBB2_1:
0xd: {  	p1 =	por $0x1, $0x1;
	s21 =	simm.s32 $0x0  }
.LBB2_2:
0xe: {  	s21 =	sor.u32 s7, s21  }
0xf: {  	s21 =	sshll.u32 s21, $0x7  }
0x10: {  	s21 =	sand.u32 $0x380, s21  }
0x11: {  	s22 =	sor.u32 s11, s21  }
0x12: {  	s22 =	sshrl.u32 s22, $0x3  }
0x13: {  	s24 =	simm.s32 $0x0;
	s23 =	sadd.s32 s3, s22  }
0x14: {  	[tilespmem:s24], [sflag:$0x1] =	stream.strided.gather [hbm4b:s23+s14], $0x400, s15, s14, $0x38;
	[tilespmem:$0x1500] =	vst v63  }
0x15: {  	_ =	swait.ge [sflag:s16], $0x400  }
0x16: {  	[sflag:s16] =	ssyncset.done $0x0  }
0x17: {  	s25 =	sadd.s32 s4, s22;
	[sflag:s16] =	ssyncadd.s32 $0xFFFFFC00  }
0x18: {  	[tilespmem:s15], [sflag:$0x1] =	stream.strided.gather [hbm4b:s25+s14], $0x400, s15, s14, $0x38;
	[tilespmem:$0x1500] =	vst v63  }
0x19: {  	_ =	swait.ge [sflag:s16], $0x400  }
0x1a: {  	[sflag:s16] =	ssyncset.done $0x0  }
0x1b: {  	s26 =	sadd.s32 s5, s22;
	[sflag:s16] =	ssyncadd.s32 $0xFFFFFC00  }
0x1c: {  	[tilespmem:s17], [sflag:$0x1] =	stream.strided.gather [hbm4b:s26+s14], $0x400, s15, s14, $0x38;
	[tilespmem:$0x1500] =	vst v63  }
0x1d: {  	_ =	swait.ge [sflag:s16], $0x400  }
0x1e: {  	[sflag:s16] =	ssyncset.done $0x0  }
0x1f: {  	s30 =	sadd.s32 s6, s22;
	s25 =	simm.s32 $0xC00;
	[sflag:s16] =	ssyncadd.s32 $0xFFFFFC00  }
0x20: {  	[tilespmem:s25], [sflag:$0x1] =	stream.strided.gather [hbm4b:s30+s14], $0x400, s15, s14, $0x38;
	[tilespmem:$0x1500] =	vst v63  }
0x21: {  	_ =	swait.ge [sflag:s16], $0x400  }
0x22: {  	[sflag:s16] =	ssyncset.done $0x0  }
0x23: {  	s22 =	sadd.s32 s8, s22;
	s26 =	simm.s32 $0x1000;
	[sflag:s16] =	ssyncadd.s32 $0xFFFFFC00  }
0x24: {  	[tilespmem:s26], [sflag:$0x1] =	stream.strided.gather [hbm4b:s22+s14], $0x400, s15, s14, $0x38;
	[tilespmem:$0x1500] =	vst v63  }
0x25: {  	s21 =	sor.u32 s12, s21;
	_ =	swait.ge [sflag:s16], $0x400  }
0x26: {  	s21 =	sshrl.u32 s21, $0x3;
	[sflag:s16] =	ssyncset.done $0x0  }
0x27: {  	s31 =	sadd.s32 s9, s21;
	[sflag:s16] =	ssyncadd.s32 $0xFFFFFC00  }
0x28: {  	[tilespmem:s18], [sflag:$0x1] =	stream.linear.gather [hbm4b:s31+s24], $0x80, $0x38;
	[tilespmem:$0x1500] =	vst v63  }
0x29: {  	_ =	swait.ge [sflag:s16], $0x80  }
0x2a: {  	[sflag:s16] =	ssyncset.done $0x0  }
0x2b: {  	[sflag:s16] =	ssyncadd.s32 $0xFFFFFF80  }
0x2c: {  	v1 =	vld [tilespmem:s24+$0x0];
	_ =	sdelay $0x4  }
0x2d: {  	v1 =	vmax.f32 v1, $0.0e+00  }
0x2e: {  	v1 =	vmin.f32 v1, $1.023000000e+03  }
0x2f: {  	v1 =	vtrunc.f32 v1  }
0x30: {  	v1 =	vcvt.f32.s32 v1;
	_ =	sdelay $0x1  }
0x31: {  	s23 =	simm.s32 $0x10  }
0x32: {  	v2 =	vld [tilespmem:s23+$0x0]  }
0x33: {  	v3 =	vld [tilespmem:s25+$0x0]  }
0x34: {  	v4 =	vld [tilespmem:s26+$0x0]  }
0x35: {  	v5 =	vld.idx.msk [tilespmem:v1+s15+$0x0], $0xffff  }
0x36: {  	v1 =	vld.idx.msk [tilespmem:v1+s17+$0x0], $0xffff  }
0x37: {  	v2 =	vmax.f32 v2, $0.0e+00  }
0x38: {  	v2 =	vmin.f32 v2, $1.023000000e+03  }
0x39: {  	v6 =	vadd.f32 $1.000000000e+00, v3;
	v2 =	vtrunc.f32 v2  }
0x3a: {  	s22 =	simm.s32 $0x20;
	v4 =	vadd.f32 $1.000000000e+00, v4;
	v3 =	vcvt.f32.s32 v2  }
0x3b: {  	s26 =	simm.s32 $0xC10;
	v7 =	vmul.f32 $5.000000000e-01, v6;
	v6 =	vld [tilespmem:s22+$0x0];
	v2 =	vadd.f32 $1.000000000e+00, v5;
	v5 =	vadd.f32 $1.000000000e+00, v1  }
0x3c: {  	s25 =	simm.s32 $0x1010;
	v8 =	vmul.f32 $5.000000000e-01, v4;
	v4 =	vld [tilespmem:s26+$0x0]  }
0x3d: {  	v9 =	vmul.f32 $5.000000000e-01, v2;
	v10 =	vmul.f32 $5.000000000e-01, v5;
	v5 =	vld [tilespmem:s25+$0x0]  }
0x3e: {  	v7 =	vmul.f32 $2.550000000e+02, v7;
	v8 =	vmul.f32 $2.550000000e+02, v8  }
0x3f: {  	p0 =	por p1, p1;
	s28 =	simm.s32 $0x30;
	s29 =	simm.s32 $0x20;
	v1 =	vld [tilespmem:$0x1400];
	v2 =	vimm.f32 $0.0e+00;
	v9 =	vmul.f32 $2.550000000e+02, v9;
	v10 =	vmul.f32 $2.550000000e+02, v10  }
.LBB2_3:
0x40: {  	p1 =	sne.s32 s28, $0x3F0;
	v6 =	vmax.f32 v6, $0.0e+00;
	v11 =	vld.idx.msk [tilespmem:v3+s15+$0x0], $0xffff;
	v12 =	vor.u32 s24, v0;
	s24 =	smov.u32 s23;
	s23 =	smov.u32 s22  }
0x41: {  	s22 =	smov.u32 s28;
	v6 =	vmin.f32 v6, $1.023000000e+03;
	v13 =	vld.idx.msk [tilespmem:v3+s17+$0x0], $0xffff;
	v7 =	vsub.f32 v9, v7;
	v8 =	vsub.f32 v10, v8  }
0x42: {  	v9 =	vadd.f32 $1.000000000e+00, v4;
	v3 =	vtrunc.f32 v6;
	v5 =	vadd.f32 $1.000000000e+00, v5  }
0x43: {  	v4 =	vand.u32 $0x7FFFFFFF, v7;
	v6 =	vmul.f32 $5.000000000e-01, v7;
	v10 =	vmul.f32 $5.000000000e-01, v8  }
0x44: {  	v3 =	vcvt.f32.s32 v3;
	v14 =	vand.u32 $0x7FFFFFFF, v8;
	v15 =	vadd.f32 $-5.000000000e-01, v4  }
0x45: {  	v7 =	vmul.f32 v6, v7;
	v8 =	vmul.f32 v10, v8;
	v10 =	vadd.f32 $-5.000000000e-01, v14  }
0x46: {  	s29 =	sadd.s32 $0x10, s29;
	vm0 =	vlt.f32 v4, $1.000000000e+00;
	vm1 =	vlt.f32 v14, $1.000000000e+00;
	v11 =	vadd.f32 $1.000000000e+00, v11  }
.Ltmp0:
0x47: {  	s26 =	sadd.s32 $0x10, s26;
	v13 =	vadd.f32 $1.000000000e+00, v13;
	v6 =	vld [tilespmem:s29+$0x0];
	v7 =	vsel vm0, v7, v15;
	v8 =	vsel vm1, v8, v10;
	(pc) =	sbr.rel @p1 .LBB2_3-.Ltmp0, $4  }
0x48: {  	s25 =	sadd.s32 $0x10, s25;
	v9 =	vmul.f32 $5.000000000e-01, v9;
	v10 =	vmul.f32 $5.000000000e-01, v5;
	v4 =	vld [tilespmem:s26+$0x0];
	v14 =	vadd.f32 v8, v7  }
0x49: {  	v11 =	vmul.f32 $5.000000000e-01, v11;
	vm0 =	vlt.s32 v12, v1;
	v13 =	vmul.f32 $5.000000000e-01, v13;
	v5 =	vld [tilespmem:s25+$0x0]  }
0x4a: {  	v7 =	vmul.f32 $2.550000000e+02, v9;
	v8 =	vmul.f32 $2.550000000e+02, v10;
	v12 =	vnsel vm0, $0x0, v14  }
0x4b: {  	s28 =	sadd.s32 $0x10, s28;
	v9 =	vmul.f32 $2.550000000e+02, v11;
	v10 =	vmul.f32 $2.550000000e+02, v13;
	v2 =	vadd.f32 v12, v2  }
0x4c: {  	_ =	sdelay $0x1  }
0x4d: {  	v6 =	vmax.f32 v6, $0.0e+00  }
0x4e: {  	v6 =	vmin.f32 v6, $1.023000000e+03  }
0x4f: {  	v11 =	vld.idx.msk [tilespmem:v3+s15+$0x0], $0xffff;
	v6 =	vtrunc.f32 v6  }
0x50: {  	v3 =	vld.idx.msk [tilespmem:v3+s17+$0x0], $0xffff;
	v7 =	vsub.f32 v9, v7;
	v8 =	vsub.f32 v10, v8;
	v6 =	vcvt.f32.s32 v6  }
0x51: {  	v38 =	vor.u32 s24, v0;
	v4 =	vadd.f32 $1.000000000e+00, v4;
	v5 =	vadd.f32 $1.000000000e+00, v5  }
0x52: {  	s31 =	sadd.s32 $0x10, s25;
	v39 =	vand.u32 $0x7FFFFFFF, v7;
	v12 =	vmul.f32 $5.000000000e-01, v7;
	v13 =	vmul.f32 $5.000000000e-01, v8  }
0x53: {  	v42 =	vld [tilespmem:s31+$0x0];
	v14 =	vand.u32 $0x7FFFFFFF, v8;
	v4 =	vmul.f32 $5.000000000e-01, v4;
	v15 =	vadd.f32 $-5.000000000e-01, v39  }
0x54: {  	s30 =	sadd.s32 $0x10, s26;
	v40 =	vadd.f32 $-5.000000000e-01, v14;
	v5 =	vmul.f32 $5.000000000e-01, v5;
	v7 =	vmul.f32 v12, v7  }
0x55: {  	v41 =	vld [tilespmem:s30+$0x0];
	v8 =	vmul.f32 v13, v8;
	v11 =	vadd.f32 $1.000000000e+00, v11;
	v3 =	vadd.f32 $1.000000000e+00, v3  }
0x56: {  	vm0 =	vlt.f32 v39, $1.000000000e+00;
	v4 =	vmul.f32 $2.550000000e+02, v4;
	v5 =	vmul.f32 $2.550000000e+02, v5;
	v43 =	vld.idx.msk [tilespmem:v6+s15+$0x0], $0xffff  }
0x57: {  	vm9 =	vlt.f32 v14, $1.000000000e+00;
	v11 =	vmul.f32 $5.000000000e-01, v11;
	v3 =	vmul.f32 $5.000000000e-01, v3;
	v6 =	vld.idx.msk [tilespmem:v6+s17+$0x0], $0xffff  }
0x58: {  	v45 =	vadd.f32 $1.000000000e+00, v42;
	v7 =	vsel vm0, v7, v15;
	v8 =	vsel vm9, v8, v40  }
0x59: {  	v7 =	vadd.f32 v8, v7;
	v11 =	vmul.f32 $2.550000000e+02, v11;
	v3 =	vmul.f32 $2.550000000e+02, v3  }
0x5a: {  	vm10 =	vlt.s32 v38, v1;
	v44 =	vadd.f32 $1.000000000e+00, v41;
	v49 =	vmul.f32 $5.000000000e-01, v45  }
0x5b: {  	v7 =	vnsel vm10, $0x0, v7;
	v4 =	vsub.f32 v11, v4;
	v3 =	vsub.f32 v3, v5  }
0x5c: {  	v5 =	vmul.f32 $5.000000000e-01, v44;
	v48 =	vadd.f32 $1.000000000e+00, v43;
	v6 =	vadd.f32 $1.000000000e+00, v6  }
0x5d: {  	v2 =	vadd.f32 v7, v2;
	v7 =	vmul.f32 $2.550000000e+02, v49;
	v46 =	vmul.f32 $5.000000000e-01, v4  }
0x5e: {  	v50 =	vor.u32 s23, v0;
	v11 =	vmul.f32 $5.000000000e-01, v48;
	v6 =	vmul.f32 $5.000000000e-01, v6  }
0x5f: {  	v47 =	vmul.f32 $5.000000000e-01, v3;
	v51 =	vand.u32 $0x7FFFFFFF, v4;
	v5 =	vmul.f32 $2.550000000e+02, v5  }
0x60: {  	v52 =	vand.u32 $0x7FFFFFFF, v3;
	v11 =	vmul.f32 $2.550000000e+02, v11;
	v6 =	vmul.f32 $2.550000000e+02, v6  }
0x61: {  	v53 =	vadd.f32 $-5.000000000e-01, v51;
	v54 =	vadd.f32 $-5.000000000e-01, v52;
	v4 =	vmul.f32 v46, v4  }
0x62: {  	vm11 =	vlt.f32 v51, $1.000000000e+00;
	v5 =	vsub.f32 v11, v5;
	v6 =	vsub.f32 v6, v7  }
0x63: {  	vm1 =	vlt.f32 v52, $1.000000000e+00;
	v3 =	vmul.f32 v47, v3;
	v4 =	vsel vm11, v4, v53  }
0x64: {  	v55 =	vand.u32 $0x7FFFFFFF, v5;
	v56 =	vmul.f32 $5.000000000e-01, v5;
	v57 =	vmul.f32 $5.000000000e-01, v6  }
0x65: {  	v3 =	vsel vm1, v3, v54;
	v58 =	vand.u32 $0x7FFFFFFF, v6;
	v59 =	vadd.f32 $-5.000000000e-01, v55  }
0x66: {  	v60 =	vadd.f32 $-5.000000000e-01, v58;
	v5 =	vmul.f32 v56, v5;
	v6 =	vmul.f32 v57, v6  }
0x67: {  	v3 =	vadd.f32 v3, v4;
	vm12 =	vlt.f32 v55, $1.000000000e+00;
	vm13 =	vlt.f32 v58, $1.000000000e+00  }
0x68: {  	vm14 =	vlt.s32 v50, v1;
	v61 =	vsel vm12, v5, v59;
	v62 =	vsel vm13, v6, v60  }
0x69: {  	v63 =	vor.u32 s22, v0;
	v3 =	vnsel vm14, $0x0, v3;
	v4 =	vadd.f32 v62, v61  }
0x6a: {  	vm15 =	vlt.s32 v63, v1;
	v2 =	vadd.f32 v3, v2  }
0x6b: {  	v1 =	vnsel vm15, $0x0, v4  }
0x6c: {  	v1 =	vadd.f32 v1, v2;
	_ =	sdelay $0x1  }
0x6d: {  	s21 =	sadd.s32 s10, s21;
	[tilespmem:$0x1480] =	vst v1  }
0x6e: {  	[hbm4b:s21+s1] =	stream.linear.scatter [tilespmem:s19], [sflag:$0x1], $0x80, $0x38;
	[tilespmem:$0x1500] =	vst v63  }
.Ltmp1:
0x6f: {  	_ = 	snop;
	(pc) =	sbr.rel @p0 .LBB2_2-.Ltmp1, $4  }
0x70: {  	s21 =	simm.s32 $0x1  }
0x71: {  	_ =	swait.ge [sflag:s21], $0x80  }
0x72: {  	[sflag:s21] =	ssyncset.done $0x0  }
0x73: {  	p1 =	por $0x0, $0x0;
	[sflag:s21] =	ssyncadd.s32 $0xFFFFFF80  }
0x74: {  	s20 =	sadd.s32 $0x1, s20  }
0x75: {  	p0 =	sne.s32 s20, s13  }
.Ltmp2:
0x76: {  	_ = 	snop;
	(pc) =	sbr.rel @p0 .LBB2_1-.Ltmp2, $1  }
0x77: {  	_ =	sdelay $0x3  }
0x78: {  	_ =	sfence.sel $0x180000  }
0x79: {  	[bflag:$0x0] =	sbarrier.arrive $0xFFFF  }
0x7a: {  	p0 =	sne.s32 s2, $0x0;
	_ =	strace $0x9000004A  }
0x7b: {  	s0 =	sadd.s32 @!p0 $0x100000, s0;
	[bflag:$0x2] =	sbarrier.arrive $0xFFFF  }
0x7c: {  	[sflag:s0] =	ssyncadd.tile.s32 @!p0 $0x1;
	_ =	shalt  }
.Lfunc_end2:
_tile_overlayer_lowered:
.L_overlay_start_2:
0x7d: {  	(tag) =	ssettag $0x2  }
0x7e: {  	s0 =	rddreg [dreg:$0x0];
	s2 =	stileid.u32  }
0x7f: {  	s1 =	rddreg [dreg:$0x1];
	p0 =	sne.s32 s2, $0x0  }
0x80: {  	s3 =	rddreg [dreg:$0x2];
	[bflag:$0x3] =	sbarrier.arrive $0xFFFF;
	s2 =	simm.s32 @!p0 $0x1C01  }
0x81: {  	[timem:s3], [sflag:s2] =	dma.local @!p0 [hbm:s0], s1  }
0x82: {  	s0 =	simm.s32 @!p0 $0x1  }
0x83: {  	_ =	swait.ge @!p0 [sflag:s0], s1  }
0x84: {  	s1 =	ssub.s32 @!p0 $0x0, s1;
	[sflag:s0] =	ssyncset.done @!p0 $0x0  }
0x85: {  	[sflag:s0] =	ssyncadd.s32 @!p0 s1  }
0x86: {  	[bflag:$0x3] =	sbarrier.arrive $0xFFFF  }
0x87: {  	_ =	shalt  }

</sc_bundles>
